<compile_context>
chip_gen: v7x
topology: tpu7x:2x2x1
jax: 0.10.2.dev20260603
libtpu: 0.0.44.dev20260713+nightly
codegen_flags: <defaults>
</compile_context>

<pallas_src>
import functools

import jax
import jax.numpy as jnp
from jax import lax
from jax.experimental import pallas as pl
from jax.experimental.pallas import tpu as pltpu
from jax.experimental.pallas import tpu_sc as plsc

N = 10000
E = 320000
D_IN = 128
D_H = 256
D_OUT = 128

NCORE = 2
NSUB = 16
NW = NCORE * NSUB
EPW = E // NW
NB = 80
BB = EPW // NB
NBH = NB // 2
RPT = N // NSUB
BN = 2000
ZCH = 120

_sc_mesh = plsc.VectorSubcoreMesh(core_axis_name="c", subcore_axis_name="s")


ROWS_A = 624
ROWS_LAST = N - ROWS_A * (NSUB - 1)


def _sliced_rows(s, fn):
    @pl.when(s < NSUB - 1)
    def _():
        fn(pl.multiple_of(s * ROWS_A, 8), ROWS_A)

    @pl.when(s == NSUB - 1)
    def _():
        fn(ROWS_A * (NSUB - 1), ROWS_LAST)


def _zero_rows(zbuf, dst, o, r):
    for k in range(0, r, ZCH):
        n = min(ZCH, r - k)
        pltpu.sync_copy(zbuf.at[pl.ds(0, n)], dst.at[pl.ds(o + k, n)])



@functools.partial(
    pl.kernel,
    mesh=_sc_mesh,
    out_type=jax.ShapeDtypeStruct((NCORE, N, 128), jnp.float32),
    scratch_types=[
        pltpu.VMEM((NBH, BB), jnp.int32),
        pltpu.VMEM((NBH, BB), jnp.int32),
        pltpu.VMEM((BB, 128), jnp.float32),
        pltpu.VMEM((BB, 128), jnp.float32),
        pltpu.VMEM_SHARED((N, 128), jnp.float32),
    ],
)
def _deg_kernel(src_hbm, dst_hbm, vconst_hbm, zmat_hbm, out_hbm,
                src_v, dst_v, vs, vd, hist):
    c = lax.axis_index("c")
    s = lax.axis_index("s")
    w = c * NSUB + s
    pltpu.sync_copy(zmat_hbm, vs)
    _sliced_rows(s, lambda o, r: _zero_rows(vs, hist, o, r))
    pltpu.sync_copy(vconst_hbm.at[0], vs)
    pltpu.sync_copy(vconst_hbm.at[1], vd)
    plsc.subcore_barrier()
    for h in range(2):
        pltpu.sync_copy(src_hbm.at[w, pl.ds(h * NBH, NBH)], src_v)
        pltpu.sync_copy(dst_hbm.at[w, pl.ds(h * NBH, NBH)], dst_v)

        def body(j, _):
            pltpu.sync_copy(vs, hist.at[src_v.at[j]], add=True)
            pltpu.sync_copy(vd, hist.at[dst_v.at[j]], add=True)
            return 0

        lax.fori_loop(0, NBH, body, 0)
    plsc.subcore_barrier()
    _sliced_rows(s, lambda o, r: pltpu.sync_copy(
        hist.at[pl.ds(o, r)], out_hbm.at[c, pl.ds(o, r)]))



@functools.partial(
    pl.kernel,
    mesh=_sc_mesh,
    out_type=jax.ShapeDtypeStruct((NCORE, N, 128), jnp.float32),
    scratch_types=[
        pltpu.VMEM((NBH, BB), jnp.int32),
        pltpu.VMEM((NBH, BB), jnp.int32),
        pltpu.VMEM((BB, 128), jnp.float32),
        pltpu.VMEM((BB, 128), jnp.float32),
        pltpu.VMEM_SHARED((N, 128), jnp.float32),
        pltpu.SemaphoreType.DMA,
        pltpu.SemaphoreType.DMA,
    ],
)
def _spmm_kernel(h_hbm, src_hbm, dst_hbm, zmat_hbm, out_hbm,
                 src_v, dst_v, gbuf0, gbuf1, agg_sh, gsem0, gsem1):
    c = lax.axis_index("c")
    s = lax.axis_index("s")
    w = c * NSUB + s
    pltpu.sync_copy(zmat_hbm, gbuf0)
    _sliced_rows(s, lambda o, r: _zero_rows(gbuf0, agg_sh, o, r))
    plsc.subcore_barrier()

    for h in range(2):
        pltpu.sync_copy(src_hbm.at[w, pl.ds(h * NBH, NBH)], src_v)
        pltpu.sync_copy(dst_hbm.at[w, pl.ds(h * NBH, NBH)], dst_v)
        pltpu.async_copy(h_hbm.at[src_v.at[0]], gbuf0, gsem0)

        def body(jj, _):
            j = 2 * jj
            pltpu.make_async_copy(h_hbm.at[src_v.at[j]], gbuf0, gsem0).wait()
            pltpu.async_copy(h_hbm.at[src_v.at[j + 1]], gbuf1, gsem1)
            pltpu.sync_copy(gbuf0, agg_sh.at[dst_v.at[j]], add=True)
            pltpu.make_async_copy(
                h_hbm.at[src_v.at[j + 1]], gbuf1, gsem1).wait()

            @pl.when(jj < NBH // 2 - 1)
            def _():
                pltpu.async_copy(h_hbm.at[src_v.at[j + 2]], gbuf0, gsem0)

            pltpu.sync_copy(gbuf1, agg_sh.at[dst_v.at[j + 1]], add=True)
            return 0

        lax.fori_loop(0, NBH // 2, body, 0)
    plsc.subcore_barrier()
    _sliced_rows(s, lambda o, r: pltpu.sync_copy(
        agg_sh.at[pl.ds(o, r)], out_hbm.at[c, pl.ds(o, r)]))



def _prep_body(hist_ref, x_ref, xs_ref, ns_ref, nd_ref):
    h = hist_ref[...]
    deg_o = (h[0] + h[1])[:, 0:1]
    deg_i = (h[0] + h[1])[:, 8:9]
    ns = lax.rsqrt(jnp.maximum(deg_o, 1.0))
    nd = lax.rsqrt(jnp.maximum(deg_i, 1.0))
    xs_ref[...] = x_ref[...] * ns
    ns_ref[...] = ns
    nd_ref[...] = nd


def _prep_call(hist3, x):
    return pl.pallas_call(
        _prep_body,
        grid=(N // BN,),
        in_specs=[
            pl.BlockSpec((NCORE, BN, 128), lambda i: (0, i, 0)),
            pl.BlockSpec((BN, D_IN), lambda i: (i, 0)),
        ],
        out_specs=[
            pl.BlockSpec((BN, D_IN), lambda i: (i, 0)),
            pl.BlockSpec((BN, 1), lambda i: (i, 0)),
            pl.BlockSpec((BN, 1), lambda i: (i, 0)),
        ],
        out_shape=[
            jax.ShapeDtypeStruct((N, D_IN), jnp.float32),
            jax.ShapeDtypeStruct((N, 1), jnp.float32),
            jax.ShapeDtypeStruct((N, 1), jnp.float32),
        ],
    )(hist3, x)



def _mid_body(p_ref, w1_ref, b1_ref, ns_ref, nd_ref, w2_ref, h2_ref):
    p = p_ref[0] + p_ref[1]
    a = jnp.dot(p, w1_ref[...], preferred_element_type=jnp.float32)
    o1 = a * nd_ref[...] + b1_ref[...]
    r = jnp.maximum(o1, 0.0) * ns_ref[...]
    h2_ref[...] = jnp.dot(r, w2_ref[...], preferred_element_type=jnp.float32)


def _mid_call(p, W1, b1r, ns, nd, W2):
    return pl.pallas_call(
        _mid_body,
        grid=(N // BN,),
        in_specs=[
            pl.BlockSpec((NCORE, BN, 128), lambda i: (0, i, 0)),
            pl.BlockSpec((D_IN, D_H), lambda i: (0, 0)),
            pl.BlockSpec((1, D_H), lambda i: (0, 0)),
            pl.BlockSpec((BN, 1), lambda i: (i, 0)),
            pl.BlockSpec((BN, 1), lambda i: (i, 0)),
            pl.BlockSpec((D_H, D_OUT), lambda i: (0, 0)),
        ],
        out_specs=pl.BlockSpec((BN, D_OUT), lambda i: (i, 0)),
        out_shape=jax.ShapeDtypeStruct((N, D_OUT), jnp.float32),
    )(p, W1, b1r, ns, nd, W2)



def _fin_body(q_ref, nd_ref, b2_ref, o_ref):
    o_ref[...] = (q_ref[0] + q_ref[1]) * nd_ref[...] + b2_ref[...]


def _fin_call(q, nd, b2r):
    return pl.pallas_call(
        _fin_body,
        grid=(N // BN,),
        in_specs=[
            pl.BlockSpec((NCORE, BN, D_OUT), lambda i: (0, i, 0)),
            pl.BlockSpec((BN, 1), lambda i: (i, 0)),
            pl.BlockSpec((1, D_OUT), lambda i: (0, 0)),
        ],
        out_specs=pl.BlockSpec((BN, D_OUT), lambda i: (i, 0)),
        out_shape=jax.ShapeDtypeStruct((N, D_OUT), jnp.float32),
    )(q, nd, b2r)



def kernel(features, edge_index, W1, b1, W2, b2):
    ei = edge_index.astype(jnp.int32)
    src4 = ei[0].reshape(NW, NB, BB)
    dst4 = ei[1].reshape(NW, NB, BB)
    lane = lax.broadcasted_iota(jnp.int32, (2, BB, 128), 2)
    half = lax.broadcasted_iota(jnp.int32, (2, BB, 128), 0)
    vconst = jnp.where((lane // 8) == half, 1.0, 0.0).astype(jnp.float32)
    zmat = jnp.zeros((BB, 128), jnp.float32)

    hist3 = _deg_kernel(src4, dst4, vconst, zmat)
    xs, ns, nd = _prep_call(hist3, features)
    p = _spmm_kernel(xs, src4, dst4, zmat)
    h2 = _mid_call(p, W1, b1.reshape(1, D_H), ns, nd, W2)
    q = _spmm_kernel(h2, src4, dst4, zmat)
    return _fin_call(q, nd, b2.reshape(1, D_OUT))

# --- scband reference (transcript-rebuilt; emitter-appended) ---
"""Pipeline reference for scband-dglgraph-conv-88587995448100 (READ-ONLY COPY).

The authoritative reference and input builder live on the scoring server;
editing this copy changes nothing except your own understanding.
"""

import jax, jax.numpy as jnp
import numpy as np

N = 10000
E = 320000
D_IN = 128
D_H = 256
D_OUT = 128


def setup_inputs(seed: int = 0) -> dict:
    key = jax.random.key(seed)
    ks = jax.random.split(key, 5)
    features = jax.random.normal(ks[0], (N, D_IN), dtype=jnp.float32)
    edge_index = jax.random.randint(ks[1], (2, E), 0, N)
    W1 = jax.random.normal(ks[2], (D_IN, D_H), dtype=jnp.float32) * (1.0 / np.sqrt(D_IN))
    b1 = jnp.zeros((D_H,), dtype=jnp.float32)
    W2 = jax.random.normal(ks[3], (D_H, D_OUT), dtype=jnp.float32) * (1.0 / np.sqrt(D_H))
    b2 = jnp.zeros((D_OUT,), dtype=jnp.float32)
    return {"features": features, "edge_index": edge_index, "W1": W1, "b1": b1, "W2": W2, "b2": b2}


def _gcn_layer(x, src, dst, W, b):
    # DGL GraphConv with norm='both': out = D_in^{-1/2} A D_out^{-1/2} X W + b
    # degrees clamped to min 1 (allow_zero_in_degree=True semantics)
    ones_e = jnp.ones((src.shape[0],), dtype=jnp.float32)
    deg_out = jax.ops.segment_sum(ones_e, src, num_segments=N)
    deg_in = jax.ops.segment_sum(ones_e, dst, num_segments=N)
    norm_src = jnp.power(jnp.clip(deg_out, 1.0, None), -0.5)
    norm_dst = jnp.power(jnp.clip(deg_in, 1.0, None), -0.5)
    h = x * norm_src[:, None]
    # apply weight before aggregation (mathematically identical, matches DGL when in_feats > out_feats path; linear op commutes with sum)
    h = h @ W
    msg = jnp.take(h, src, axis=0)
    agg = jax.ops.segment_sum(msg, dst, num_segments=N)
    return agg * norm_dst[:, None] + b


def reference(features, edge_index, W1, b1, W2, b2):
    src = edge_index[0]
    dst = edge_index[1]
    h = _gcn_layer(features, src, dst, W1, b1)
    h = jax.nn.relu(h)
    # dropout: identity in eval mode (training=False)
    out = _gcn_layer(h, src, dst, W2, b2)
    return out

if __name__ == "__main__":
    import jax
    _d = setup_inputs()
    print(jax.jit(kernel)(*tuple(_d.values())))

</pallas_src>

<mosaic_0001>
#map = affine_map<(d0, d1) -> (0, 0)>
#map1 = affine_map<(d0, d1) -> (0, 0, 0)>
module attributes {stable_mosaic.version = 14 : i64} {
  func.func @_spmm_kernel(%arg0: i32, %arg1: i32, %arg2: memref<10000x128xf32, #tpu.memory_space<hbm>>, %arg3: memref<32x80x125xi32, #tpu.memory_space<hbm>>, %arg4: memref<32x80x125xi32, #tpu.memory_space<hbm>>, %arg5: memref<125x128xf32, #tpu.memory_space<hbm>>, %arg6: memref<2x10000x128xf32, #tpu.memory_space<hbm>>, %arg7: memref<40x125xi32, #tpu.memory_space<vmem>>, %arg8: memref<40x125xi32, #tpu.memory_space<vmem>>, %arg9: memref<125x128xf32, #tpu.memory_space<vmem>>, %arg10: memref<125x128xf32, #tpu.memory_space<vmem>>, %arg11: memref<10000x128xf32, #tpu.memory_space<vmem_shared>>, %arg12: memref<!tpu.dma_semaphore, #tpu.memory_space<semaphore_mem>>, %arg13: memref<!tpu.dma_semaphore, #tpu.memory_space<semaphore_mem>>) attributes {dimension_semantics = [#tpu.dimension_semantics<core_parallel>, #tpu.dimension_semantics<subcore_parallel>], iteration_bounds = array<i64: 2, 16>, scalar_prefetch = 0 : i64, scratch_operands = 7 : i64, tpu.core_type = #tpu.core_type<sc_vector_subcore>, window_params = [{transform_indices = #map}, {transform_indices = #map1}, {transform_indices = #map1}, {transform_indices = #map}, {transform_indices = #map1}]} {
    %mul3A = arith.constant 16 : i32
    %mul3A_0 = arith.muli %arg0, %mul3A : i32
    %add3A = arith.addi %mul3A_0, %arg1 : i32
    "tpu.region"() ({
      %run_scoped3A = tpu.sem_alloc : memref<!tpu.dma_semaphore, #tpu.memory_space<semaphore_mem>>
      tpu.enqueue_dma source(%arg5 : memref<125x128xf32, #tpu.memory_space<hbm>>) target(%arg9 : memref<125x128xf32, #tpu.memory_space<vmem>>) target_semaphore(%run_scoped3A : memref<!tpu.dma_semaphore, #tpu.memory_space<semaphore_mem>>)
      tpu.wait_dma2 semaphore(%run_scoped3A : memref<!tpu.dma_semaphore, #tpu.memory_space<semaphore_mem>>) src(%arg5 : memref<125x128xf32, #tpu.memory_space<hbm>>) dst(%arg9 : memref<125x128xf32, #tpu.memory_space<vmem>>)
      tpu.yield
    }) : () -> ()
    %lt3A = arith.constant 15 : i32
    %lt3A_1 = arith.cmpi slt, %arg1, %lt3A : i32
    %convert_element_type3A = arith.extui %lt3A_1 : i1 to i32
    %cond3A = arith.constant 0 : i32
    %cond3A_2 = arith.cmpi ne, %convert_element_type3A, %cond3A : i32
    scf.if %cond3A_2 {
      %mul3A_44 = arith.constant 624 : i32
      %mul3A_45 = arith.muli %arg1, %mul3A_44 : i32
      %multiple_of3A = tpu.assume_multiple %mul3A_45, 8 : i32
      %add3A_46 = arith.constant 0 : i32
      %add3A_47 = arith.addi %multiple_of3A, %add3A_46 : i32
      "tpu.region"() ({
        %run_scoped3A = tpu.sem_alloc : memref<!tpu.dma_semaphore, #tpu.memory_space<semaphore_mem>>
        %dma_start3A_58 = arith.constant 0 : i32
        %dma_start3A_59 = arith.constant 0 : i32
        %dma_start3A_60 = tpu.memref_slice %arg9[%dma_start3A_58, %dma_start3A_59] : memref<125x128xf32, #tpu.memory_space<vmem>> -> memref<120x128xf32, #tpu.memory_space<vmem>>
        %dma_start3A_61 = arith.constant 0 : i32
        %dma_start3A_62 = tpu.memref_slice %arg11[%add3A_47, %dma_start3A_61] : memref<10000x128xf32, #tpu.memory_space<vmem_shared>> -> memref<120x128xf32, #tpu.memory_space<vmem_shared>>
        %dma_start3A_63 = arith.constant 0 : i32
        %dma_start3A_64 = tpu.memref_slice %arg11[%add3A_47, %dma_start3A_63] : memref<10000x128xf32, #tpu.memory_space<vmem_shared>> -> memref<120x128xf32, #tpu.memory_space<vmem_shared>>
        %dma_start3A_65 = arith.constant 0 : i32
        %dma_start3A_66 = arith.constant 0 : i32
        %dma_start3A_67 = tpu.memref_slice %arg9[%dma_start3A_65, %dma_start3A_66] : memref<125x128xf32, #tpu.memory_space<vmem>> -> memref<120x128xf32, #tpu.memory_space<vmem>>
        tpu.enqueue_dma source(%dma_start3A_67 : memref<120x128xf32, #tpu.memory_space<vmem>>) target(%dma_start3A_64 : memref<120x128xf32, #tpu.memory_space<vmem_shared>>) target_semaphore(%run_scoped3A : memref<!tpu.dma_semaphore, #tpu.memory_space<semaphore_mem>>)
        %dma_wait3A = arith.constant 0 : i32
        %dma_wait3A_68 = arith.constant 0 : i32
        %dma_wait3A_69 = tpu.memref_slice %arg9[%dma_wait3A, %dma_wait3A_68] : memref<125x128xf32, #tpu.memory_space<vmem>> -> memref<120x128xf32, #tpu.memory_space<vmem>>
        %dma_wait3A_70 = arith.constant 0 : i32
        %dma_wait3A_71 = tpu.memref_slice %arg11[%add3A_47, %dma_wait3A_70] : memref<10000x128xf32, #tpu.memory_space<vmem_shared>> -> memref<120x128xf32, #tpu.memory_space<vmem_shared>>
        %dma_wait3A_72 = arith.constant 0 : i32
        %dma_wait3A_73 = tpu.memref_slice %arg11[%add3A_47, %dma_wait3A_72] : memref<10000x128xf32, #tpu.memory_space<vmem_shared>> -> memref<120x128xf32, #tpu.memory_space<vmem_shared>>
        %dma_wait3A_74 = arith.constant 0 : i32
        %dma_wait3A_75 = arith.constant 0 : i32
        %dma_wait3A_76 = tpu.memref_slice %arg9[%dma_wait3A_74, %dma_wait3A_75] : memref<125x128xf32, #tpu.memory_space<vmem>> -> memref<120x128xf32, #tpu.memory_space<vmem>>
        tpu.wait_dma2 semaphore(%run_scoped3A : memref<!tpu.dma_semaphore, #tpu.memory_space<semaphore_mem>>) src(%dma_wait3A_76 : memref<120x128xf32, #tpu.memory_space<vmem>>) dst(%dma_wait3A_73 : memref<120x128xf32, #tpu.memory_space<vmem_shared>>)
        tpu.yield
      }) : () -> ()
      %add3A_48 = arith.constant 120 : i32
      %add3A_49 = arith.addi %multiple_of3A, %add3A_48 : i32
      "tpu.region"() ({
        %run_scoped3A = tpu.sem_alloc : memref<!tpu.dma_semaphore, #tpu.memory_space<semaphore_mem>>
        %dma_start3A_58 = arith.constant 0 : i32
        %dma_start3A_59 = arith.constant 0 : i32
        %dma_start3A_60 = tpu.memref_slice %arg9[%dma_start3A_58, %dma_start3A_59] : memref<125x128xf32, #tpu.memory_space<vmem>> -> memref<120x128xf32, #tpu.memory_space<vmem>>
        %dma_start3A_61 = arith.constant 0 : i32
        %dma_start3A_62 = tpu.memref_slice %arg11[%add3A_49, %dma_start3A_61] : memref<10000x128xf32, #tpu.memory_space<vmem_shared>> -> memref<120x128xf32, #tpu.memory_space<vmem_shared>>
        %dma_start3A_63 = arith.constant 0 : i32
        %dma_start3A_64 = tpu.memref_slice %arg11[%add3A_49, %dma_start3A_63] : memref<10000x128xf32, #tpu.memory_space<vmem_shared>> -> memref<120x128xf32, #tpu.memory_space<vmem_shared>>
        %dma_start3A_65 = arith.constant 0 : i32
        %dma_start3A_66 = arith.constant 0 : i32
        %dma_start3A_67 = tpu.memref_slice %arg9[%dma_start3A_65, %dma_start3A_66] : memref<125x128xf32, #tpu.memory_space<vmem>> -> memref<120x128xf32, #tpu.memory_space<vmem>>
        tpu.enqueue_dma source(%dma_start3A_67 : memref<120x128xf32, #tpu.memory_space<vmem>>) target(%dma_start3A_64 : memref<120x128xf32, #tpu.memory_space<vmem_shared>>) target_semaphore(%run_scoped3A : memref<!tpu.dma_semaphore, #tpu.memory_space<semaphore_mem>>)
        %dma_wait3A = arith.constant 0 : i32
        %dma_wait3A_68 = arith.constant 0 : i32
        %dma_wait3A_69 = tpu.memref_slice %arg9[%dma_wait3A, %dma_wait3A_68] : memref<125x128xf32, #tpu.memory_space<vmem>> -> memref<120x128xf32, #tpu.memory_space<vmem>>
        %dma_wait3A_70 = arith.constant 0 : i32
        %dma_wait3A_71 = tpu.memref_slice %arg11[%add3A_49, %dma_wait3A_70] : memref<10000x128xf32, #tpu.memory_space<vmem_shared>> -> memref<120x128xf32, #tpu.memory_space<vmem_shared>>
        %dma_wait3A_72 = arith.constant 0 : i32
        %dma_wait3A_73 = tpu.memref_slice %arg11[%add3A_49, %dma_wait3A_72] : memref<10000x128xf32, #tpu.memory_space<vmem_shared>> -> memref<120x128xf32, #tpu.memory_space<vmem_shared>>
        %dma_wait3A_74 = arith.constant 0 : i32
        %dma_wait3A_75 = arith.constant 0 : i32
        %dma_wait3A_76 = tpu.memref_slice %arg9[%dma_wait3A_74, %dma_wait3A_75] : memref<125x128xf32, #tpu.memory_space<vmem>> -> memref<120x128xf32, #tpu.memory_space<vmem>>
        tpu.wait_dma2 semaphore(%run_scoped3A : memref<!tpu.dma_semaphore, #tpu.memory_space<semaphore_mem>>) src(%dma_wait3A_76 : memref<120x128xf32, #tpu.memory_space<vmem>>) dst(%dma_wait3A_73 : memref<120x128xf32, #tpu.memory_space<vmem_shared>>)
        tpu.yield
      }) : () -> ()
      %add3A_50 = arith.constant 240 : i32
      %add3A_51 = arith.addi %multiple_of3A, %add3A_50 : i32
      "tpu.region"() ({
        %run_scoped3A = tpu.sem_alloc : memref<!tpu.dma_semaphore, #tpu.memory_space<semaphore_mem>>
        %dma_start3A_58 = arith.constant 0 : i32
        %dma_start3A_59 = arith.constant 0 : i32
        %dma_start3A_60 = tpu.memref_slice %arg9[%dma_start3A_58, %dma_start3A_59] : memref<125x128xf32, #tpu.memory_space<vmem>> -> memref<120x128xf32, #tpu.memory_space<vmem>>
        %dma_start3A_61 = arith.constant 0 : i32
        %dma_start3A_62 = tpu.memref_slice %arg11[%add3A_51, %dma_start3A_61] : memref<10000x128xf32, #tpu.memory_space<vmem_shared>> -> memref<120x128xf32, #tpu.memory_space<vmem_shared>>
        %dma_start3A_63 = arith.constant 0 : i32
        %dma_start3A_64 = tpu.memref_slice %arg11[%add3A_51, %dma_start3A_63] : memref<10000x128xf32, #tpu.memory_space<vmem_shared>> -> memref<120x128xf32, #tpu.memory_space<vmem_shared>>
        %dma_start3A_65 = arith.constant 0 : i32
        %dma_start3A_66 = arith.constant 0 : i32
        %dma_start3A_67 = tpu.memref_slice %arg9[%dma_start3A_65, %dma_start3A_66] : memref<125x128xf32, #tpu.memory_space<vmem>> -> memref<120x128xf32, #tpu.memory_space<vmem>>
        tpu.enqueue_dma source(%dma_start3A_67 : memref<120x128xf32, #tpu.memory_space<vmem>>) target(%dma_start3A_64 : memref<120x128xf32, #tpu.memory_space<vmem_shared>>) target_semaphore(%run_scoped3A : memref<!tpu.dma_semaphore, #tpu.memory_space<semaphore_mem>>)
        %dma_wait3A = arith.constant 0 : i32
        %dma_wait3A_68 = arith.constant 0 : i32
        %dma_wait3A_69 = tpu.memref_slice %arg9[%dma_wait3A, %dma_wait3A_68] : memref<125x128xf32, #tpu.memory_space<vmem>> -> memref<120x128xf32, #tpu.memory_space<vmem>>
        %dma_wait3A_70 = arith.constant 0 : i32
        %dma_wait3A_71 = tpu.memref_slice %arg11[%add3A_51, %dma_wait3A_70] : memref<10000x128xf32, #tpu.memory_space<vmem_shared>> -> memref<120x128xf32, #tpu.memory_space<vmem_shared>>
        %dma_wait3A_72 = arith.constant 0 : i32
        %dma_wait3A_73 = tpu.memref_slice %arg11[%add3A_51, %dma_wait3A_72] : memref<10000x128xf32, #tpu.memory_space<vmem_shared>> -> memref<120x128xf32, #tpu.memory_space<vmem_shared>>
        %dma_wait3A_74 = arith.constant 0 : i32
        %dma_wait3A_75 = arith.constant 0 : i32
        %dma_wait3A_76 = tpu.memref_slice %arg9[%dma_wait3A_74, %dma_wait3A_75] : memref<125x128xf32, #tpu.memory_space<vmem>> -> memref<120x128xf32, #tpu.memory_space<vmem>>
        tpu.wait_dma2 semaphore(%run_scoped3A : memref<!tpu.dma_semaphore, #tpu.memory_space<semaphore_mem>>) src(%dma_wait3A_76 : memref<120x128xf32, #tpu.memory_space<vmem>>) dst(%dma_wait3A_73 : memref<120x128xf32, #tpu.memory_space<vmem_shared>>)
        tpu.yield
      }) : () -> ()
      %add3A_52 = arith.constant 360 : i32
      %add3A_53 = arith.addi %multiple_of3A, %add3A_52 : i32
      "tpu.region"() ({
        %run_scoped3A = tpu.sem_alloc : memref<!tpu.dma_semaphore, #tpu.memory_space<semaphore_mem>>
        %dma_start3A_58 = arith.constant 0 : i32
        %dma_start3A_59 = arith.constant 0 : i32
        %dma_start3A_60 = tpu.memref_slice %arg9[%dma_start3A_58, %dma_start3A_59] : memref<125x128xf32, #tpu.memory_space<vmem>> -> memref<120x128xf32, #tpu.memory_space<vmem>>
        %dma_start3A_61 = arith.constant 0 : i32
        %dma_start3A_62 = tpu.memref_slice %arg11[%add3A_53, %dma_start3A_61] : memref<10000x128xf32, #tpu.memory_space<vmem_shared>> -> memref<120x128xf32, #tpu.memory_space<vmem_shared>>
        %dma_start3A_63 = arith.constant 0 : i32
        %dma_start3A_64 = tpu.memref_slice %arg11[%add3A_53, %dma_start3A_63] : memref<10000x128xf32, #tpu.memory_space<vmem_shared>> -> memref<120x128xf32, #tpu.memory_space<vmem_shared>>
        %dma_start3A_65 = arith.constant 0 : i32
        %dma_start3A_66 = arith.constant 0 : i32
        %dma_start3A_67 = tpu.memref_slice %arg9[%dma_start3A_65, %dma_start3A_66] : memref<125x128xf32, #tpu.memory_space<vmem>> -> memref<120x128xf32, #tpu.memory_space<vmem>>
        tpu.enqueue_dma source(%dma_start3A_67 : memref<120x128xf32, #tpu.memory_space<vmem>>) target(%dma_start3A_64 : memref<120x128xf32, #tpu.memory_space<vmem_shared>>) target_semaphore(%run_scoped3A : memref<!tpu.dma_semaphore, #tpu.memory_space<semaphore_mem>>)
        %dma_wait3A = arith.constant 0 : i32
        %dma_wait3A_68 = arith.constant 0 : i32
        %dma_wait3A_69 = tpu.memref_slice %arg9[%dma_wait3A, %dma_wait3A_68] : memref<125x128xf32, #tpu.memory_space<vmem>> -> memref<120x128xf32, #tpu.memory_space<vmem>>
        %dma_wait3A_70 = arith.constant 0 : i32
        %dma_wait3A_71 = tpu.memref_slice %arg11[%add3A_53, %dma_wait3A_70] : memref<10000x128xf32, #tpu.memory_space<vmem_shared>> -> memref<120x128xf32, #tpu.memory_space<vmem_shared>>
        %dma_wait3A_72 = arith.constant 0 : i32
        %dma_wait3A_73 = tpu.memref_slice %arg11[%add3A_53, %dma_wait3A_72] : memref<10000x128xf32, #tpu.memory_space<vmem_shared>> -> memref<120x128xf32, #tpu.memory_space<vmem_shared>>
        %dma_wait3A_74 = arith.constant 0 : i32
        %dma_wait3A_75 = arith.constant 0 : i32
        %dma_wait3A_76 = tpu.memref_slice %arg9[%dma_wait3A_74, %dma_wait3A_75] : memref<125x128xf32, #tpu.memory_space<vmem>> -> memref<120x128xf32, #tpu.memory_space<vmem>>
        tpu.wait_dma2 semaphore(%run_scoped3A : memref<!tpu.dma_semaphore, #tpu.memory_space<semaphore_mem>>) src(%dma_wait3A_76 : memref<120x128xf32, #tpu.memory_space<vmem>>) dst(%dma_wait3A_73 : memref<120x128xf32, #tpu.memory_space<vmem_shared>>)
        tpu.yield
      }) : () -> ()
      %add3A_54 = arith.constant 480 : i32
      %add3A_55 = arith.addi %multiple_of3A, %add3A_54 : i32
      "tpu.region"() ({
        %run_scoped3A = tpu.sem_alloc : memref<!tpu.dma_semaphore, #tpu.memory_space<semaphore_mem>>
        %dma_start3A_58 = arith.constant 0 : i32
        %dma_start3A_59 = arith.constant 0 : i32
        %dma_start3A_60 = tpu.memref_slice %arg9[%dma_start3A_58, %dma_start3A_59] : memref<125x128xf32, #tpu.memory_space<vmem>> -> memref<120x128xf32, #tpu.memory_space<vmem>>
        %dma_start3A_61 = arith.constant 0 : i32
        %dma_start3A_62 = tpu.memref_slice %arg11[%add3A_55, %dma_start3A_61] : memref<10000x128xf32, #tpu.memory_space<vmem_shared>> -> memref<120x128xf32, #tpu.memory_space<vmem_shared>>
        %dma_start3A_63 = arith.constant 0 : i32
        %dma_start3A_64 = tpu.memref_slice %arg11[%add3A_55, %dma_start3A_63] : memref<10000x128xf32, #tpu.memory_space<vmem_shared>> -> memref<120x128xf32, #tpu.memory_space<vmem_shared>>
        %dma_start3A_65 = arith.constant 0 : i32
        %dma_start3A_66 = arith.constant 0 : i32
        %dma_start3A_67 = tpu.memref_slice %arg9[%dma_start3A_65, %dma_start3A_66] : memref<125x128xf32, #tpu.memory_space<vmem>> -> memref<120x128xf32, #tpu.memory_space<vmem>>
        tpu.enqueue_dma source(%dma_start3A_67 : memref<120x128xf32, #tpu.memory_space<vmem>>) target(%dma_start3A_64 : memref<120x128xf32, #tpu.memory_space<vmem_shared>>) target_semaphore(%run_scoped3A : memref<!tpu.dma_semaphore, #tpu.memory_space<semaphore_mem>>)
        %dma_wait3A = arith.constant 0 : i32
        %dma_wait3A_68 = arith.constant 0 : i32
        %dma_wait3A_69 = tpu.memref_slice %arg9[%dma_wait3A, %dma_wait3A_68] : memref<125x128xf32, #tpu.memory_space<vmem>> -> memref<120x128xf32, #tpu.memory_space<vmem>>
        %dma_wait3A_70 = arith.constant 0 : i32
        %dma_wait3A_71 = tpu.memref_slice %arg11[%add3A_55, %dma_wait3A_70] : memref<10000x128xf32, #tpu.memory_space<vmem_shared>> -> memref<120x128xf32, #tpu.memory_space<vmem_shared>>
        %dma_wait3A_72 = arith.constant 0 : i32
        %dma_wait3A_73 = tpu.memref_slice %arg11[%add3A_55, %dma_wait3A_72] : memref<10000x128xf32, #tpu.memory_space<vmem_shared>> -> memref<120x128xf32, #tpu.memory_space<vmem_shared>>
        %dma_wait3A_74 = arith.constant 0 : i32
        %dma_wait3A_75 = arith.constant 0 : i32
        %dma_wait3A_76 = tpu.memref_slice %arg9[%dma_wait3A_74, %dma_wait3A_75] : memref<125x128xf32, #tpu.memory_space<vmem>> -> memref<120x128xf32, #tpu.memory_space<vmem>>
        tpu.wait_dma2 semaphore(%run_scoped3A : memref<!tpu.dma_semaphore, #tpu.memory_space<semaphore_mem>>) src(%dma_wait3A_76 : memref<120x128xf32, #tpu.memory_space<vmem>>) dst(%dma_wait3A_73 : memref<120x128xf32, #tpu.memory_space<vmem_shared>>)
        tpu.yield
      }) : () -> ()
      %add3A_56 = arith.constant 600 : i32
      %add3A_57 = arith.addi %multiple_of3A, %add3A_56 : i32
      "tpu.region"() ({
        %run_scoped3A = tpu.sem_alloc : memref<!tpu.dma_semaphore, #tpu.memory_space<semaphore_mem>>
        %dma_start3A_58 = arith.constant 0 : i32
        %dma_start3A_59 = arith.constant 0 : i32
        %dma_start3A_60 = tpu.memref_slice %arg9[%dma_start3A_58, %dma_start3A_59] : memref<125x128xf32, #tpu.memory_space<vmem>> -> memref<24x128xf32, #tpu.memory_space<vmem>>
        %dma_start3A_61 = arith.constant 0 : i32
        %dma_start3A_62 = tpu.memref_slice %arg11[%add3A_57, %dma_start3A_61] : memref<10000x128xf32, #tpu.memory_space<vmem_shared>> -> memref<24x128xf32, #tpu.memory_space<vmem_shared>>
        %dma_start3A_63 = arith.constant 0 : i32
        %dma_start3A_64 = tpu.memref_slice %arg11[%add3A_57, %dma_start3A_63] : memref<10000x128xf32, #tpu.memory_space<vmem_shared>> -> memref<24x128xf32, #tpu.memory_space<vmem_shared>>
        %dma_start3A_65 = arith.constant 0 : i32
        %dma_start3A_66 = arith.constant 0 : i32
        %dma_start3A_67 = tpu.memref_slice %arg9[%dma_start3A_65, %dma_start3A_66] : memref<125x128xf32, #tpu.memory_space<vmem>> -> memref<24x128xf32, #tpu.memory_space<vmem>>
        tpu.enqueue_dma source(%dma_start3A_67 : memref<24x128xf32, #tpu.memory_space<vmem>>) target(%dma_start3A_64 : memref<24x128xf32, #tpu.memory_space<vmem_shared>>) target_semaphore(%run_scoped3A : memref<!tpu.dma_semaphore, #tpu.memory_space<semaphore_mem>>)
        %dma_wait3A = arith.constant 0 : i32
        %dma_wait3A_68 = arith.constant 0 : i32
        %dma_wait3A_69 = tpu.memref_slice %arg9[%dma_wait3A, %dma_wait3A_68] : memref<125x128xf32, #tpu.memory_space<vmem>> -> memref<24x128xf32, #tpu.memory_space<vmem>>
        %dma_wait3A_70 = arith.constant 0 : i32
        %dma_wait3A_71 = tpu.memref_slice %arg11[%add3A_57, %dma_wait3A_70] : memref<10000x128xf32, #tpu.memory_space<vmem_shared>> -> memref<24x128xf32, #tpu.memory_space<vmem_shared>>
        %dma_wait3A_72 = arith.constant 0 : i32
        %dma_wait3A_73 = tpu.memref_slice %arg11[%add3A_57, %dma_wait3A_72] : memref<10000x128xf32, #tpu.memory_space<vmem_shared>> -> memref<24x128xf32, #tpu.memory_space<vmem_shared>>
        %dma_wait3A_74 = arith.constant 0 : i32
        %dma_wait3A_75 = arith.constant 0 : i32
        %dma_wait3A_76 = tpu.memref_slice %arg9[%dma_wait3A_74, %dma_wait3A_75] : memref<125x128xf32, #tpu.memory_space<vmem>> -> memref<24x128xf32, #tpu.memory_space<vmem>>
        tpu.wait_dma2 semaphore(%run_scoped3A : memref<!tpu.dma_semaphore, #tpu.memory_space<semaphore_mem>>) src(%dma_wait3A_76 : memref<24x128xf32, #tpu.memory_space<vmem>>) dst(%dma_wait3A_73 : memref<24x128xf32, #tpu.memory_space<vmem_shared>>)
        tpu.yield
      }) : () -> ()
    } else {
    }
    %eq3A = arith.constant 15 : i32
    %eq3A_3 = arith.cmpi eq, %arg1, %eq3A : i32
    %convert_element_type3A_4 = arith.extui %eq3A_3 : i1 to i32
    %cond3A_5 = arith.constant 0 : i32
    %cond3A_6 = arith.cmpi ne, %convert_element_type3A_4, %cond3A_5 : i32
    scf.if %cond3A_6 {
      "tpu.region"() ({
        %run_scoped3A = tpu.sem_alloc : memref<!tpu.dma_semaphore, #tpu.memory_space<semaphore_mem>>
        %dma_start3A_44 = arith.constant 0 : i32
        %dma_start3A_45 = arith.constant 0 : i32
        %dma_start3A_46 = tpu.memref_slice %arg9[%dma_start3A_44, %dma_start3A_45] : memref<125x128xf32, #tpu.memory_space<vmem>> -> memref<120x128xf32, #tpu.memory_space<vmem>>
        %dma_start3A_47 = arith.constant 9360 : i32
        %dma_start3A_48 = arith.constant 0 : i32
        %dma_start3A_49 = tpu.memref_slice %arg11[%dma_start3A_47, %dma_start3A_48] : memref<10000x128xf32, #tpu.memory_space<vmem_shared>> -> memref<120x128xf32, #tpu.memory_space<vmem_shared>>
        %dma_start3A_50 = arith.constant 9360 : i32
        %dma_start3A_51 = arith.constant 0 : i32
        %dma_start3A_52 = tpu.memref_slice %arg11[%dma_start3A_50, %dma_start3A_51] : memref<10000x128xf32, #tpu.memory_space<vmem_shared>> -> memref<120x128xf32, #tpu.memory_space<vmem_shared>>
        %dma_start3A_53 = arith.constant 0 : i32
        %dma_start3A_54 = arith.constant 0 : i32
        %dma_start3A_55 = tpu.memref_slice %arg9[%dma_start3A_53, %dma_start3A_54] : memref<125x128xf32, #tpu.memory_space<vmem>> -> memref<120x128xf32, #tpu.memory_space<vmem>>
        tpu.enqueue_dma source(%dma_start3A_55 : memref<120x128xf32, #tpu.memory_space<vmem>>) target(%dma_start3A_52 : memref<120x128xf32, #tpu.memory_space<vmem_shared>>) target_semaphore(%run_scoped3A : memref<!tpu.dma_semaphore, #tpu.memory_space<semaphore_mem>>)
        %dma_wait3A = arith.constant 0 : i32
        %dma_wait3A_56 = arith.constant 0 : i32
        %dma_wait3A_57 = tpu.memref_slice %arg9[%dma_wait3A, %dma_wait3A_56] : memref<125x128xf32, #tpu.memory_space<vmem>> -> memref<120x128xf32, #tpu.memory_space<vmem>>
        %dma_wait3A_58 = arith.constant 9360 : i32
        %dma_wait3A_59 = arith.constant 0 : i32
        %dma_wait3A_60 = tpu.memref_slice %arg11[%dma_wait3A_58, %dma_wait3A_59] : memref<10000x128xf32, #tpu.memory_space<vmem_shared>> -> memref<120x128xf32, #tpu.memory_space<vmem_shared>>
        %dma_wait3A_61 = arith.constant 9360 : i32
        %dma_wait3A_62 = arith.constant 0 : i32
        %dma_wait3A_63 = tpu.memref_slice %arg11[%dma_wait3A_61, %dma_wait3A_62] : memref<10000x128xf32, #tpu.memory_space<vmem_shared>> -> memref<120x128xf32, #tpu.memory_space<vmem_shared>>
        %dma_wait3A_64 = arith.constant 0 : i32
        %dma_wait3A_65 = arith.constant 0 : i32
        %dma_wait3A_66 = tpu.memref_slice %arg9[%dma_wait3A_64, %dma_wait3A_65] : memref<125x128xf32, #tpu.memory_space<vmem>> -> memref<120x128xf32, #tpu.memory_space<vmem>>
        tpu.wait_dma2 semaphore(%run_scoped3A : memref<!tpu.dma_semaphore, #tpu.memory_space<semaphore_mem>>) src(%dma_wait3A_66 : memref<120x128xf32, #tpu.memory_space<vmem>>) dst(%dma_wait3A_63 : memref<120x128xf32, #tpu.memory_space<vmem_shared>>)
        tpu.yield
      }) : () -> ()
      "tpu.region"() ({
        %run_scoped3A = tpu.sem_alloc : memref<!tpu.dma_semaphore, #tpu.memory_space<semaphore_mem>>
        %dma_start3A_44 = arith.constant 0 : i32
        %dma_start3A_45 = arith.constant 0 : i32
        %dma_start3A_46 = tpu.memref_slice %arg9[%dma_start3A_44, %dma_start3A_45] : memref<125x128xf32, #tpu.memory_space<vmem>> -> memref<120x128xf32, #tpu.memory_space<vmem>>
        %dma_start3A_47 = arith.constant 9480 : i32
        %dma_start3A_48 = arith.constant 0 : i32
        %dma_start3A_49 = tpu.memref_slice %arg11[%dma_start3A_47, %dma_start3A_48] : memref<10000x128xf32, #tpu.memory_space<vmem_shared>> -> memref<120x128xf32, #tpu.memory_space<vmem_shared>>
        %dma_start3A_50 = arith.constant 9480 : i32
        %dma_start3A_51 = arith.constant 0 : i32
        %dma_start3A_52 = tpu.memref_slice %arg11[%dma_start3A_50, %dma_start3A_51] : memref<10000x128xf32, #tpu.memory_space<vmem_shared>> -> memref<120x128xf32, #tpu.memory_space<vmem_shared>>
        %dma_start3A_53 = arith.constant 0 : i32
        %dma_start3A_54 = arith.constant 0 : i32
        %dma_start3A_55 = tpu.memref_slice %arg9[%dma_start3A_53, %dma_start3A_54] : memref<125x128xf32, #tpu.memory_space<vmem>> -> memref<120x128xf32, #tpu.memory_space<vmem>>
        tpu.enqueue_dma source(%dma_start3A_55 : memref<120x128xf32, #tpu.memory_space<vmem>>) target(%dma_start3A_52 : memref<120x128xf32, #tpu.memory_space<vmem_shared>>) target_semaphore(%run_scoped3A : memref<!tpu.dma_semaphore, #tpu.memory_space<semaphore_mem>>)
        %dma_wait3A = arith.constant 0 : i32
        %dma_wait3A_56 = arith.constant 0 : i32
        %dma_wait3A_57 = tpu.memref_slice %arg9[%dma_wait3A, %dma_wait3A_56] : memref<125x128xf32, #tpu.memory_space<vmem>> -> memref<120x128xf32, #tpu.memory_space<vmem>>
        %dma_wait3A_58 = arith.constant 9480 : i32
        %dma_wait3A_59 = arith.constant 0 : i32
        %dma_wait3A_60 = tpu.memref_slice %arg11[%dma_wait3A_58, %dma_wait3A_59] : memref<10000x128xf32, #tpu.memory_space<vmem_shared>> -> memref<120x128xf32, #tpu.memory_space<vmem_shared>>
        %dma_wait3A_61 = arith.constant 9480 : i32
        %dma_wait3A_62 = arith.constant 0 : i32
        %dma_wait3A_63 = tpu.memref_slice %arg11[%dma_wait3A_61, %dma_wait3A_62] : memref<10000x128xf32, #tpu.memory_space<vmem_shared>> -> memref<120x128xf32, #tpu.memory_space<vmem_shared>>
        %dma_wait3A_64 = arith.constant 0 : i32
        %dma_wait3A_65 = arith.constant 0 : i32
        %dma_wait3A_66 = tpu.memref_slice %arg9[%dma_wait3A_64, %dma_wait3A_65] : memref<125x128xf32, #tpu.memory_space<vmem>> -> memref<120x128xf32, #tpu.memory_space<vmem>>
        tpu.wait_dma2 semaphore(%run_scoped3A : memref<!tpu.dma_semaphore, #tpu.memory_space<semaphore_mem>>) src(%dma_wait3A_66 : memref<120x128xf32, #tpu.memory_space<vmem>>) dst(%dma_wait3A_63 : memref<120x128xf32, #tpu.memory_space<vmem_shared>>)
        tpu.yield
      }) : () -> ()
      "tpu.region"() ({
        %run_scoped3A = tpu.sem_alloc : memref<!tpu.dma_semaphore, #tpu.memory_space<semaphore_mem>>
        %dma_start3A_44 = arith.constant 0 : i32
        %dma_start3A_45 = arith.constant 0 : i32
        %dma_start3A_46 = tpu.memref_slice %arg9[%dma_start3A_44, %dma_start3A_45] : memref<125x128xf32, #tpu.memory_space<vmem>> -> memref<120x128xf32, #tpu.memory_space<vmem>>
        %dma_start3A_47 = arith.constant 9600 : i32
        %dma_start3A_48 = arith.constant 0 : i32
        %dma_start3A_49 = tpu.memref_slice %arg11[%dma_start3A_47, %dma_start3A_48] : memref<10000x128xf32, #tpu.memory_space<vmem_shared>> -> memref<120x128xf32, #tpu.memory_space<vmem_shared>>
        %dma_start3A_50 = arith.constant 9600 : i32
        %dma_start3A_51 = arith.constant 0 : i32
        %dma_start3A_52 = tpu.memref_slice %arg11[%dma_start3A_50, %dma_start3A_51] : memref<10000x128xf32, #tpu.memory_space<vmem_shared>> -> memref<120x128xf32, #tpu.memory_space<vmem_shared>>
        %dma_start3A_53 = arith.constant 0 : i32
        %dma_start3A_54 = arith.constant 0 : i32
        %dma_start3A_55 = tpu.memref_slice %arg9[%dma_start3A_53, %dma_start3A_54] : memref<125x128xf32, #tpu.memory_space<vmem>> -> memref<120x128xf32, #tpu.memory_space<vmem>>
        tpu.enqueue_dma source(%dma_start3A_55 : memref<120x128xf32, #tpu.memory_space<vmem>>) target(%dma_start3A_52 : memref<120x128xf32, #tpu.memory_space<vmem_shared>>) target_semaphore(%run_scoped3A : memref<!tpu.dma_semaphore, #tpu.memory_space<semaphore_mem>>)
        %dma_wait3A = arith.constant 0 : i32
        %dma_wait3A_56 = arith.constant 0 : i32
        %dma_wait3A_57 = tpu.memref_slice %arg9[%dma_wait3A, %dma_wait3A_56] : memref<125x128xf32, #tpu.memory_space<vmem>> -> memref<120x128xf32, #tpu.memory_space<vmem>>
        %dma_wait3A_58 = arith.constant 9600 : i32
        %dma_wait3A_59 = arith.constant 0 : i32
        %dma_wait3A_60 = tpu.memref_slice %arg11[%dma_wait3A_58, %dma_wait3A_59] : memref<10000x128xf32, #tpu.memory_space<vmem_shared>> -> memref<120x128xf32, #tpu.memory_space<vmem_shared>>
        %dma_wait3A_61 = arith.constant 9600 : i32
        %dma_wait3A_62 = arith.constant 0 : i32
        %dma_wait3A_63 = tpu.memref_slice %arg11[%dma_wait3A_61, %dma_wait3A_62] : memref<10000x128xf32, #tpu.memory_space<vmem_shared>> -> memref<120x128xf32, #tpu.memory_space<vmem_shared>>
        %dma_wait3A_64 = arith.constant 0 : i32
        %dma_wait3A_65 = arith.constant 0 : i32
        %dma_wait3A_66 = tpu.memref_slice %arg9[%dma_wait3A_64, %dma_wait3A_65] : memref<125x128xf32, #tpu.memory_space<vmem>> -> memref<120x128xf32, #tpu.memory_space<vmem>>
        tpu.wait_dma2 semaphore(%run_scoped3A : memref<!tpu.dma_semaphore, #tpu.memory_space<semaphore_mem>>) src(%dma_wait3A_66 : memref<120x128xf32, #tpu.memory_space<vmem>>) dst(%dma_wait3A_63 : memref<120x128xf32, #tpu.memory_space<vmem_shared>>)
        tpu.yield
      }) : () -> ()
      "tpu.region"() ({
        %run_scoped3A = tpu.sem_alloc : memref<!tpu.dma_semaphore, #tpu.memory_space<semaphore_mem>>
        %dma_start3A_44 = arith.constant 0 : i32
        %dma_start3A_45 = arith.constant 0 : i32
        %dma_start3A_46 = tpu.memref_slice %arg9[%dma_start3A_44, %dma_start3A_45] : memref<125x128xf32, #tpu.memory_space<vmem>> -> memref<120x128xf32, #tpu.memory_space<vmem>>
        %dma_start3A_47 = arith.constant 9720 : i32
        %dma_start3A_48 = arith.constant 0 : i32
        %dma_start3A_49 = tpu.memref_slice %arg11[%dma_start3A_47, %dma_start3A_48] : memref<10000x128xf32, #tpu.memory_space<vmem_shared>> -> memref<120x128xf32, #tpu.memory_space<vmem_shared>>
        %dma_start3A_50 = arith.constant 9720 : i32
        %dma_start3A_51 = arith.constant 0 : i32
        %dma_start3A_52 = tpu.memref_slice %arg11[%dma_start3A_50, %dma_start3A_51] : memref<10000x128xf32, #tpu.memory_space<vmem_shared>> -> memref<120x128xf32, #tpu.memory_space<vmem_shared>>
        %dma_start3A_53 = arith.constant 0 : i32
        %dma_start3A_54 = arith.constant 0 : i32
        %dma_start3A_55 = tpu.memref_slice %arg9[%dma_start3A_53, %dma_start3A_54] : memref<125x128xf32, #tpu.memory_space<vmem>> -> memref<120x128xf32, #tpu.memory_space<vmem>>
        tpu.enqueue_dma source(%dma_start3A_55 : memref<120x128xf32, #tpu.memory_space<vmem>>) target(%dma_start3A_52 : memref<120x128xf32, #tpu.memory_space<vmem_shared>>) target_semaphore(%run_scoped3A : memref<!tpu.dma_semaphore, #tpu.memory_space<semaphore_mem>>)
        %dma_wait3A = arith.constant 0 : i32
        %dma_wait3A_56 = arith.constant 0 : i32
        %dma_wait3A_57 = tpu.memref_slice %arg9[%dma_wait3A, %dma_wait3A_56] : memref<125x128xf32, #tpu.memory_space<vmem>> -> memref<120x128xf32, #tpu.memory_space<vmem>>
        %dma_wait3A_58 = arith.constant 9720 : i32
        %dma_wait3A_59 = arith.constant 0 : i32
        %dma_wait3A_60 = tpu.memref_slice %arg11[%dma_wait3A_58, %dma_wait3A_59] : memref<10000x128xf32, #tpu.memory_space<vmem_shared>> -> memref<120x128xf32, #tpu.memory_space<vmem_shared>>
        %dma_wait3A_61 = arith.constant 9720 : i32
        %dma_wait3A_62 = arith.constant 0 : i32
        %dma_wait3A_63 = tpu.memref_slice %arg11[%dma_wait3A_61, %dma_wait3A_62] : memref<10000x128xf32, #tpu.memory_space<vmem_shared>> -> memref<120x128xf32, #tpu.memory_space<vmem_shared>>
        %dma_wait3A_64 = arith.constant 0 : i32
        %dma_wait3A_65 = arith.constant 0 : i32
        %dma_wait3A_66 = tpu.memref_slice %arg9[%dma_wait3A_64, %dma_wait3A_65] : memref<125x128xf32, #tpu.memory_space<vmem>> -> memref<120x128xf32, #tpu.memory_space<vmem>>
        tpu.wait_dma2 semaphore(%run_scoped3A : memref<!tpu.dma_semaphore, #tpu.memory_space<semaphore_mem>>) src(%dma_wait3A_66 : memref<120x128xf32, #tpu.memory_space<vmem>>) dst(%dma_wait3A_63 : memref<120x128xf32, #tpu.memory_space<vmem_shared>>)
        tpu.yield
      }) : () -> ()
      "tpu.region"() ({
        %run_scoped3A = tpu.sem_alloc : memref<!tpu.dma_semaphore, #tpu.memory_space<semaphore_mem>>
        %dma_start3A_44 = arith.constant 0 : i32
        %dma_start3A_45 = arith.constant 0 : i32
        %dma_start3A_46 = tpu.memref_slice %arg9[%dma_start3A_44, %dma_start3A_45] : memref<125x128xf32, #tpu.memory_space<vmem>> -> memref<120x128xf32, #tpu.memory_space<vmem>>
        %dma_start3A_47 = arith.constant 9840 : i32
        %dma_start3A_48 = arith.constant 0 : i32
        %dma_start3A_49 = tpu.memref_slice %arg11[%dma_start3A_47, %dma_start3A_48] : memref<10000x128xf32, #tpu.memory_space<vmem_shared>> -> memref<120x128xf32, #tpu.memory_space<vmem_shared>>
        %dma_start3A_50 = arith.constant 9840 : i32
        %dma_start3A_51 = arith.constant 0 : i32
        %dma_start3A_52 = tpu.memref_slice %arg11[%dma_start3A_50, %dma_start3A_51] : memref<10000x128xf32, #tpu.memory_space<vmem_shared>> -> memref<120x128xf32, #tpu.memory_space<vmem_shared>>
        %dma_start3A_53 = arith.constant 0 : i32
        %dma_start3A_54 = arith.constant 0 : i32
        %dma_start3A_55 = tpu.memref_slice %arg9[%dma_start3A_53, %dma_start3A_54] : memref<125x128xf32, #tpu.memory_space<vmem>> -> memref<120x128xf32, #tpu.memory_space<vmem>>
        tpu.enqueue_dma source(%dma_start3A_55 : memref<120x128xf32, #tpu.memory_space<vmem>>) target(%dma_start3A_52 : memref<120x128xf32, #tpu.memory_space<vmem_shared>>) target_semaphore(%run_scoped3A : memref<!tpu.dma_semaphore, #tpu.memory_space<semaphore_mem>>)
        %dma_wait3A = arith.constant 0 : i32
        %dma_wait3A_56 = arith.constant 0 : i32
        %dma_wait3A_57 = tpu.memref_slice %arg9[%dma_wait3A, %dma_wait3A_56] : memref<125x128xf32, #tpu.memory_space<vmem>> -> memref<120x128xf32, #tpu.memory_space<vmem>>
        %dma_wait3A_58 = arith.constant 9840 : i32
        %dma_wait3A_59 = arith.constant 0 : i32
        %dma_wait3A_60 = tpu.memref_slice %arg11[%dma_wait3A_58, %dma_wait3A_59] : memref<10000x128xf32, #tpu.memory_space<vmem_shared>> -> memref<120x128xf32, #tpu.memory_space<vmem_shared>>
        %dma_wait3A_61 = arith.constant 9840 : i32
        %dma_wait3A_62 = arith.constant 0 : i32
        %dma_wait3A_63 = tpu.memref_slice %arg11[%dma_wait3A_61, %dma_wait3A_62] : memref<10000x128xf32, #tpu.memory_space<vmem_shared>> -> memref<120x128xf32, #tpu.memory_space<vmem_shared>>
        %dma_wait3A_64 = arith.constant 0 : i32
        %dma_wait3A_65 = arith.constant 0 : i32
        %dma_wait3A_66 = tpu.memref_slice %arg9[%dma_wait3A_64, %dma_wait3A_65] : memref<125x128xf32, #tpu.memory_space<vmem>> -> memref<120x128xf32, #tpu.memory_space<vmem>>
        tpu.wait_dma2 semaphore(%run_scoped3A : memref<!tpu.dma_semaphore, #tpu.memory_space<semaphore_mem>>) src(%dma_wait3A_66 : memref<120x128xf32, #tpu.memory_space<vmem>>) dst(%dma_wait3A_63 : memref<120x128xf32, #tpu.memory_space<vmem_shared>>)
        tpu.yield
      }) : () -> ()
      "tpu.region"() ({
        %run_scoped3A = tpu.sem_alloc : memref<!tpu.dma_semaphore, #tpu.memory_space<semaphore_mem>>
        %dma_start3A_44 = arith.constant 0 : i32
        %dma_start3A_45 = arith.constant 0 : i32
        %dma_start3A_46 = tpu.memref_slice %arg9[%dma_start3A_44, %dma_start3A_45] : memref<125x128xf32, #tpu.memory_space<vmem>> -> memref<40x128xf32, #tpu.memory_space<vmem>>
        %dma_start3A_47 = arith.constant 9960 : i32
        %dma_start3A_48 = arith.constant 0 : i32
        %dma_start3A_49 = tpu.memref_slice %arg11[%dma_start3A_47, %dma_start3A_48] : memref<10000x128xf32, #tpu.memory_space<vmem_shared>> -> memref<40x128xf32, #tpu.memory_space<vmem_shared>>
        %dma_start3A_50 = arith.constant 9960 : i32
        %dma_start3A_51 = arith.constant 0 : i32
        %dma_start3A_52 = tpu.memref_slice %arg11[%dma_start3A_50, %dma_start3A_51] : memref<10000x128xf32, #tpu.memory_space<vmem_shared>> -> memref<40x128xf32, #tpu.memory_space<vmem_shared>>
        %dma_start3A_53 = arith.constant 0 : i32
        %dma_start3A_54 = arith.constant 0 : i32
        %dma_start3A_55 = tpu.memref_slice %arg9[%dma_start3A_53, %dma_start3A_54] : memref<125x128xf32, #tpu.memory_space<vmem>> -> memref<40x128xf32, #tpu.memory_space<vmem>>
        tpu.enqueue_dma source(%dma_start3A_55 : memref<40x128xf32, #tpu.memory_space<vmem>>) target(%dma_start3A_52 : memref<40x128xf32, #tpu.memory_space<vmem_shared>>) target_semaphore(%run_scoped3A : memref<!tpu.dma_semaphore, #tpu.memory_space<semaphore_mem>>)
        %dma_wait3A = arith.constant 0 : i32
        %dma_wait3A_56 = arith.constant 0 : i32
        %dma_wait3A_57 = tpu.memref_slice %arg9[%dma_wait3A, %dma_wait3A_56] : memref<125x128xf32, #tpu.memory_space<vmem>> -> memref<40x128xf32, #tpu.memory_space<vmem>>
        %dma_wait3A_58 = arith.constant 9960 : i32
        %dma_wait3A_59 = arith.constant 0 : i32
        %dma_wait3A_60 = tpu.memref_slice %arg11[%dma_wait3A_58, %dma_wait3A_59] : memref<10000x128xf32, #tpu.memory_space<vmem_shared>> -> memref<40x128xf32, #tpu.memory_space<vmem_shared>>
        %dma_wait3A_61 = arith.constant 9960 : i32
        %dma_wait3A_62 = arith.constant 0 : i32
        %dma_wait3A_63 = tpu.memref_slice %arg11[%dma_wait3A_61, %dma_wait3A_62] : memref<10000x128xf32, #tpu.memory_space<vmem_shared>> -> memref<40x128xf32, #tpu.memory_space<vmem_shared>>
        %dma_wait3A_64 = arith.constant 0 : i32
        %dma_wait3A_65 = arith.constant 0 : i32
        %dma_wait3A_66 = tpu.memref_slice %arg9[%dma_wait3A_64, %dma_wait3A_65] : memref<125x128xf32, #tpu.memory_space<vmem>> -> memref<40x128xf32, #tpu.memory_space<vmem>>
        tpu.wait_dma2 semaphore(%run_scoped3A : memref<!tpu.dma_semaphore, #tpu.memory_space<semaphore_mem>>) src(%dma_wait3A_66 : memref<40x128xf32, #tpu.memory_space<vmem>>) dst(%dma_wait3A_63 : memref<40x128xf32, #tpu.memory_space<vmem_shared>>)
        tpu.yield
      }) : () -> ()
    } else {
    }
    %barrier3A = arith.constant 0 : index
    tpu.barrier barrier_id(%barrier3A)
    "tpu.region"() ({
      %run_scoped3A = tpu.sem_alloc : memref<!tpu.dma_semaphore, #tpu.memory_space<semaphore_mem>>
      %dma_start3A_44 = arith.constant 0 : i32
      %dma_start3A_45 = arith.constant 0 : i32
      %dma_start3A_46 = tpu.memref_slice %arg3[%add3A, %dma_start3A_44, %dma_start3A_45] : memref<32x80x125xi32, #tpu.memory_space<hbm>> -> memref<1x40x125xi32, #tpu.memory_space<hbm>>
      %dma_start3A_47 = tpu.memref_squeeze %dma_start3A_46 : memref<1x40x125xi32, #tpu.memory_space<hbm>> -> memref<40x125xi32, #tpu.memory_space<hbm>>
      %dma_start3A_48 = arith.constant 0 : i32
      %dma_start3A_49 = arith.constant 0 : i32
      %dma_start3A_50 = tpu.memref_slice %arg3[%add3A, %dma_start3A_48, %dma_start3A_49] : memref<32x80x125xi32, #tpu.memory_space<hbm>> -> memref<1x40x125xi32, #tpu.memory_space<hbm>>
      %dma_start3A_51 = tpu.memref_squeeze %dma_start3A_50 : memref<1x40x125xi32, #tpu.memory_space<hbm>> -> memref<40x125xi32, #tpu.memory_space<hbm>>
      tpu.enqueue_dma source(%dma_start3A_51 : memref<40x125xi32, #tpu.memory_space<hbm>>) target(%arg7 : memref<40x125xi32, #tpu.memory_space<vmem>>) target_semaphore(%run_scoped3A : memref<!tpu.dma_semaphore, #tpu.memory_space<semaphore_mem>>)
      %dma_wait3A = arith.constant 0 : i32
      %dma_wait3A_52 = arith.constant 0 : i32
      %dma_wait3A_53 = tpu.memref_slice %arg3[%add3A, %dma_wait3A, %dma_wait3A_52] : memref<32x80x125xi32, #tpu.memory_space<hbm>> -> memref<1x40x125xi32, #tpu.memory_space<hbm>>
      %dma_wait3A_54 = tpu.memref_squeeze %dma_wait3A_53 : memref<1x40x125xi32, #tpu.memory_space<hbm>> -> memref<40x125xi32, #tpu.memory_space<hbm>>
      %dma_wait3A_55 = arith.constant 0 : i32
      %dma_wait3A_56 = arith.constant 0 : i32
      %dma_wait3A_57 = tpu.memref_slice %arg3[%add3A, %dma_wait3A_55, %dma_wait3A_56] : memref<32x80x125xi32, #tpu.memory_space<hbm>> -> memref<1x40x125xi32, #tpu.memory_space<hbm>>
      %dma_wait3A_58 = tpu.memref_squeeze %dma_wait3A_57 : memref<1x40x125xi32, #tpu.memory_space<hbm>> -> memref<40x125xi32, #tpu.memory_space<hbm>>
      tpu.wait_dma2 semaphore(%run_scoped3A : memref<!tpu.dma_semaphore, #tpu.memory_space<semaphore_mem>>) src(%dma_wait3A_58 : memref<40x125xi32, #tpu.memory_space<hbm>>) dst(%arg7 : memref<40x125xi32, #tpu.memory_space<vmem>>)
      tpu.yield
    }) : () -> ()
    "tpu.region"() ({
      %run_scoped3A = tpu.sem_alloc : memref<!tpu.dma_semaphore, #tpu.memory_space<semaphore_mem>>
      %dma_start3A_44 = arith.constant 0 : i32
      %dma_start3A_45 = arith.constant 0 : i32
      %dma_start3A_46 = tpu.memref_slice %arg4[%add3A, %dma_start3A_44, %dma_start3A_45] : memref<32x80x125xi32, #tpu.memory_space<hbm>> -> memref<1x40x125xi32, #tpu.memory_space<hbm>>
      %dma_start3A_47 = tpu.memref_squeeze %dma_start3A_46 : memref<1x40x125xi32, #tpu.memory_space<hbm>> -> memref<40x125xi32, #tpu.memory_space<hbm>>
      %dma_start3A_48 = arith.constant 0 : i32
      %dma_start3A_49 = arith.constant 0 : i32
      %dma_start3A_50 = tpu.memref_slice %arg4[%add3A, %dma_start3A_48, %dma_start3A_49] : memref<32x80x125xi32, #tpu.memory_space<hbm>> -> memref<1x40x125xi32, #tpu.memory_space<hbm>>
      %dma_start3A_51 = tpu.memref_squeeze %dma_start3A_50 : memref<1x40x125xi32, #tpu.memory_space<hbm>> -> memref<40x125xi32, #tpu.memory_space<hbm>>
      tpu.enqueue_dma source(%dma_start3A_51 : memref<40x125xi32, #tpu.memory_space<hbm>>) target(%arg8 : memref<40x125xi32, #tpu.memory_space<vmem>>) target_semaphore(%run_scoped3A : memref<!tpu.dma_semaphore, #tpu.memory_space<semaphore_mem>>)
      %dma_wait3A = arith.constant 0 : i32
      %dma_wait3A_52 = arith.constant 0 : i32
      %dma_wait3A_53 = tpu.memref_slice %arg4[%add3A, %dma_wait3A, %dma_wait3A_52] : memref<32x80x125xi32, #tpu.memory_space<hbm>> -> memref<1x40x125xi32, #tpu.memory_space<hbm>>
      %dma_wait3A_54 = tpu.memref_squeeze %dma_wait3A_53 : memref<1x40x125xi32, #tpu.memory_space<hbm>> -> memref<40x125xi32, #tpu.memory_space<hbm>>
      %dma_wait3A_55 = arith.constant 0 : i32
      %dma_wait3A_56 = arith.constant 0 : i32
      %dma_wait3A_57 = tpu.memref_slice %arg4[%add3A, %dma_wait3A_55, %dma_wait3A_56] : memref<32x80x125xi32, #tpu.memory_space<hbm>> -> memref<1x40x125xi32, #tpu.memory_space<hbm>>
      %dma_wait3A_58 = tpu.memref_squeeze %dma_wait3A_57 : memref<1x40x125xi32, #tpu.memory_space<hbm>> -> memref<40x125xi32, #tpu.memory_space<hbm>>
      tpu.wait_dma2 semaphore(%run_scoped3A : memref<!tpu.dma_semaphore, #tpu.memory_space<semaphore_mem>>) src(%dma_wait3A_58 : memref<40x125xi32, #tpu.memory_space<hbm>>) dst(%arg8 : memref<40x125xi32, #tpu.memory_space<vmem>>)
      tpu.yield
    }) : () -> ()
    %dma_start3A = arith.constant 0 : i32
    %dma_start3A_7 = arith.constant 0 : i32
    %dma_start3A_8 = tpu.memref_slice %arg7[%dma_start3A, %dma_start3A_7] : memref<40x125xi32, #tpu.memory_space<vmem>> -> memref<1x125xi32, #tpu.memory_space<vmem>>
    %dma_start3A_9 = tpu.memref_squeeze %dma_start3A_8 : memref<1x125xi32, #tpu.memory_space<vmem>> -> memref<125xi32, #tpu.memory_space<vmem>>
    %dma_start3A_10 = arith.constant 0 : i32
    %dma_start3A_11 = arith.constant 0 : i32
    %dma_start3A_12 = tpu.memref_slice %arg2[%dma_start3A_10, %dma_start3A_11] : memref<10000x128xf32, #tpu.memory_space<hbm>> -> memref<10000x128xf32, #tpu.memory_space<hbm>>
    tpu.enqueue_indirect_dma source(%dma_start3A_12 : memref<10000x128xf32, #tpu.memory_space<hbm>>) target(%arg9 : memref<125x128xf32, #tpu.memory_space<vmem>>) offsets(%dma_start3A_9 : memref<125xi32, #tpu.memory_space<vmem>>) semaphore(%arg12 : memref<!tpu.dma_semaphore, #tpu.memory_space<semaphore_mem>>)
    %scan3A = arith.constant 0 : i32
    %scan3A_13 = arith.constant 0 : i32
    %scan3A_14 = arith.constant 20 : i32
    %scan3A_15 = arith.addi %scan3A_13, %scan3A_14 : i32
    %scan3A_16 = arith.constant 1 : i32
    %scan3A_17 = scf.for %scan3A_44 = %scan3A_13 to %scan3A_15 step %scan3A_16 iter_args(%scan3A_45 = %scan3A) -> (i32)  : i32 {
      %mul3A_46 = arith.constant 2 : i32
      %mul3A_47 = arith.muli %mul3A_46, %scan3A_44 : i32
      %dma_wait3A = arith.constant 0 : i32
      %dma_wait3A_48 = tpu.memref_slice %arg7[%mul3A_47, %dma_wait3A] : memref<40x125xi32, #tpu.memory_space<vmem>> -> memref<1x125xi32, #tpu.memory_space<vmem>>
      %dma_wait3A_49 = tpu.memref_squeeze %dma_wait3A_48 : memref<1x125xi32, #tpu.memory_space<vmem>> -> memref<125xi32, #tpu.memory_space<vmem>>
      %dma_wait3A_50 = arith.constant 0 : i32
      %dma_wait3A_51 = arith.constant 0 : i32
      %dma_wait3A_52 = tpu.memref_slice %arg2[%dma_wait3A_50, %dma_wait3A_51] : memref<10000x128xf32, #tpu.memory_space<hbm>> -> memref<10000x128xf32, #tpu.memory_space<hbm>>
      tpu.wait_indirect_dma semaphore(%arg12 : memref<!tpu.dma_semaphore, #tpu.memory_space<semaphore_mem>>) src(%dma_wait3A_52 : memref<10000x128xf32, #tpu.memory_space<hbm>>) dst(%arg9 : memref<125x128xf32, #tpu.memory_space<vmem>>)
      %add3A_53 = arith.constant 1 : i32
      %add3A_54 = arith.addi %mul3A_47, %add3A_53 : i32
      %dma_start3A_55 = arith.constant 0 : i32
      %dma_start3A_56 = tpu.memref_slice %arg7[%add3A_54, %dma_start3A_55] : memref<40x125xi32, #tpu.memory_space<vmem>> -> memref<1x125xi32, #tpu.memory_space<vmem>>
      %dma_start3A_57 = tpu.memref_squeeze %dma_start3A_56 : memref<1x125xi32, #tpu.memory_space<vmem>> -> memref<125xi32, #tpu.memory_space<vmem>>
      %dma_start3A_58 = arith.constant 0 : i32
      %dma_start3A_59 = arith.constant 0 : i32
      %dma_start3A_60 = tpu.memref_slice %arg2[%dma_start3A_58, %dma_start3A_59] : memref<10000x128xf32, #tpu.memory_space<hbm>> -> memref<10000x128xf32, #tpu.memory_space<hbm>>
      tpu.enqueue_indirect_dma source(%dma_start3A_60 : memref<10000x128xf32, #tpu.memory_space<hbm>>) target(%arg10 : memref<125x128xf32, #tpu.memory_space<vmem>>) offsets(%dma_start3A_57 : memref<125xi32, #tpu.memory_space<vmem>>) semaphore(%arg13 : memref<!tpu.dma_semaphore, #tpu.memory_space<semaphore_mem>>)
      "tpu.region"() ({
        %run_scoped3A = tpu.sem_alloc : memref<!tpu.dma_semaphore, #tpu.memory_space<semaphore_mem>>
        %dma_start3A_77 = arith.constant 0 : i32
        %dma_start3A_78 = tpu.memref_slice %arg8[%mul3A_47, %dma_start3A_77] : memref<40x125xi32, #tpu.memory_space<vmem>> -> memref<1x125xi32, #tpu.memory_space<vmem>>
        %dma_start3A_79 = tpu.memref_squeeze %dma_start3A_78 : memref<1x125xi32, #tpu.memory_space<vmem>> -> memref<125xi32, #tpu.memory_space<vmem>>
        %dma_start3A_80 = arith.constant 0 : i32
        %dma_start3A_81 = arith.constant 0 : i32
        %dma_start3A_82 = tpu.memref_slice %arg11[%dma_start3A_80, %dma_start3A_81] : memref<10000x128xf32, #tpu.memory_space<vmem_shared>> -> memref<10000x128xf32, #tpu.memory_space<vmem_shared>>
        tpu.enqueue_indirect_dma source(%arg9 : memref<125x128xf32, #tpu.memory_space<vmem>>) target(%dma_start3A_82 : memref<10000x128xf32, #tpu.memory_space<vmem_shared>>) offsets(%dma_start3A_79 : memref<125xi32, #tpu.memory_space<vmem>>) semaphore(%run_scoped3A : memref<!tpu.dma_semaphore, #tpu.memory_space<semaphore_mem>>) {add = true}
        %dma_wait3A_83 = arith.constant 0 : i32
        %dma_wait3A_84 = tpu.memref_slice %arg8[%mul3A_47, %dma_wait3A_83] : memref<40x125xi32, #tpu.memory_space<vmem>> -> memref<1x125xi32, #tpu.memory_space<vmem>>
        %dma_wait3A_85 = tpu.memref_squeeze %dma_wait3A_84 : memref<1x125xi32, #tpu.memory_space<vmem>> -> memref<125xi32, #tpu.memory_space<vmem>>
        %dma_wait3A_86 = arith.constant 0 : i32
        %dma_wait3A_87 = arith.constant 0 : i32
        %dma_wait3A_88 = tpu.memref_slice %arg11[%dma_wait3A_86, %dma_wait3A_87] : memref<10000x128xf32, #tpu.memory_space<vmem_shared>> -> memref<10000x128xf32, #tpu.memory_space<vmem_shared>>
        tpu.wait_indirect_dma semaphore(%run_scoped3A : memref<!tpu.dma_semaphore, #tpu.memory_space<semaphore_mem>>) src(%arg9 : memref<125x128xf32, #tpu.memory_space<vmem>>) dst(%dma_wait3A_88 : memref<10000x128xf32, #tpu.memory_space<vmem_shared>>)
        tpu.yield
      }) : () -> ()
      %add3A_61 = arith.constant 1 : i32
      %add3A_62 = arith.addi %mul3A_47, %add3A_61 : i32
      %dma_wait3A_63 = arith.constant 0 : i32
      %dma_wait3A_64 = tpu.memref_slice %arg7[%add3A_62, %dma_wait3A_63] : memref<40x125xi32, #tpu.memory_space<vmem>> -> memref<1x125xi32, #tpu.memory_space<vmem>>
      %dma_wait3A_65 = tpu.memref_squeeze %dma_wait3A_64 : memref<1x125xi32, #tpu.memory_space<vmem>> -> memref<125xi32, #tpu.memory_space<vmem>>
      %dma_wait3A_66 = arith.constant 0 : i32
      %dma_wait3A_67 = arith.constant 0 : i32
      %dma_wait3A_68 = tpu.memref_slice %arg2[%dma_wait3A_66, %dma_wait3A_67] : memref<10000x128xf32, #tpu.memory_space<hbm>> -> memref<10000x128xf32, #tpu.memory_space<hbm>>
      tpu.wait_indirect_dma semaphore(%arg13 : memref<!tpu.dma_semaphore, #tpu.memory_space<semaphore_mem>>) src(%dma_wait3A_68 : memref<10000x128xf32, #tpu.memory_space<hbm>>) dst(%arg10 : memref<125x128xf32, #tpu.memory_space<vmem>>)
      %lt3A_69 = arith.constant 19 : i32
      %lt3A_70 = arith.cmpi slt, %scan3A_44, %lt3A_69 : i32
      %convert_element_type3A_71 = arith.extui %lt3A_70 : i1 to i32
      %cond3A_72 = arith.constant 0 : i32
      %cond3A_73 = arith.cmpi ne, %convert_element_type3A_71, %cond3A_72 : i32
      scf.if %cond3A_73 {
        %add3A_77 = arith.constant 2 : i32
        %add3A_78 = arith.addi %mul3A_47, %add3A_77 : i32
        %dma_start3A_79 = arith.constant 0 : i32
        %dma_start3A_80 = tpu.memref_slice %arg7[%add3A_78, %dma_start3A_79] : memref<40x125xi32, #tpu.memory_space<vmem>> -> memref<1x125xi32, #tpu.memory_space<vmem>>
        %dma_start3A_81 = tpu.memref_squeeze %dma_start3A_80 : memref<1x125xi32, #tpu.memory_space<vmem>> -> memref<125xi32, #tpu.memory_space<vmem>>
        %dma_start3A_82 = arith.constant 0 : i32
        %dma_start3A_83 = arith.constant 0 : i32
        %dma_start3A_84 = tpu.memref_slice %arg2[%dma_start3A_82, %dma_start3A_83] : memref<10000x128xf32, #tpu.memory_space<hbm>> -> memref<10000x128xf32, #tpu.memory_space<hbm>>
        tpu.enqueue_indirect_dma source(%dma_start3A_84 : memref<10000x128xf32, #tpu.memory_space<hbm>>) target(%arg9 : memref<125x128xf32, #tpu.memory_space<vmem>>) offsets(%dma_start3A_81 : memref<125xi32, #tpu.memory_space<vmem>>) semaphore(%arg12 : memref<!tpu.dma_semaphore, #tpu.memory_space<semaphore_mem>>)
      } else {
      }
      %add3A_74 = arith.constant 1 : i32
      %add3A_75 = arith.addi %mul3A_47, %add3A_74 : i32
      "tpu.region"() ({
        %run_scoped3A = tpu.sem_alloc : memref<!tpu.dma_semaphore, #tpu.memory_space<semaphore_mem>>
        %dma_start3A_77 = arith.constant 0 : i32
        %dma_start3A_78 = tpu.memref_slice %arg8[%add3A_75, %dma_start3A_77] : memref<40x125xi32, #tpu.memory_space<vmem>> -> memref<1x125xi32, #tpu.memory_space<vmem>>
        %dma_start3A_79 = tpu.memref_squeeze %dma_start3A_78 : memref<1x125xi32, #tpu.memory_space<vmem>> -> memref<125xi32, #tpu.memory_space<vmem>>
        %dma_start3A_80 = arith.constant 0 : i32
        %dma_start3A_81 = arith.constant 0 : i32
        %dma_start3A_82 = tpu.memref_slice %arg11[%dma_start3A_80, %dma_start3A_81] : memref<10000x128xf32, #tpu.memory_space<vmem_shared>> -> memref<10000x128xf32, #tpu.memory_space<vmem_shared>>
        tpu.enqueue_indirect_dma source(%arg10 : memref<125x128xf32, #tpu.memory_space<vmem>>) target(%dma_start3A_82 : memref<10000x128xf32, #tpu.memory_space<vmem_shared>>) offsets(%dma_start3A_79 : memref<125xi32, #tpu.memory_space<vmem>>) semaphore(%run_scoped3A : memref<!tpu.dma_semaphore, #tpu.memory_space<semaphore_mem>>) {add = true}
        %dma_wait3A_83 = arith.constant 0 : i32
        %dma_wait3A_84 = tpu.memref_slice %arg8[%add3A_75, %dma_wait3A_83] : memref<40x125xi32, #tpu.memory_space<vmem>> -> memref<1x125xi32, #tpu.memory_space<vmem>>
        %dma_wait3A_85 = tpu.memref_squeeze %dma_wait3A_84 : memref<1x125xi32, #tpu.memory_space<vmem>> -> memref<125xi32, #tpu.memory_space<vmem>>
        %dma_wait3A_86 = arith.constant 0 : i32
        %dma_wait3A_87 = arith.constant 0 : i32
        %dma_wait3A_88 = tpu.memref_slice %arg11[%dma_wait3A_86, %dma_wait3A_87] : memref<10000x128xf32, #tpu.memory_space<vmem_shared>> -> memref<10000x128xf32, #tpu.memory_space<vmem_shared>>
        tpu.wait_indirect_dma semaphore(%run_scoped3A : memref<!tpu.dma_semaphore, #tpu.memory_space<semaphore_mem>>) src(%arg10 : memref<125x128xf32, #tpu.memory_space<vmem>>) dst(%dma_wait3A_88 : memref<10000x128xf32, #tpu.memory_space<vmem_shared>>)
        tpu.yield
      }) : () -> ()
      %scan3A_76 = arith.constant 0 : i32
      scf.yield %scan3A_76 : i32
    }
    %scan3A_18 = arith.constant 20 : i32
    "tpu.region"() ({
      %run_scoped3A = tpu.sem_alloc : memref<!tpu.dma_semaphore, #tpu.memory_space<semaphore_mem>>
      %dma_start3A_44 = arith.constant 40 : i32
      %dma_start3A_45 = arith.constant 0 : i32
      %dma_start3A_46 = tpu.memref_slice %arg3[%add3A, %dma_start3A_44, %dma_start3A_45] : memref<32x80x125xi32, #tpu.memory_space<hbm>> -> memref<1x40x125xi32, #tpu.memory_space<hbm>>
      %dma_start3A_47 = tpu.memref_squeeze %dma_start3A_46 : memref<1x40x125xi32, #tpu.memory_space<hbm>> -> memref<40x125xi32, #tpu.memory_space<hbm>>
      %dma_start3A_48 = arith.constant 40 : i32
      %dma_start3A_49 = arith.constant 0 : i32
      %dma_start3A_50 = tpu.memref_slice %arg3[%add3A, %dma_start3A_48, %dma_start3A_49] : memref<32x80x125xi32, #tpu.memory_space<hbm>> -> memref<1x40x125xi32, #tpu.memory_space<hbm>>
      %dma_start3A_51 = tpu.memref_squeeze %dma_start3A_50 : memref<1x40x125xi32, #tpu.memory_space<hbm>> -> memref<40x125xi32, #tpu.memory_space<hbm>>
      tpu.enqueue_dma source(%dma_start3A_51 : memref<40x125xi32, #tpu.memory_space<hbm>>) target(%arg7 : memref<40x125xi32, #tpu.memory_space<vmem>>) target_semaphore(%run_scoped3A : memref<!tpu.dma_semaphore, #tpu.memory_space<semaphore_mem>>)
      %dma_wait3A = arith.constant 40 : i32
      %dma_wait3A_52 = arith.constant 0 : i32
      %dma_wait3A_53 = tpu.memref_slice %arg3[%add3A, %dma_wait3A, %dma_wait3A_52] : memref<32x80x125xi32, #tpu.memory_space<hbm>> -> memref<1x40x125xi32, #tpu.memory_space<hbm>>
      %dma_wait3A_54 = tpu.memref_squeeze %dma_wait3A_53 : memref<1x40x125xi32, #tpu.memory_space<hbm>> -> memref<40x125xi32, #tpu.memory_space<hbm>>
      %dma_wait3A_55 = arith.constant 40 : i32
      %dma_wait3A_56 = arith.constant 0 : i32
      %dma_wait3A_57 = tpu.memref_slice %arg3[%add3A, %dma_wait3A_55, %dma_wait3A_56] : memref<32x80x125xi32, #tpu.memory_space<hbm>> -> memref<1x40x125xi32, #tpu.memory_space<hbm>>
      %dma_wait3A_58 = tpu.memref_squeeze %dma_wait3A_57 : memref<1x40x125xi32, #tpu.memory_space<hbm>> -> memref<40x125xi32, #tpu.memory_space<hbm>>
      tpu.wait_dma2 semaphore(%run_scoped3A : memref<!tpu.dma_semaphore, #tpu.memory_space<semaphore_mem>>) src(%dma_wait3A_58 : memref<40x125xi32, #tpu.memory_space<hbm>>) dst(%arg7 : memref<40x125xi32, #tpu.memory_space<vmem>>)
      tpu.yield
    }) : () -> ()
    "tpu.region"() ({
      %run_scoped3A = tpu.sem_alloc : memref<!tpu.dma_semaphore, #tpu.memory_space<semaphore_mem>>
      %dma_start3A_44 = arith.constant 40 : i32
      %dma_start3A_45 = arith.constant 0 : i32
      %dma_start3A_46 = tpu.memref_slice %arg4[%add3A, %dma_start3A_44, %dma_start3A_45] : memref<32x80x125xi32, #tpu.memory_space<hbm>> -> memref<1x40x125xi32, #tpu.memory_space<hbm>>
      %dma_start3A_47 = tpu.memref_squeeze %dma_start3A_46 : memref<1x40x125xi32, #tpu.memory_space<hbm>> -> memref<40x125xi32, #tpu.memory_space<hbm>>
      %dma_start3A_48 = arith.constant 40 : i32
      %dma_start3A_49 = arith.constant 0 : i32
      %dma_start3A_50 = tpu.memref_slice %arg4[%add3A, %dma_start3A_48, %dma_start3A_49] : memref<32x80x125xi32, #tpu.memory_space<hbm>> -> memref<1x40x125xi32, #tpu.memory_space<hbm>>
      %dma_start3A_51 = tpu.memref_squeeze %dma_start3A_50 : memref<1x40x125xi32, #tpu.memory_space<hbm>> -> memref<40x125xi32, #tpu.memory_space<hbm>>
      tpu.enqueue_dma source(%dma_start3A_51 : memref<40x125xi32, #tpu.memory_space<hbm>>) target(%arg8 : memref<40x125xi32, #tpu.memory_space<vmem>>) target_semaphore(%run_scoped3A : memref<!tpu.dma_semaphore, #tpu.memory_space<semaphore_mem>>)
      %dma_wait3A = arith.constant 40 : i32
      %dma_wait3A_52 = arith.constant 0 : i32
      %dma_wait3A_53 = tpu.memref_slice %arg4[%add3A, %dma_wait3A, %dma_wait3A_52] : memref<32x80x125xi32, #tpu.memory_space<hbm>> -> memref<1x40x125xi32, #tpu.memory_space<hbm>>
      %dma_wait3A_54 = tpu.memref_squeeze %dma_wait3A_53 : memref<1x40x125xi32, #tpu.memory_space<hbm>> -> memref<40x125xi32, #tpu.memory_space<hbm>>
      %dma_wait3A_55 = arith.constant 40 : i32
      %dma_wait3A_56 = arith.constant 0 : i32
      %dma_wait3A_57 = tpu.memref_slice %arg4[%add3A, %dma_wait3A_55, %dma_wait3A_56] : memref<32x80x125xi32, #tpu.memory_space<hbm>> -> memref<1x40x125xi32, #tpu.memory_space<hbm>>
      %dma_wait3A_58 = tpu.memref_squeeze %dma_wait3A_57 : memref<1x40x125xi32, #tpu.memory_space<hbm>> -> memref<40x125xi32, #tpu.memory_space<hbm>>
      tpu.wait_dma2 semaphore(%run_scoped3A : memref<!tpu.dma_semaphore, #tpu.memory_space<semaphore_mem>>) src(%dma_wait3A_58 : memref<40x125xi32, #tpu.memory_space<hbm>>) dst(%arg8 : memref<40x125xi32, #tpu.memory_space<vmem>>)
      tpu.yield
    }) : () -> ()
    %dma_start3A_19 = arith.constant 0 : i32
    %dma_start3A_20 = arith.constant 0 : i32
    %dma_start3A_21 = tpu.memref_slice %arg7[%dma_start3A_19, %dma_start3A_20] : memref<40x125xi32, #tpu.memory_space<vmem>> -> memref<1x125xi32, #tpu.memory_space<vmem>>
    %dma_start3A_22 = tpu.memref_squeeze %dma_start3A_21 : memref<1x125xi32, #tpu.memory_space<vmem>> -> memref<125xi32, #tpu.memory_space<vmem>>
    %dma_start3A_23 = arith.constant 0 : i32
    %dma_start3A_24 = arith.constant 0 : i32
    %dma_start3A_25 = tpu.memref_slice %arg2[%dma_start3A_23, %dma_start3A_24] : memref<10000x128xf32, #tpu.memory_space<hbm>> -> memref<10000x128xf32, #tpu.memory_space<hbm>>
    tpu.enqueue_indirect_dma source(%dma_start3A_25 : memref<10000x128xf32, #tpu.memory_space<hbm>>) target(%arg9 : memref<125x128xf32, #tpu.memory_space<vmem>>) offsets(%dma_start3A_22 : memref<125xi32, #tpu.memory_space<vmem>>) semaphore(%arg12 : memref<!tpu.dma_semaphore, #tpu.memory_space<semaphore_mem>>)
    %scan3A_26 = arith.constant 0 : i32
    %scan3A_27 = arith.constant 0 : i32
    %scan3A_28 = arith.constant 20 : i32
    %scan3A_29 = arith.addi %scan3A_27, %scan3A_28 : i32
    %scan3A_30 = arith.constant 1 : i32
    %scan3A_31 = scf.for %scan3A_44 = %scan3A_27 to %scan3A_29 step %scan3A_30 iter_args(%scan3A_45 = %scan3A_26) -> (i32)  : i32 {
      %mul3A_46 = arith.constant 2 : i32
      %mul3A_47 = arith.muli %mul3A_46, %scan3A_44 : i32
      %dma_wait3A = arith.constant 0 : i32
      %dma_wait3A_48 = tpu.memref_slice %arg7[%mul3A_47, %dma_wait3A] : memref<40x125xi32, #tpu.memory_space<vmem>> -> memref<1x125xi32, #tpu.memory_space<vmem>>
      %dma_wait3A_49 = tpu.memref_squeeze %dma_wait3A_48 : memref<1x125xi32, #tpu.memory_space<vmem>> -> memref<125xi32, #tpu.memory_space<vmem>>
      %dma_wait3A_50 = arith.constant 0 : i32
      %dma_wait3A_51 = arith.constant 0 : i32
      %dma_wait3A_52 = tpu.memref_slice %arg2[%dma_wait3A_50, %dma_wait3A_51] : memref<10000x128xf32, #tpu.memory_space<hbm>> -> memref<10000x128xf32, #tpu.memory_space<hbm>>
      tpu.wait_indirect_dma semaphore(%arg12 : memref<!tpu.dma_semaphore, #tpu.memory_space<semaphore_mem>>) src(%dma_wait3A_52 : memref<10000x128xf32, #tpu.memory_space<hbm>>) dst(%arg9 : memref<125x128xf32, #tpu.memory_space<vmem>>)
      %add3A_53 = arith.constant 1 : i32
      %add3A_54 = arith.addi %mul3A_47, %add3A_53 : i32
      %dma_start3A_55 = arith.constant 0 : i32
      %dma_start3A_56 = tpu.memref_slice %arg7[%add3A_54, %dma_start3A_55] : memref<40x125xi32, #tpu.memory_space<vmem>> -> memref<1x125xi32, #tpu.memory_space<vmem>>
      %dma_start3A_57 = tpu.memref_squeeze %dma_start3A_56 : memref<1x125xi32, #tpu.memory_space<vmem>> -> memref<125xi32, #tpu.memory_space<vmem>>
      %dma_start3A_58 = arith.constant 0 : i32
      %dma_start3A_59 = arith.constant 0 : i32
      %dma_start3A_60 = tpu.memref_slice %arg2[%dma_start3A_58, %dma_start3A_59] : memref<10000x128xf32, #tpu.memory_space<hbm>> -> memref<10000x128xf32, #tpu.memory_space<hbm>>
      tpu.enqueue_indirect_dma source(%dma_start3A_60 : memref<10000x128xf32, #tpu.memory_space<hbm>>) target(%arg10 : memref<125x128xf32, #tpu.memory_space<vmem>>) offsets(%dma_start3A_57 : memref<125xi32, #tpu.memory_space<vmem>>) semaphore(%arg13 : memref<!tpu.dma_semaphore, #tpu.memory_space<semaphore_mem>>)
      "tpu.region"() ({
        %run_scoped3A = tpu.sem_alloc : memref<!tpu.dma_semaphore, #tpu.memory_space<semaphore_mem>>
        %dma_start3A_77 = arith.constant 0 : i32
        %dma_start3A_78 = tpu.memref_slice %arg8[%mul3A_47, %dma_start3A_77] : memref<40x125xi32, #tpu.memory_space<vmem>> -> memref<1x125xi32, #tpu.memory_space<vmem>>
        %dma_start3A_79 = tpu.memref_squeeze %dma_start3A_78 : memref<1x125xi32, #tpu.memory_space<vmem>> -> memref<125xi32, #tpu.memory_space<vmem>>
        %dma_start3A_80 = arith.constant 0 : i32
        %dma_start3A_81 = arith.constant 0 : i32
        %dma_start3A_82 = tpu.memref_slice %arg11[%dma_start3A_80, %dma_start3A_81] : memref<10000x128xf32, #tpu.memory_space<vmem_shared>> -> memref<10000x128xf32, #tpu.memory_space<vmem_shared>>
        tpu.enqueue_indirect_dma source(%arg9 : memref<125x128xf32, #tpu.memory_space<vmem>>) target(%dma_start3A_82 : memref<10000x128xf32, #tpu.memory_space<vmem_shared>>) offsets(%dma_start3A_79 : memref<125xi32, #tpu.memory_space<vmem>>) semaphore(%run_scoped3A : memref<!tpu.dma_semaphore, #tpu.memory_space<semaphore_mem>>) {add = true}
        %dma_wait3A_83 = arith.constant 0 : i32
        %dma_wait3A_84 = tpu.memref_slice %arg8[%mul3A_47, %dma_wait3A_83] : memref<40x125xi32, #tpu.memory_space<vmem>> -> memref<1x125xi32, #tpu.memory_space<vmem>>
        %dma_wait3A_85 = tpu.memref_squeeze %dma_wait3A_84 : memref<1x125xi32, #tpu.memory_space<vmem>> -> memref<125xi32, #tpu.memory_space<vmem>>
        %dma_wait3A_86 = arith.constant 0 : i32
        %dma_wait3A_87 = arith.constant 0 : i32
        %dma_wait3A_88 = tpu.memref_slice %arg11[%dma_wait3A_86, %dma_wait3A_87] : memref<10000x128xf32, #tpu.memory_space<vmem_shared>> -> memref<10000x128xf32, #tpu.memory_space<vmem_shared>>
        tpu.wait_indirect_dma semaphore(%run_scoped3A : memref<!tpu.dma_semaphore, #tpu.memory_space<semaphore_mem>>) src(%arg9 : memref<125x128xf32, #tpu.memory_space<vmem>>) dst(%dma_wait3A_88 : memref<10000x128xf32, #tpu.memory_space<vmem_shared>>)
        tpu.yield
      }) : () -> ()
      %add3A_61 = arith.constant 1 : i32
      %add3A_62 = arith.addi %mul3A_47, %add3A_61 : i32
      %dma_wait3A_63 = arith.constant 0 : i32
      %dma_wait3A_64 = tpu.memref_slice %arg7[%add3A_62, %dma_wait3A_63] : memref<40x125xi32, #tpu.memory_space<vmem>> -> memref<1x125xi32, #tpu.memory_space<vmem>>
      %dma_wait3A_65 = tpu.memref_squeeze %dma_wait3A_64 : memref<1x125xi32, #tpu.memory_space<vmem>> -> memref<125xi32, #tpu.memory_space<vmem>>
      %dma_wait3A_66 = arith.constant 0 : i32
      %dma_wait3A_67 = arith.constant 0 : i32
      %dma_wait3A_68 = tpu.memref_slice %arg2[%dma_wait3A_66, %dma_wait3A_67] : memref<10000x128xf32, #tpu.memory_space<hbm>> -> memref<10000x128xf32, #tpu.memory_space<hbm>>
      tpu.wait_indirect_dma semaphore(%arg13 : memref<!tpu.dma_semaphore, #tpu.memory_space<semaphore_mem>>) src(%dma_wait3A_68 : memref<10000x128xf32, #tpu.memory_space<hbm>>) dst(%arg10 : memref<125x128xf32, #tpu.memory_space<vmem>>)
      %lt3A_69 = arith.constant 19 : i32
      %lt3A_70 = arith.cmpi slt, %scan3A_44, %lt3A_69 : i32
      %convert_element_type3A_71 = arith.extui %lt3A_70 : i1 to i32
      %cond3A_72 = arith.constant 0 : i32
      %cond3A_73 = arith.cmpi ne, %convert_element_type3A_71, %cond3A_72 : i32
      scf.if %cond3A_73 {
        %add3A_77 = arith.constant 2 : i32
        %add3A_78 = arith.addi %mul3A_47, %add3A_77 : i32
        %dma_start3A_79 = arith.constant 0 : i32
        %dma_start3A_80 = tpu.memref_slice %arg7[%add3A_78, %dma_start3A_79] : memref<40x125xi32, #tpu.memory_space<vmem>> -> memref<1x125xi32, #tpu.memory_space<vmem>>
        %dma_start3A_81 = tpu.memref_squeeze %dma_start3A_80 : memref<1x125xi32, #tpu.memory_space<vmem>> -> memref<125xi32, #tpu.memory_space<vmem>>
        %dma_start3A_82 = arith.constant 0 : i32
        %dma_start3A_83 = arith.constant 0 : i32
        %dma_start3A_84 = tpu.memref_slice %arg2[%dma_start3A_82, %dma_start3A_83] : memref<10000x128xf32, #tpu.memory_space<hbm>> -> memref<10000x128xf32, #tpu.memory_space<hbm>>
        tpu.enqueue_indirect_dma source(%dma_start3A_84 : memref<10000x128xf32, #tpu.memory_space<hbm>>) target(%arg9 : memref<125x128xf32, #tpu.memory_space<vmem>>) offsets(%dma_start3A_81 : memref<125xi32, #tpu.memory_space<vmem>>) semaphore(%arg12 : memref<!tpu.dma_semaphore, #tpu.memory_space<semaphore_mem>>)
      } else {
      }
      %add3A_74 = arith.constant 1 : i32
      %add3A_75 = arith.addi %mul3A_47, %add3A_74 : i32
      "tpu.region"() ({
        %run_scoped3A = tpu.sem_alloc : memref<!tpu.dma_semaphore, #tpu.memory_space<semaphore_mem>>
        %dma_start3A_77 = arith.constant 0 : i32
        %dma_start3A_78 = tpu.memref_slice %arg8[%add3A_75, %dma_start3A_77] : memref<40x125xi32, #tpu.memory_space<vmem>> -> memref<1x125xi32, #tpu.memory_space<vmem>>
        %dma_start3A_79 = tpu.memref_squeeze %dma_start3A_78 : memref<1x125xi32, #tpu.memory_space<vmem>> -> memref<125xi32, #tpu.memory_space<vmem>>
        %dma_start3A_80 = arith.constant 0 : i32
        %dma_start3A_81 = arith.constant 0 : i32
        %dma_start3A_82 = tpu.memref_slice %arg11[%dma_start3A_80, %dma_start3A_81] : memref<10000x128xf32, #tpu.memory_space<vmem_shared>> -> memref<10000x128xf32, #tpu.memory_space<vmem_shared>>
        tpu.enqueue_indirect_dma source(%arg10 : memref<125x128xf32, #tpu.memory_space<vmem>>) target(%dma_start3A_82 : memref<10000x128xf32, #tpu.memory_space<vmem_shared>>) offsets(%dma_start3A_79 : memref<125xi32, #tpu.memory_space<vmem>>) semaphore(%run_scoped3A : memref<!tpu.dma_semaphore, #tpu.memory_space<semaphore_mem>>) {add = true}
        %dma_wait3A_83 = arith.constant 0 : i32
        %dma_wait3A_84 = tpu.memref_slice %arg8[%add3A_75, %dma_wait3A_83] : memref<40x125xi32, #tpu.memory_space<vmem>> -> memref<1x125xi32, #tpu.memory_space<vmem>>
        %dma_wait3A_85 = tpu.memref_squeeze %dma_wait3A_84 : memref<1x125xi32, #tpu.memory_space<vmem>> -> memref<125xi32, #tpu.memory_space<vmem>>
        %dma_wait3A_86 = arith.constant 0 : i32
        %dma_wait3A_87 = arith.constant 0 : i32
        %dma_wait3A_88 = tpu.memref_slice %arg11[%dma_wait3A_86, %dma_wait3A_87] : memref<10000x128xf32, #tpu.memory_space<vmem_shared>> -> memref<10000x128xf32, #tpu.memory_space<vmem_shared>>
        tpu.wait_indirect_dma semaphore(%run_scoped3A : memref<!tpu.dma_semaphore, #tpu.memory_space<semaphore_mem>>) src(%arg10 : memref<125x128xf32, #tpu.memory_space<vmem>>) dst(%dma_wait3A_88 : memref<10000x128xf32, #tpu.memory_space<vmem_shared>>)
        tpu.yield
      }) : () -> ()
      %scan3A_76 = arith.constant 0 : i32
      scf.yield %scan3A_76 : i32
    }
    %scan3A_32 = arith.constant 20 : i32
    %barrier3A_33 = arith.constant 0 : index
    tpu.barrier barrier_id(%barrier3A_33)
    %lt3A_34 = arith.constant 15 : i32
    %lt3A_35 = arith.cmpi slt, %arg1, %lt3A_34 : i32
    %convert_element_type3A_36 = arith.extui %lt3A_35 : i1 to i32
    %cond3A_37 = arith.constant 0 : i32
    %cond3A_38 = arith.cmpi ne, %convert_element_type3A_36, %cond3A_37 : i32
    scf.if %cond3A_38 {
      %mul3A_44 = arith.constant 624 : i32
      %mul3A_45 = arith.muli %arg1, %mul3A_44 : i32
      %multiple_of3A = tpu.assume_multiple %mul3A_45, 8 : i32
      "tpu.region"() ({
        %run_scoped3A = tpu.sem_alloc : memref<!tpu.dma_semaphore, #tpu.memory_space<semaphore_mem>>
        %dma_start3A_46 = arith.constant 0 : i32
        %dma_start3A_47 = tpu.memref_slice %arg6[%arg0, %multiple_of3A, %dma_start3A_46] : memref<2x10000x128xf32, #tpu.memory_space<hbm>> -> memref<1x624x128xf32, #tpu.memory_space<hbm>>
        %dma_start3A_48 = tpu.memref_squeeze %dma_start3A_47 : memref<1x624x128xf32, #tpu.memory_space<hbm>> -> memref<624x128xf32, #tpu.memory_space<hbm>>
        %dma_start3A_49 = arith.constant 0 : i32
        %dma_start3A_50 = tpu.memref_slice %arg11[%multiple_of3A, %dma_start3A_49] : memref<10000x128xf32, #tpu.memory_space<vmem_shared>> -> memref<624x128xf32, #tpu.memory_space<vmem_shared>>
        tpu.enqueue_dma source(%dma_start3A_50 : memref<624x128xf32, #tpu.memory_space<vmem_shared>>) target(%dma_start3A_48 : memref<624x128xf32, #tpu.memory_space<hbm>>) target_semaphore(%run_scoped3A : memref<!tpu.dma_semaphore, #tpu.memory_space<semaphore_mem>>)
        %dma_wait3A = arith.constant 0 : i32
        %dma_wait3A_51 = tpu.memref_slice %arg6[%arg0, %multiple_of3A, %dma_wait3A] : memref<2x10000x128xf32, #tpu.memory_space<hbm>> -> memref<1x624x128xf32, #tpu.memory_space<hbm>>
        %dma_wait3A_52 = tpu.memref_squeeze %dma_wait3A_51 : memref<1x624x128xf32, #tpu.memory_space<hbm>> -> memref<624x128xf32, #tpu.memory_space<hbm>>
        %dma_wait3A_53 = arith.constant 0 : i32
        %dma_wait3A_54 = tpu.memref_slice %arg11[%multiple_of3A, %dma_wait3A_53] : memref<10000x128xf32, #tpu.memory_space<vmem_shared>> -> memref<624x128xf32, #tpu.memory_space<vmem_shared>>
        tpu.wait_dma2 semaphore(%run_scoped3A : memref<!tpu.dma_semaphore, #tpu.memory_space<semaphore_mem>>) src(%dma_wait3A_54 : memref<624x128xf32, #tpu.memory_space<vmem_shared>>) dst(%dma_wait3A_52 : memref<624x128xf32, #tpu.memory_space<hbm>>)
        tpu.yield
      }) : () -> ()
    } else {
    }
    %eq3A_39 = arith.constant 15 : i32
    %eq3A_40 = arith.cmpi eq, %arg1, %eq3A_39 : i32
    %convert_element_type3A_41 = arith.extui %eq3A_40 : i1 to i32
    %cond3A_42 = arith.constant 0 : i32
    %cond3A_43 = arith.cmpi ne, %convert_element_type3A_41, %cond3A_42 : i32
    scf.if %cond3A_43 {
      "tpu.region"() ({
        %run_scoped3A = tpu.sem_alloc : memref<!tpu.dma_semaphore, #tpu.memory_space<semaphore_mem>>
        %dma_start3A_44 = arith.constant 9360 : i32
        %dma_start3A_45 = arith.constant 0 : i32
        %dma_start3A_46 = tpu.memref_slice %arg6[%arg0, %dma_start3A_44, %dma_start3A_45] : memref<2x10000x128xf32, #tpu.memory_space<hbm>> -> memref<1x640x128xf32, #tpu.memory_space<hbm>>
        %dma_start3A_47 = tpu.memref_squeeze %dma_start3A_46 : memref<1x640x128xf32, #tpu.memory_space<hbm>> -> memref<640x128xf32, #tpu.memory_space<hbm>>
        %dma_start3A_48 = arith.constant 9360 : i32
        %dma_start3A_49 = arith.constant 0 : i32
        %dma_start3A_50 = tpu.memref_slice %arg11[%dma_start3A_48, %dma_start3A_49] : memref<10000x128xf32, #tpu.memory_space<vmem_shared>> -> memref<640x128xf32, #tpu.memory_space<vmem_shared>>
        tpu.enqueue_dma source(%dma_start3A_50 : memref<640x128xf32, #tpu.memory_space<vmem_shared>>) target(%dma_start3A_47 : memref<640x128xf32, #tpu.memory_space<hbm>>) target_semaphore(%run_scoped3A : memref<!tpu.dma_semaphore, #tpu.memory_space<semaphore_mem>>)
        %dma_wait3A = arith.constant 9360 : i32
        %dma_wait3A_51 = arith.constant 0 : i32
        %dma_wait3A_52 = tpu.memref_slice %arg6[%arg0, %dma_wait3A, %dma_wait3A_51] : memref<2x10000x128xf32, #tpu.memory_space<hbm>> -> memref<1x640x128xf32, #tpu.memory_space<hbm>>
        %dma_wait3A_53 = tpu.memref_squeeze %dma_wait3A_52 : memref<1x640x128xf32, #tpu.memory_space<hbm>> -> memref<640x128xf32, #tpu.memory_space<hbm>>
        %dma_wait3A_54 = arith.constant 9360 : i32
        %dma_wait3A_55 = arith.constant 0 : i32
        %dma_wait3A_56 = tpu.memref_slice %arg11[%dma_wait3A_54, %dma_wait3A_55] : memref<10000x128xf32, #tpu.memory_space<vmem_shared>> -> memref<640x128xf32, #tpu.memory_space<vmem_shared>>
        tpu.wait_dma2 semaphore(%run_scoped3A : memref<!tpu.dma_semaphore, #tpu.memory_space<semaphore_mem>>) src(%dma_wait3A_56 : memref<640x128xf32, #tpu.memory_space<vmem_shared>>) dst(%dma_wait3A_53 : memref<640x128xf32, #tpu.memory_space<hbm>>)
        tpu.yield
      }) : () -> ()
    } else {
    }
    return
  }
}

#map = affine_map<(d0, d1) -> (0, 0, 0)>
#map1 = affine_map<(d0, d1) -> (0, 0)>
module attributes {stable_mosaic.version = 14 : i64} {
  func.func @_deg_kernel(%arg0: i32, %arg1: i32, %arg2: memref<32x80x125xi32, #tpu.memory_space<hbm>>, %arg3: memref<32x80x125xi32, #tpu.memory_space<hbm>>, %arg4: memref<2x125x128xf32, #tpu.memory_space<hbm>>, %arg5: memref<125x128xf32, #tpu.memory_space<hbm>>, %arg6: memref<2x10000x128xf32, #tpu.memory_space<hbm>>, %arg7: memref<40x125xi32, #tpu.memory_space<vmem>>, %arg8: memref<40x125xi32, #tpu.memory_space<vmem>>, %arg9: memref<125x128xf32, #tpu.memory_space<vmem>>, %arg10: memref<125x128xf32, #tpu.memory_space<vmem>>, %arg11: memref<10000x128xf32, #tpu.memory_space<vmem_shared>>) attributes {dimension_semantics = [#tpu.dimension_semantics<core_parallel>, #tpu.dimension_semantics<subcore_parallel>], iteration_bounds = array<i64: 2, 16>, scalar_prefetch = 0 : i64, scratch_operands = 5 : i64, tpu.core_type = #tpu.core_type<sc_vector_subcore>, window_params = [{transform_indices = #map}, {transform_indices = #map}, {transform_indices = #map}, {transform_indices = #map1}, {transform_indices = #map}]} {
    %mul3A = arith.constant 16 : i32
    %mul3A_0 = arith.muli %arg0, %mul3A : i32
    %add3A = arith.addi %mul3A_0, %arg1 : i32
    "tpu.region"() ({
      %run_scoped3A_32 = tpu.sem_alloc : memref<!tpu.dma_semaphore, #tpu.memory_space<semaphore_mem>>
      tpu.enqueue_dma source(%arg5 : memref<125x128xf32, #tpu.memory_space<hbm>>) target(%arg9 : memref<125x128xf32, #tpu.memory_space<vmem>>) target_semaphore(%run_scoped3A_32 : memref<!tpu.dma_semaphore, #tpu.memory_space<semaphore_mem>>)
      tpu.wait_dma2 semaphore(%run_scoped3A_32 : memref<!tpu.dma_semaphore, #tpu.memory_space<semaphore_mem>>) src(%arg5 : memref<125x128xf32, #tpu.memory_space<hbm>>) dst(%arg9 : memref<125x128xf32, #tpu.memory_space<vmem>>)
      tpu.yield
    }) : () -> ()
    %lt3A = arith.constant 15 : i32
    %lt3A_1 = arith.cmpi slt, %arg1, %lt3A : i32
    %convert_element_type3A = arith.extui %lt3A_1 : i1 to i32
    %cond3A = arith.constant 0 : i32
    %cond3A_2 = arith.cmpi ne, %convert_element_type3A, %cond3A : i32
    scf.if %cond3A_2 {
      %mul3A_32 = arith.constant 624 : i32
      %mul3A_33 = arith.muli %arg1, %mul3A_32 : i32
      %multiple_of3A = tpu.assume_multiple %mul3A_33, 8 : i32
      %add3A_34 = arith.constant 0 : i32
      %add3A_35 = arith.addi %multiple_of3A, %add3A_34 : i32
      "tpu.region"() ({
        %run_scoped3A_46 = tpu.sem_alloc : memref<!tpu.dma_semaphore, #tpu.memory_space<semaphore_mem>>
        %dma_start3A = arith.constant 0 : i32
        %dma_start3A_47 = arith.constant 0 : i32
        %dma_start3A_48 = tpu.memref_slice %arg9[%dma_start3A, %dma_start3A_47] : memref<125x128xf32, #tpu.memory_space<vmem>> -> memref<120x128xf32, #tpu.memory_space<vmem>>
        %dma_start3A_49 = arith.constant 0 : i32
        %dma_start3A_50 = tpu.memref_slice %arg11[%add3A_35, %dma_start3A_49] : memref<10000x128xf32, #tpu.memory_space<vmem_shared>> -> memref<120x128xf32, #tpu.memory_space<vmem_shared>>
        %dma_start3A_51 = arith.constant 0 : i32
        %dma_start3A_52 = tpu.memref_slice %arg11[%add3A_35, %dma_start3A_51] : memref<10000x128xf32, #tpu.memory_space<vmem_shared>> -> memref<120x128xf32, #tpu.memory_space<vmem_shared>>
        %dma_start3A_53 = arith.constant 0 : i32
        %dma_start3A_54 = arith.constant 0 : i32
        %dma_start3A_55 = tpu.memref_slice %arg9[%dma_start3A_53, %dma_start3A_54] : memref<125x128xf32, #tpu.memory_space<vmem>> -> memref<120x128xf32, #tpu.memory_space<vmem>>
        tpu.enqueue_dma source(%dma_start3A_55 : memref<120x128xf32, #tpu.memory_space<vmem>>) target(%dma_start3A_52 : memref<120x128xf32, #tpu.memory_space<vmem_shared>>) target_semaphore(%run_scoped3A_46 : memref<!tpu.dma_semaphore, #tpu.memory_space<semaphore_mem>>)
        %dma_wait3A = arith.constant 0 : i32
        %dma_wait3A_56 = arith.constant 0 : i32
        %dma_wait3A_57 = tpu.memref_slice %arg9[%dma_wait3A, %dma_wait3A_56] : memref<125x128xf32, #tpu.memory_space<vmem>> -> memref<120x128xf32, #tpu.memory_space<vmem>>
        %dma_wait3A_58 = arith.constant 0 : i32
        %dma_wait3A_59 = tpu.memref_slice %arg11[%add3A_35, %dma_wait3A_58] : memref<10000x128xf32, #tpu.memory_space<vmem_shared>> -> memref<120x128xf32, #tpu.memory_space<vmem_shared>>
        %dma_wait3A_60 = arith.constant 0 : i32
        %dma_wait3A_61 = tpu.memref_slice %arg11[%add3A_35, %dma_wait3A_60] : memref<10000x128xf32, #tpu.memory_space<vmem_shared>> -> memref<120x128xf32, #tpu.memory_space<vmem_shared>>
        %dma_wait3A_62 = arith.constant 0 : i32
        %dma_wait3A_63 = arith.constant 0 : i32
        %dma_wait3A_64 = tpu.memref_slice %arg9[%dma_wait3A_62, %dma_wait3A_63] : memref<125x128xf32, #tpu.memory_space<vmem>> -> memref<120x128xf32, #tpu.memory_space<vmem>>
        tpu.wait_dma2 semaphore(%run_scoped3A_46 : memref<!tpu.dma_semaphore, #tpu.memory_space<semaphore_mem>>) src(%dma_wait3A_64 : memref<120x128xf32, #tpu.memory_space<vmem>>) dst(%dma_wait3A_61 : memref<120x128xf32, #tpu.memory_space<vmem_shared>>)
        tpu.yield
      }) : () -> ()
      %add3A_36 = arith.constant 120 : i32
      %add3A_37 = arith.addi %multiple_of3A, %add3A_36 : i32
      "tpu.region"() ({
        %run_scoped3A_46 = tpu.sem_alloc : memref<!tpu.dma_semaphore, #tpu.memory_space<semaphore_mem>>
        %dma_start3A = arith.constant 0 : i32
        %dma_start3A_47 = arith.constant 0 : i32
        %dma_start3A_48 = tpu.memref_slice %arg9[%dma_start3A, %dma_start3A_47] : memref<125x128xf32, #tpu.memory_space<vmem>> -> memref<120x128xf32, #tpu.memory_space<vmem>>
        %dma_start3A_49 = arith.constant 0 : i32
        %dma_start3A_50 = tpu.memref_slice %arg11[%add3A_37, %dma_start3A_49] : memref<10000x128xf32, #tpu.memory_space<vmem_shared>> -> memref<120x128xf32, #tpu.memory_space<vmem_shared>>
        %dma_start3A_51 = arith.constant 0 : i32
        %dma_start3A_52 = tpu.memref_slice %arg11[%add3A_37, %dma_start3A_51] : memref<10000x128xf32, #tpu.memory_space<vmem_shared>> -> memref<120x128xf32, #tpu.memory_space<vmem_shared>>
        %dma_start3A_53 = arith.constant 0 : i32
        %dma_start3A_54 = arith.constant 0 : i32
        %dma_start3A_55 = tpu.memref_slice %arg9[%dma_start3A_53, %dma_start3A_54] : memref<125x128xf32, #tpu.memory_space<vmem>> -> memref<120x128xf32, #tpu.memory_space<vmem>>
        tpu.enqueue_dma source(%dma_start3A_55 : memref<120x128xf32, #tpu.memory_space<vmem>>) target(%dma_start3A_52 : memref<120x128xf32, #tpu.memory_space<vmem_shared>>) target_semaphore(%run_scoped3A_46 : memref<!tpu.dma_semaphore, #tpu.memory_space<semaphore_mem>>)
        %dma_wait3A = arith.constant 0 : i32
        %dma_wait3A_56 = arith.constant 0 : i32
        %dma_wait3A_57 = tpu.memref_slice %arg9[%dma_wait3A, %dma_wait3A_56] : memref<125x128xf32, #tpu.memory_space<vmem>> -> memref<120x128xf32, #tpu.memory_space<vmem>>
        %dma_wait3A_58 = arith.constant 0 : i32
        %dma_wait3A_59 = tpu.memref_slice %arg11[%add3A_37, %dma_wait3A_58] : memref<10000x128xf32, #tpu.memory_space<vmem_shared>> -> memref<120x128xf32, #tpu.memory_space<vmem_shared>>
        %dma_wait3A_60 = arith.constant 0 : i32
        %dma_wait3A_61 = tpu.memref_slice %arg11[%add3A_37, %dma_wait3A_60] : memref<10000x128xf32, #tpu.memory_space<vmem_shared>> -> memref<120x128xf32, #tpu.memory_space<vmem_shared>>
        %dma_wait3A_62 = arith.constant 0 : i32
        %dma_wait3A_63 = arith.constant 0 : i32
        %dma_wait3A_64 = tpu.memref_slice %arg9[%dma_wait3A_62, %dma_wait3A_63] : memref<125x128xf32, #tpu.memory_space<vmem>> -> memref<120x128xf32, #tpu.memory_space<vmem>>
        tpu.wait_dma2 semaphore(%run_scoped3A_46 : memref<!tpu.dma_semaphore, #tpu.memory_space<semaphore_mem>>) src(%dma_wait3A_64 : memref<120x128xf32, #tpu.memory_space<vmem>>) dst(%dma_wait3A_61 : memref<120x128xf32, #tpu.memory_space<vmem_shared>>)
        tpu.yield
      }) : () -> ()
      %add3A_38 = arith.constant 240 : i32
      %add3A_39 = arith.addi %multiple_of3A, %add3A_38 : i32
      "tpu.region"() ({
        %run_scoped3A_46 = tpu.sem_alloc : memref<!tpu.dma_semaphore, #tpu.memory_space<semaphore_mem>>
        %dma_start3A = arith.constant 0 : i32
        %dma_start3A_47 = arith.constant 0 : i32
        %dma_start3A_48 = tpu.memref_slice %arg9[%dma_start3A, %dma_start3A_47] : memref<125x128xf32, #tpu.memory_space<vmem>> -> memref<120x128xf32, #tpu.memory_space<vmem>>
        %dma_start3A_49 = arith.constant 0 : i32
        %dma_start3A_50 = tpu.memref_slice %arg11[%add3A_39, %dma_start3A_49] : memref<10000x128xf32, #tpu.memory_space<vmem_shared>> -> memref<120x128xf32, #tpu.memory_space<vmem_shared>>
        %dma_start3A_51 = arith.constant 0 : i32
        %dma_start3A_52 = tpu.memref_slice %arg11[%add3A_39, %dma_start3A_51] : memref<10000x128xf32, #tpu.memory_space<vmem_shared>> -> memref<120x128xf32, #tpu.memory_space<vmem_shared>>
        %dma_start3A_53 = arith.constant 0 : i32
        %dma_start3A_54 = arith.constant 0 : i32
        %dma_start3A_55 = tpu.memref_slice %arg9[%dma_start3A_53, %dma_start3A_54] : memref<125x128xf32, #tpu.memory_space<vmem>> -> memref<120x128xf32, #tpu.memory_space<vmem>>
        tpu.enqueue_dma source(%dma_start3A_55 : memref<120x128xf32, #tpu.memory_space<vmem>>) target(%dma_start3A_52 : memref<120x128xf32, #tpu.memory_space<vmem_shared>>) target_semaphore(%run_scoped3A_46 : memref<!tpu.dma_semaphore, #tpu.memory_space<semaphore_mem>>)
        %dma_wait3A = arith.constant 0 : i32
        %dma_wait3A_56 = arith.constant 0 : i32
        %dma_wait3A_57 = tpu.memref_slice %arg9[%dma_wait3A, %dma_wait3A_56] : memref<125x128xf32, #tpu.memory_space<vmem>> -> memref<120x128xf32, #tpu.memory_space<vmem>>
        %dma_wait3A_58 = arith.constant 0 : i32
        %dma_wait3A_59 = tpu.memref_slice %arg11[%add3A_39, %dma_wait3A_58] : memref<10000x128xf32, #tpu.memory_space<vmem_shared>> -> memref<120x128xf32, #tpu.memory_space<vmem_shared>>
        %dma_wait3A_60 = arith.constant 0 : i32
        %dma_wait3A_61 = tpu.memref_slice %arg11[%add3A_39, %dma_wait3A_60] : memref<10000x128xf32, #tpu.memory_space<vmem_shared>> -> memref<120x128xf32, #tpu.memory_space<vmem_shared>>
        %dma_wait3A_62 = arith.constant 0 : i32
        %dma_wait3A_63 = arith.constant 0 : i32
        %dma_wait3A_64 = tpu.memref_slice %arg9[%dma_wait3A_62, %dma_wait3A_63] : memref<125x128xf32, #tpu.memory_space<vmem>> -> memref<120x128xf32, #tpu.memory_space<vmem>>
        tpu.wait_dma2 semaphore(%run_scoped3A_46 : memref<!tpu.dma_semaphore, #tpu.memory_space<semaphore_mem>>) src(%dma_wait3A_64 : memref<120x128xf32, #tpu.memory_space<vmem>>) dst(%dma_wait3A_61 : memref<120x128xf32, #tpu.memory_space<vmem_shared>>)
        tpu.yield
      }) : () -> ()
      %add3A_40 = arith.constant 360 : i32
      %add3A_41 = arith.addi %multiple_of3A, %add3A_40 : i32
      "tpu.region"() ({
        %run_scoped3A_46 = tpu.sem_alloc : memref<!tpu.dma_semaphore, #tpu.memory_space<semaphore_mem>>
        %dma_start3A = arith.constant 0 : i32
        %dma_start3A_47 = arith.constant 0 : i32
        %dma_start3A_48 = tpu.memref_slice %arg9[%dma_start3A, %dma_start3A_47] : memref<125x128xf32, #tpu.memory_space<vmem>> -> memref<120x128xf32, #tpu.memory_space<vmem>>
        %dma_start3A_49 = arith.constant 0 : i32
        %dma_start3A_50 = tpu.memref_slice %arg11[%add3A_41, %dma_start3A_49] : memref<10000x128xf32, #tpu.memory_space<vmem_shared>> -> memref<120x128xf32, #tpu.memory_space<vmem_shared>>
        %dma_start3A_51 = arith.constant 0 : i32
        %dma_start3A_52 = tpu.memref_slice %arg11[%add3A_41, %dma_start3A_51] : memref<10000x128xf32, #tpu.memory_space<vmem_shared>> -> memref<120x128xf32, #tpu.memory_space<vmem_shared>>
        %dma_start3A_53 = arith.constant 0 : i32
        %dma_start3A_54 = arith.constant 0 : i32
        %dma_start3A_55 = tpu.memref_slice %arg9[%dma_start3A_53, %dma_start3A_54] : memref<125x128xf32, #tpu.memory_space<vmem>> -> memref<120x128xf32, #tpu.memory_space<vmem>>
        tpu.enqueue_dma source(%dma_start3A_55 : memref<120x128xf32, #tpu.memory_space<vmem>>) target(%dma_start3A_52 : memref<120x128xf32, #tpu.memory_space<vmem_shared>>) target_semaphore(%run_scoped3A_46 : memref<!tpu.dma_semaphore, #tpu.memory_space<semaphore_mem>>)
        %dma_wait3A = arith.constant 0 : i32
        %dma_wait3A_56 = arith.constant 0 : i32
        %dma_wait3A_57 = tpu.memref_slice %arg9[%dma_wait3A, %dma_wait3A_56] : memref<125x128xf32, #tpu.memory_space<vmem>> -> memref<120x128xf32, #tpu.memory_space<vmem>>
        %dma_wait3A_58 = arith.constant 0 : i32
        %dma_wait3A_59 = tpu.memref_slice %arg11[%add3A_41, %dma_wait3A_58] : memref<10000x128xf32, #tpu.memory_space<vmem_shared>> -> memref<120x128xf32, #tpu.memory_space<vmem_shared>>
        %dma_wait3A_60 = arith.constant 0 : i32
        %dma_wait3A_61 = tpu.memref_slice %arg11[%add3A_41, %dma_wait3A_60] : memref<10000x128xf32, #tpu.memory_space<vmem_shared>> -> memref<120x128xf32, #tpu.memory_space<vmem_shared>>
        %dma_wait3A_62 = arith.constant 0 : i32
        %dma_wait3A_63 = arith.constant 0 : i32
        %dma_wait3A_64 = tpu.memref_slice %arg9[%dma_wait3A_62, %dma_wait3A_63] : memref<125x128xf32, #tpu.memory_space<vmem>> -> memref<120x128xf32, #tpu.memory_space<vmem>>
        tpu.wait_dma2 semaphore(%run_scoped3A_46 : memref<!tpu.dma_semaphore, #tpu.memory_space<semaphore_mem>>) src(%dma_wait3A_64 : memref<120x128xf32, #tpu.memory_space<vmem>>) dst(%dma_wait3A_61 : memref<120x128xf32, #tpu.memory_space<vmem_shared>>)
        tpu.yield
      }) : () -> ()
      %add3A_42 = arith.constant 480 : i32
      %add3A_43 = arith.addi %multiple_of3A, %add3A_42 : i32
      "tpu.region"() ({
        %run_scoped3A_46 = tpu.sem_alloc : memref<!tpu.dma_semaphore, #tpu.memory_space<semaphore_mem>>
        %dma_start3A = arith.constant 0 : i32
        %dma_start3A_47 = arith.constant 0 : i32
        %dma_start3A_48 = tpu.memref_slice %arg9[%dma_start3A, %dma_start3A_47] : memref<125x128xf32, #tpu.memory_space<vmem>> -> memref<120x128xf32, #tpu.memory_space<vmem>>
        %dma_start3A_49 = arith.constant 0 : i32
        %dma_start3A_50 = tpu.memref_slice %arg11[%add3A_43, %dma_start3A_49] : memref<10000x128xf32, #tpu.memory_space<vmem_shared>> -> memref<120x128xf32, #tpu.memory_space<vmem_shared>>
        %dma_start3A_51 = arith.constant 0 : i32
        %dma_start3A_52 = tpu.memref_slice %arg11[%add3A_43, %dma_start3A_51] : memref<10000x128xf32, #tpu.memory_space<vmem_shared>> -> memref<120x128xf32, #tpu.memory_space<vmem_shared>>
        %dma_start3A_53 = arith.constant 0 : i32
        %dma_start3A_54 = arith.constant 0 : i32
        %dma_start3A_55 = tpu.memref_slice %arg9[%dma_start3A_53, %dma_start3A_54] : memref<125x128xf32, #tpu.memory_space<vmem>> -> memref<120x128xf32, #tpu.memory_space<vmem>>
        tpu.enqueue_dma source(%dma_start3A_55 : memref<120x128xf32, #tpu.memory_space<vmem>>) target(%dma_start3A_52 : memref<120x128xf32, #tpu.memory_space<vmem_shared>>) target_semaphore(%run_scoped3A_46 : memref<!tpu.dma_semaphore, #tpu.memory_space<semaphore_mem>>)
        %dma_wait3A = arith.constant 0 : i32
        %dma_wait3A_56 = arith.constant 0 : i32
        %dma_wait3A_57 = tpu.memref_slice %arg9[%dma_wait3A, %dma_wait3A_56] : memref<125x128xf32, #tpu.memory_space<vmem>> -> memref<120x128xf32, #tpu.memory_space<vmem>>
        %dma_wait3A_58 = arith.constant 0 : i32
        %dma_wait3A_59 = tpu.memref_slice %arg11[%add3A_43, %dma_wait3A_58] : memref<10000x128xf32, #tpu.memory_space<vmem_shared>> -> memref<120x128xf32, #tpu.memory_space<vmem_shared>>
        %dma_wait3A_60 = arith.constant 0 : i32
        %dma_wait3A_61 = tpu.memref_slice %arg11[%add3A_43, %dma_wait3A_60] : memref<10000x128xf32, #tpu.memory_space<vmem_shared>> -> memref<120x128xf32, #tpu.memory_space<vmem_shared>>
        %dma_wait3A_62 = arith.constant 0 : i32
        %dma_wait3A_63 = arith.constant 0 : i32
        %dma_wait3A_64 = tpu.memref_slice %arg9[%dma_wait3A_62, %dma_wait3A_63] : memref<125x128xf32, #tpu.memory_space<vmem>> -> memref<120x128xf32, #tpu.memory_space<vmem>>
        tpu.wait_dma2 semaphore(%run_scoped3A_46 : memref<!tpu.dma_semaphore, #tpu.memory_space<semaphore_mem>>) src(%dma_wait3A_64 : memref<120x128xf32, #tpu.memory_space<vmem>>) dst(%dma_wait3A_61 : memref<120x128xf32, #tpu.memory_space<vmem_shared>>)
        tpu.yield
      }) : () -> ()
      %add3A_44 = arith.constant 600 : i32
      %add3A_45 = arith.addi %multiple_of3A, %add3A_44 : i32
      "tpu.region"() ({
        %run_scoped3A_46 = tpu.sem_alloc : memref<!tpu.dma_semaphore, #tpu.memory_space<semaphore_mem>>
        %dma_start3A = arith.constant 0 : i32
        %dma_start3A_47 = arith.constant 0 : i32
        %dma_start3A_48 = tpu.memref_slice %arg9[%dma_start3A, %dma_start3A_47] : memref<125x128xf32, #tpu.memory_space<vmem>> -> memref<24x128xf32, #tpu.memory_space<vmem>>
        %dma_start3A_49 = arith.constant 0 : i32
        %dma_start3A_50 = tpu.memref_slice %arg11[%add3A_45, %dma_start3A_49] : memref<10000x128xf32, #tpu.memory_space<vmem_shared>> -> memref<24x128xf32, #tpu.memory_space<vmem_shared>>
        %dma_start3A_51 = arith.constant 0 : i32
        %dma_start3A_52 = tpu.memref_slice %arg11[%add3A_45, %dma_start3A_51] : memref<10000x128xf32, #tpu.memory_space<vmem_shared>> -> memref<24x128xf32, #tpu.memory_space<vmem_shared>>
        %dma_start3A_53 = arith.constant 0 : i32
        %dma_start3A_54 = arith.constant 0 : i32
        %dma_start3A_55 = tpu.memref_slice %arg9[%dma_start3A_53, %dma_start3A_54] : memref<125x128xf32, #tpu.memory_space<vmem>> -> memref<24x128xf32, #tpu.memory_space<vmem>>
        tpu.enqueue_dma source(%dma_start3A_55 : memref<24x128xf32, #tpu.memory_space<vmem>>) target(%dma_start3A_52 : memref<24x128xf32, #tpu.memory_space<vmem_shared>>) target_semaphore(%run_scoped3A_46 : memref<!tpu.dma_semaphore, #tpu.memory_space<semaphore_mem>>)
        %dma_wait3A = arith.constant 0 : i32
        %dma_wait3A_56 = arith.constant 0 : i32
        %dma_wait3A_57 = tpu.memref_slice %arg9[%dma_wait3A, %dma_wait3A_56] : memref<125x128xf32, #tpu.memory_space<vmem>> -> memref<24x128xf32, #tpu.memory_space<vmem>>
        %dma_wait3A_58 = arith.constant 0 : i32
        %dma_wait3A_59 = tpu.memref_slice %arg11[%add3A_45, %dma_wait3A_58] : memref<10000x128xf32, #tpu.memory_space<vmem_shared>> -> memref<24x128xf32, #tpu.memory_space<vmem_shared>>
        %dma_wait3A_60 = arith.constant 0 : i32
        %dma_wait3A_61 = tpu.memref_slice %arg11[%add3A_45, %dma_wait3A_60] : memref<10000x128xf32, #tpu.memory_space<vmem_shared>> -> memref<24x128xf32, #tpu.memory_space<vmem_shared>>
        %dma_wait3A_62 = arith.constant 0 : i32
        %dma_wait3A_63 = arith.constant 0 : i32
        %dma_wait3A_64 = tpu.memref_slice %arg9[%dma_wait3A_62, %dma_wait3A_63] : memref<125x128xf32, #tpu.memory_space<vmem>> -> memref<24x128xf32, #tpu.memory_space<vmem>>
        tpu.wait_dma2 semaphore(%run_scoped3A_46 : memref<!tpu.dma_semaphore, #tpu.memory_space<semaphore_mem>>) src(%dma_wait3A_64 : memref<24x128xf32, #tpu.memory_space<vmem>>) dst(%dma_wait3A_61 : memref<24x128xf32, #tpu.memory_space<vmem_shared>>)
        tpu.yield
      }) : () -> ()
    } else {
    }
    %eq3A = arith.constant 15 : i32
    %eq3A_3 = arith.cmpi eq, %arg1, %eq3A : i32
    %convert_element_type3A_4 = arith.extui %eq3A_3 : i1 to i32
    %cond3A_5 = arith.constant 0 : i32
    %cond3A_6 = arith.cmpi ne, %convert_element_type3A_4, %cond3A_5 : i32
    scf.if %cond3A_6 {
      "tpu.region"() ({
        %run_scoped3A_32 = tpu.sem_alloc : memref<!tpu.dma_semaphore, #tpu.memory_space<semaphore_mem>>
        %dma_start3A = arith.constant 0 : i32
        %dma_start3A_33 = arith.constant 0 : i32
        %dma_start3A_34 = tpu.memref_slice %arg9[%dma_start3A, %dma_start3A_33] : memref<125x128xf32, #tpu.memory_space<vmem>> -> memref<120x128xf32, #tpu.memory_space<vmem>>
        %dma_start3A_35 = arith.constant 9360 : i32
        %dma_start3A_36 = arith.constant 0 : i32
        %dma_start3A_37 = tpu.memref_slice %arg11[%dma_start3A_35, %dma_start3A_36] : memref<10000x128xf32, #tpu.memory_space<vmem_shared>> -> memref<120x128xf32, #tpu.memory_space<vmem_shared>>
        %dma_start3A_38 = arith.constant 9360 : i32
        %dma_start3A_39 = arith.constant 0 : i32
        %dma_start3A_40 = tpu.memref_slice %arg11[%dma_start3A_38, %dma_start3A_39] : memref<10000x128xf32, #tpu.memory_space<vmem_shared>> -> memref<120x128xf32, #tpu.memory_space<vmem_shared>>
        %dma_start3A_41 = arith.constant 0 : i32
        %dma_start3A_42 = arith.constant 0 : i32
        %dma_start3A_43 = tpu.memref_slice %arg9[%dma_start3A_41, %dma_start3A_42] : memref<125x128xf32, #tpu.memory_space<vmem>> -> memref<120x128xf32, #tpu.memory_space<vmem>>
        tpu.enqueue_dma source(%dma_start3A_43 : memref<120x128xf32, #tpu.memory_space<vmem>>) target(%dma_start3A_40 : memref<120x128xf32, #tpu.memory_space<vmem_shared>>) target_semaphore(%run_scoped3A_32 : memref<!tpu.dma_semaphore, #tpu.memory_space<semaphore_mem>>)
        %dma_wait3A = arith.constant 0 : i32
        %dma_wait3A_44 = arith.constant 0 : i32
        %dma_wait3A_45 = tpu.memref_slice %arg9[%dma_wait3A, %dma_wait3A_44] : memref<125x128xf32, #tpu.memory_space<vmem>> -> memref<120x128xf32, #tpu.memory_space<vmem>>
        %dma_wait3A_46 = arith.constant 9360 : i32
        %dma_wait3A_47 = arith.constant 0 : i32
        %dma_wait3A_48 = tpu.memref_slice %arg11[%dma_wait3A_46, %dma_wait3A_47] : memref<10000x128xf32, #tpu.memory_space<vmem_shared>> -> memref<120x128xf32, #tpu.memory_space<vmem_shared>>
        %dma_wait3A_49 = arith.constant 9360 : i32
        %dma_wait3A_50 = arith.constant 0 : i32
        %dma_wait3A_51 = tpu.memref_slice %arg11[%dma_wait3A_49, %dma_wait3A_50] : memref<10000x128xf32, #tpu.memory_space<vmem_shared>> -> memref<120x128xf32, #tpu.memory_space<vmem_shared>>
        %dma_wait3A_52 = arith.constant 0 : i32
        %dma_wait3A_53 = arith.constant 0 : i32
        %dma_wait3A_54 = tpu.memref_slice %arg9[%dma_wait3A_52, %dma_wait3A_53] : memref<125x128xf32, #tpu.memory_space<vmem>> -> memref<120x128xf32, #tpu.memory_space<vmem>>
        tpu.wait_dma2 semaphore(%run_scoped3A_32 : memref<!tpu.dma_semaphore, #tpu.memory_space<semaphore_mem>>) src(%dma_wait3A_54 : memref<120x128xf32, #tpu.memory_space<vmem>>) dst(%dma_wait3A_51 : memref<120x128xf32, #tpu.memory_space<vmem_shared>>)
        tpu.yield
      }) : () -> ()
      "tpu.region"() ({
        %run_scoped3A_32 = tpu.sem_alloc : memref<!tpu.dma_semaphore, #tpu.memory_space<semaphore_mem>>
        %dma_start3A = arith.constant 0 : i32
        %dma_start3A_33 = arith.constant 0 : i32
        %dma_start3A_34 = tpu.memref_slice %arg9[%dma_start3A, %dma_start3A_33] : memref<125x128xf32, #tpu.memory_space<vmem>> -> memref<120x128xf32, #tpu.memory_space<vmem>>
        %dma_start3A_35 = arith.constant 9480 : i32
        %dma_start3A_36 = arith.constant 0 : i32
        %dma_start3A_37 = tpu.memref_slice %arg11[%dma_start3A_35, %dma_start3A_36] : memref<10000x128xf32, #tpu.memory_space<vmem_shared>> -> memref<120x128xf32, #tpu.memory_space<vmem_shared>>
        %dma_start3A_38 = arith.constant 9480 : i32
        %dma_start3A_39 = arith.constant 0 : i32
        %dma_start3A_40 = tpu.memref_slice %arg11[%dma_start3A_38, %dma_start3A_39] : memref<10000x128xf32, #tpu.memory_space<vmem_shared>> -> memref<120x128xf32, #tpu.memory_space<vmem_shared>>
        %dma_start3A_41 = arith.constant 0 : i32
        %dma_start3A_42 = arith.constant 0 : i32
        %dma_start3A_43 = tpu.memref_slice %arg9[%dma_start3A_41, %dma_start3A_42] : memref<125x128xf32, #tpu.memory_space<vmem>> -> memref<120x128xf32, #tpu.memory_space<vmem>>
        tpu.enqueue_dma source(%dma_start3A_43 : memref<120x128xf32, #tpu.memory_space<vmem>>) target(%dma_start3A_40 : memref<120x128xf32, #tpu.memory_space<vmem_shared>>) target_semaphore(%run_scoped3A_32 : memref<!tpu.dma_semaphore, #tpu.memory_space<semaphore_mem>>)
        %dma_wait3A = arith.constant 0 : i32
        %dma_wait3A_44 = arith.constant 0 : i32
        %dma_wait3A_45 = tpu.memref_slice %arg9[%dma_wait3A, %dma_wait3A_44] : memref<125x128xf32, #tpu.memory_space<vmem>> -> memref<120x128xf32, #tpu.memory_space<vmem>>
        %dma_wait3A_46 = arith.constant 9480 : i32
        %dma_wait3A_47 = arith.constant 0 : i32
        %dma_wait3A_48 = tpu.memref_slice %arg11[%dma_wait3A_46, %dma_wait3A_47] : memref<10000x128xf32, #tpu.memory_space<vmem_shared>> -> memref<120x128xf32, #tpu.memory_space<vmem_shared>>
        %dma_wait3A_49 = arith.constant 9480 : i32
        %dma_wait3A_50 = arith.constant 0 : i32
        %dma_wait3A_51 = tpu.memref_slice %arg11[%dma_wait3A_49, %dma_wait3A_50] : memref<10000x128xf32, #tpu.memory_space<vmem_shared>> -> memref<120x128xf32, #tpu.memory_space<vmem_shared>>
        %dma_wait3A_52 = arith.constant 0 : i32
        %dma_wait3A_53 = arith.constant 0 : i32
        %dma_wait3A_54 = tpu.memref_slice %arg9[%dma_wait3A_52, %dma_wait3A_53] : memref<125x128xf32, #tpu.memory_space<vmem>> -> memref<120x128xf32, #tpu.memory_space<vmem>>
        tpu.wait_dma2 semaphore(%run_scoped3A_32 : memref<!tpu.dma_semaphore, #tpu.memory_space<semaphore_mem>>) src(%dma_wait3A_54 : memref<120x128xf32, #tpu.memory_space<vmem>>) dst(%dma_wait3A_51 : memref<120x128xf32, #tpu.memory_space<vmem_shared>>)
        tpu.yield
      }) : () -> ()
      "tpu.region"() ({
        %run_scoped3A_32 = tpu.sem_alloc : memref<!tpu.dma_semaphore, #tpu.memory_space<semaphore_mem>>
        %dma_start3A = arith.constant 0 : i32
        %dma_start3A_33 = arith.constant 0 : i32
        %dma_start3A_34 = tpu.memref_slice %arg9[%dma_start3A, %dma_start3A_33] : memref<125x128xf32, #tpu.memory_space<vmem>> -> memref<120x128xf32, #tpu.memory_space<vmem>>
        %dma_start3A_35 = arith.constant 9600 : i32
        %dma_start3A_36 = arith.constant 0 : i32
        %dma_start3A_37 = tpu.memref_slice %arg11[%dma_start3A_35, %dma_start3A_36] : memref<10000x128xf32, #tpu.memory_space<vmem_shared>> -> memref<120x128xf32, #tpu.memory_space<vmem_shared>>
        %dma_start3A_38 = arith.constant 9600 : i32
        %dma_start3A_39 = arith.constant 0 : i32
        %dma_start3A_40 = tpu.memref_slice %arg11[%dma_start3A_38, %dma_start3A_39] : memref<10000x128xf32, #tpu.memory_space<vmem_shared>> -> memref<120x128xf32, #tpu.memory_space<vmem_shared>>
        %dma_start3A_41 = arith.constant 0 : i32
        %dma_start3A_42 = arith.constant 0 : i32
        %dma_start3A_43 = tpu.memref_slice %arg9[%dma_start3A_41, %dma_start3A_42] : memref<125x128xf32, #tpu.memory_space<vmem>> -> memref<120x128xf32, #tpu.memory_space<vmem>>
        tpu.enqueue_dma source(%dma_start3A_43 : memref<120x128xf32, #tpu.memory_space<vmem>>) target(%dma_start3A_40 : memref<120x128xf32, #tpu.memory_space<vmem_shared>>) target_semaphore(%run_scoped3A_32 : memref<!tpu.dma_semaphore, #tpu.memory_space<semaphore_mem>>)
        %dma_wait3A = arith.constant 0 : i32
        %dma_wait3A_44 = arith.constant 0 : i32
        %dma_wait3A_45 = tpu.memref_slice %arg9[%dma_wait3A, %dma_wait3A_44] : memref<125x128xf32, #tpu.memory_space<vmem>> -> memref<120x128xf32, #tpu.memory_space<vmem>>
        %dma_wait3A_46 = arith.constant 9600 : i32
        %dma_wait3A_47 = arith.constant 0 : i32
        %dma_wait3A_48 = tpu.memref_slice %arg11[%dma_wait3A_46, %dma_wait3A_47] : memref<10000x128xf32, #tpu.memory_space<vmem_shared>> -> memref<120x128xf32, #tpu.memory_space<vmem_shared>>
        %dma_wait3A_49 = arith.constant 9600 : i32
        %dma_wait3A_50 = arith.constant 0 : i32
        %dma_wait3A_51 = tpu.memref_slice %arg11[%dma_wait3A_49, %dma_wait3A_50] : memref<10000x128xf32, #tpu.memory_space<vmem_shared>> -> memref<120x128xf32, #tpu.memory_space<vmem_shared>>
        %dma_wait3A_52 = arith.constant 0 : i32
        %dma_wait3A_53 = arith.constant 0 : i32
        %dma_wait3A_54 = tpu.memref_slice %arg9[%dma_wait3A_52, %dma_wait3A_53] : memref<125x128xf32, #tpu.memory_space<vmem>> -> memref<120x128xf32, #tpu.memory_space<vmem>>
        tpu.wait_dma2 semaphore(%run_scoped3A_32 : memref<!tpu.dma_semaphore, #tpu.memory_space<semaphore_mem>>) src(%dma_wait3A_54 : memref<120x128xf32, #tpu.memory_space<vmem>>) dst(%dma_wait3A_51 : memref<120x128xf32, #tpu.memory_space<vmem_shared>>)
        tpu.yield
      }) : () -> ()
      "tpu.region"() ({
        %run_scoped3A_32 = tpu.sem_alloc : memref<!tpu.dma_semaphore, #tpu.memory_space<semaphore_mem>>
        %dma_start3A = arith.constant 0 : i32
        %dma_start3A_33 = arith.constant 0 : i32
        %dma_start3A_34 = tpu.memref_slice %arg9[%dma_start3A, %dma_start3A_33] : memref<125x128xf32, #tpu.memory_space<vmem>> -> memref<120x128xf32, #tpu.memory_space<vmem>>
        %dma_start3A_35 = arith.constant 9720 : i32
        %dma_start3A_36 = arith.constant 0 : i32
        %dma_start3A_37 = tpu.memref_slice %arg11[%dma_start3A_35, %dma_start3A_36] : memref<10000x128xf32, #tpu.memory_space<vmem_shared>> -> memref<120x128xf32, #tpu.memory_space<vmem_shared>>
        %dma_start3A_38 = arith.constant 9720 : i32
        %dma_start3A_39 = arith.constant 0 : i32
        %dma_start3A_40 = tpu.memref_slice %arg11[%dma_start3A_38, %dma_start3A_39] : memref<10000x128xf32, #tpu.memory_space<vmem_shared>> -> memref<120x128xf32, #tpu.memory_space<vmem_shared>>
        %dma_start3A_41 = arith.constant 0 : i32
        %dma_start3A_42 = arith.constant 0 : i32
        %dma_start3A_43 = tpu.memref_slice %arg9[%dma_start3A_41, %dma_start3A_42] : memref<125x128xf32, #tpu.memory_space<vmem>> -> memref<120x128xf32, #tpu.memory_space<vmem>>
        tpu.enqueue_dma source(%dma_start3A_43 : memref<120x128xf32, #tpu.memory_space<vmem>>) target(%dma_start3A_40 : memref<120x128xf32, #tpu.memory_space<vmem_shared>>) target_semaphore(%run_scoped3A_32 : memref<!tpu.dma_semaphore, #tpu.memory_space<semaphore_mem>>)
        %dma_wait3A = arith.constant 0 : i32
        %dma_wait3A_44 = arith.constant 0 : i32
        %dma_wait3A_45 = tpu.memref_slice %arg9[%dma_wait3A, %dma_wait3A_44] : memref<125x128xf32, #tpu.memory_space<vmem>> -> memref<120x128xf32, #tpu.memory_space<vmem>>
        %dma_wait3A_46 = arith.constant 9720 : i32
        %dma_wait3A_47 = arith.constant 0 : i32
        %dma_wait3A_48 = tpu.memref_slice %arg11[%dma_wait3A_46, %dma_wait3A_47] : memref<10000x128xf32, #tpu.memory_space<vmem_shared>> -> memref<120x128xf32, #tpu.memory_space<vmem_shared>>
        %dma_wait3A_49 = arith.constant 9720 : i32
        %dma_wait3A_50 = arith.constant 0 : i32
        %dma_wait3A_51 = tpu.memref_slice %arg11[%dma_wait3A_49, %dma_wait3A_50] : memref<10000x128xf32, #tpu.memory_space<vmem_shared>> -> memref<120x128xf32, #tpu.memory_space<vmem_shared>>
        %dma_wait3A_52 = arith.constant 0 : i32
        %dma_wait3A_53 = arith.constant 0 : i32
        %dma_wait3A_54 = tpu.memref_slice %arg9[%dma_wait3A_52, %dma_wait3A_53] : memref<125x128xf32, #tpu.memory_space<vmem>> -> memref<120x128xf32, #tpu.memory_space<vmem>>
        tpu.wait_dma2 semaphore(%run_scoped3A_32 : memref<!tpu.dma_semaphore, #tpu.memory_space<semaphore_mem>>) src(%dma_wait3A_54 : memref<120x128xf32, #tpu.memory_space<vmem>>) dst(%dma_wait3A_51 : memref<120x128xf32, #tpu.memory_space<vmem_shared>>)
        tpu.yield
      }) : () -> ()
      "tpu.region"() ({
        %run_scoped3A_32 = tpu.sem_alloc : memref<!tpu.dma_semaphore, #tpu.memory_space<semaphore_mem>>
        %dma_start3A = arith.constant 0 : i32
        %dma_start3A_33 = arith.constant 0 : i32
        %dma_start3A_34 = tpu.memref_slice %arg9[%dma_start3A, %dma_start3A_33] : memref<125x128xf32, #tpu.memory_space<vmem>> -> memref<120x128xf32, #tpu.memory_space<vmem>>
        %dma_start3A_35 = arith.constant 9840 : i32
        %dma_start3A_36 = arith.constant 0 : i32
        %dma_start3A_37 = tpu.memref_slice %arg11[%dma_start3A_35, %dma_start3A_36] : memref<10000x128xf32, #tpu.memory_space<vmem_shared>> -> memref<120x128xf32, #tpu.memory_space<vmem_shared>>
        %dma_start3A_38 = arith.constant 9840 : i32
        %dma_start3A_39 = arith.constant 0 : i32
        %dma_start3A_40 = tpu.memref_slice %arg11[%dma_start3A_38, %dma_start3A_39] : memref<10000x128xf32, #tpu.memory_space<vmem_shared>> -> memref<120x128xf32, #tpu.memory_space<vmem_shared>>
        %dma_start3A_41 = arith.constant 0 : i32
        %dma_start3A_42 = arith.constant 0 : i32
        %dma_start3A_43 = tpu.memref_slice %arg9[%dma_start3A_41, %dma_start3A_42] : memref<125x128xf32, #tpu.memory_space<vmem>> -> memref<120x128xf32, #tpu.memory_space<vmem>>
        tpu.enqueue_dma source(%dma_start3A_43 : memref<120x128xf32, #tpu.memory_space<vmem>>) target(%dma_start3A_40 : memref<120x128xf32, #tpu.memory_space<vmem_shared>>) target_semaphore(%run_scoped3A_32 : memref<!tpu.dma_semaphore, #tpu.memory_space<semaphore_mem>>)
        %dma_wait3A = arith.constant 0 : i32
        %dma_wait3A_44 = arith.constant 0 : i32
        %dma_wait3A_45 = tpu.memref_slice %arg9[%dma_wait3A, %dma_wait3A_44] : memref<125x128xf32, #tpu.memory_space<vmem>> -> memref<120x128xf32, #tpu.memory_space<vmem>>
        %dma_wait3A_46 = arith.constant 9840 : i32
        %dma_wait3A_47 = arith.constant 0 : i32
        %dma_wait3A_48 = tpu.memref_slice %arg11[%dma_wait3A_46, %dma_wait3A_47] : memref<10000x128xf32, #tpu.memory_space<vmem_shared>> -> memref<120x128xf32, #tpu.memory_space<vmem_shared>>
        %dma_wait3A_49 = arith.constant 9840 : i32
        %dma_wait3A_50 = arith.constant 0 : i32
        %dma_wait3A_51 = tpu.memref_slice %arg11[%dma_wait3A_49, %dma_wait3A_50] : memref<10000x128xf32, #tpu.memory_space<vmem_shared>> -> memref<120x128xf32, #tpu.memory_space<vmem_shared>>
        %dma_wait3A_52 = arith.constant 0 : i32
        %dma_wait3A_53 = arith.constant 0 : i32
        %dma_wait3A_54 = tpu.memref_slice %arg9[%dma_wait3A_52, %dma_wait3A_53] : memref<125x128xf32, #tpu.memory_space<vmem>> -> memref<120x128xf32, #tpu.memory_space<vmem>>
        tpu.wait_dma2 semaphore(%run_scoped3A_32 : memref<!tpu.dma_semaphore, #tpu.memory_space<semaphore_mem>>) src(%dma_wait3A_54 : memref<120x128xf32, #tpu.memory_space<vmem>>) dst(%dma_wait3A_51 : memref<120x128xf32, #tpu.memory_space<vmem_shared>>)
        tpu.yield
      }) : () -> ()
      "tpu.region"() ({
        %run_scoped3A_32 = tpu.sem_alloc : memref<!tpu.dma_semaphore, #tpu.memory_space<semaphore_mem>>
        %dma_start3A = arith.constant 0 : i32
        %dma_start3A_33 = arith.constant 0 : i32
        %dma_start3A_34 = tpu.memref_slice %arg9[%dma_start3A, %dma_start3A_33] : memref<125x128xf32, #tpu.memory_space<vmem>> -> memref<40x128xf32, #tpu.memory_space<vmem>>
        %dma_start3A_35 = arith.constant 9960 : i32
        %dma_start3A_36 = arith.constant 0 : i32
        %dma_start3A_37 = tpu.memref_slice %arg11[%dma_start3A_35, %dma_start3A_36] : memref<10000x128xf32, #tpu.memory_space<vmem_shared>> -> memref<40x128xf32, #tpu.memory_space<vmem_shared>>
        %dma_start3A_38 = arith.constant 9960 : i32
        %dma_start3A_39 = arith.constant 0 : i32
        %dma_start3A_40 = tpu.memref_slice %arg11[%dma_start3A_38, %dma_start3A_39] : memref<10000x128xf32, #tpu.memory_space<vmem_shared>> -> memref<40x128xf32, #tpu.memory_space<vmem_shared>>
        %dma_start3A_41 = arith.constant 0 : i32
        %dma_start3A_42 = arith.constant 0 : i32
        %dma_start3A_43 = tpu.memref_slice %arg9[%dma_start3A_41, %dma_start3A_42] : memref<125x128xf32, #tpu.memory_space<vmem>> -> memref<40x128xf32, #tpu.memory_space<vmem>>
        tpu.enqueue_dma source(%dma_start3A_43 : memref<40x128xf32, #tpu.memory_space<vmem>>) target(%dma_start3A_40 : memref<40x128xf32, #tpu.memory_space<vmem_shared>>) target_semaphore(%run_scoped3A_32 : memref<!tpu.dma_semaphore, #tpu.memory_space<semaphore_mem>>)
        %dma_wait3A = arith.constant 0 : i32
        %dma_wait3A_44 = arith.constant 0 : i32
        %dma_wait3A_45 = tpu.memref_slice %arg9[%dma_wait3A, %dma_wait3A_44] : memref<125x128xf32, #tpu.memory_space<vmem>> -> memref<40x128xf32, #tpu.memory_space<vmem>>
        %dma_wait3A_46 = arith.constant 9960 : i32
        %dma_wait3A_47 = arith.constant 0 : i32
        %dma_wait3A_48 = tpu.memref_slice %arg11[%dma_wait3A_46, %dma_wait3A_47] : memref<10000x128xf32, #tpu.memory_space<vmem_shared>> -> memref<40x128xf32, #tpu.memory_space<vmem_shared>>
        %dma_wait3A_49 = arith.constant 9960 : i32
        %dma_wait3A_50 = arith.constant 0 : i32
        %dma_wait3A_51 = tpu.memref_slice %arg11[%dma_wait3A_49, %dma_wait3A_50] : memref<10000x128xf32, #tpu.memory_space<vmem_shared>> -> memref<40x128xf32, #tpu.memory_space<vmem_shared>>
        %dma_wait3A_52 = arith.constant 0 : i32
        %dma_wait3A_53 = arith.constant 0 : i32
        %dma_wait3A_54 = tpu.memref_slice %arg9[%dma_wait3A_52, %dma_wait3A_53] : memref<125x128xf32, #tpu.memory_space<vmem>> -> memref<40x128xf32, #tpu.memory_space<vmem>>
        tpu.wait_dma2 semaphore(%run_scoped3A_32 : memref<!tpu.dma_semaphore, #tpu.memory_space<semaphore_mem>>) src(%dma_wait3A_54 : memref<40x128xf32, #tpu.memory_space<vmem>>) dst(%dma_wait3A_51 : memref<40x128xf32, #tpu.memory_space<vmem_shared>>)
        tpu.yield
      }) : () -> ()
    } else {
    }
    %run_scoped3A = arith.constant 0 : i32
    "tpu.region"() ({
      %run_scoped3A_32 = tpu.sem_alloc : memref<!tpu.dma_semaphore, #tpu.memory_space<semaphore_mem>>
      %dma_start3A = arith.constant 0 : i32
      %dma_start3A_33 = arith.constant 0 : i32
      %dma_start3A_34 = tpu.memref_slice %arg4[%run_scoped3A, %dma_start3A, %dma_start3A_33] : memref<2x125x128xf32, #tpu.memory_space<hbm>> -> memref<1x125x128xf32, #tpu.memory_space<hbm>>
      %dma_start3A_35 = tpu.memref_squeeze %dma_start3A_34 : memref<1x125x128xf32, #tpu.memory_space<hbm>> -> memref<125x128xf32, #tpu.memory_space<hbm>>
      %dma_start3A_36 = arith.constant 0 : i32
      %dma_start3A_37 = arith.constant 0 : i32
      %dma_start3A_38 = tpu.memref_slice %arg4[%run_scoped3A, %dma_start3A_36, %dma_start3A_37] : memref<2x125x128xf32, #tpu.memory_space<hbm>> -> memref<1x125x128xf32, #tpu.memory_space<hbm>>
      %dma_start3A_39 = tpu.memref_squeeze %dma_start3A_38 : memref<1x125x128xf32, #tpu.memory_space<hbm>> -> memref<125x128xf32, #tpu.memory_space<hbm>>
      tpu.enqueue_dma source(%dma_start3A_39 : memref<125x128xf32, #tpu.memory_space<hbm>>) target(%arg9 : memref<125x128xf32, #tpu.memory_space<vmem>>) target_semaphore(%run_scoped3A_32 : memref<!tpu.dma_semaphore, #tpu.memory_space<semaphore_mem>>)
      %dma_wait3A = arith.constant 0 : i32
      %dma_wait3A_40 = arith.constant 0 : i32
      %dma_wait3A_41 = tpu.memref_slice %arg4[%run_scoped3A, %dma_wait3A, %dma_wait3A_40] : memref<2x125x128xf32, #tpu.memory_space<hbm>> -> memref<1x125x128xf32, #tpu.memory_space<hbm>>
      %dma_wait3A_42 = tpu.memref_squeeze %dma_wait3A_41 : memref<1x125x128xf32, #tpu.memory_space<hbm>> -> memref<125x128xf32, #tpu.memory_space<hbm>>
      %dma_wait3A_43 = arith.constant 0 : i32
      %dma_wait3A_44 = arith.constant 0 : i32
      %dma_wait3A_45 = tpu.memref_slice %arg4[%run_scoped3A, %dma_wait3A_43, %dma_wait3A_44] : memref<2x125x128xf32, #tpu.memory_space<hbm>> -> memref<1x125x128xf32, #tpu.memory_space<hbm>>
      %dma_wait3A_46 = tpu.memref_squeeze %dma_wait3A_45 : memref<1x125x128xf32, #tpu.memory_space<hbm>> -> memref<125x128xf32, #tpu.memory_space<hbm>>
      tpu.wait_dma2 semaphore(%run_scoped3A_32 : memref<!tpu.dma_semaphore, #tpu.memory_space<semaphore_mem>>) src(%dma_wait3A_46 : memref<125x128xf32, #tpu.memory_space<hbm>>) dst(%arg9 : memref<125x128xf32, #tpu.memory_space<vmem>>)
      tpu.yield
    }) : () -> ()
    %run_scoped3A_7 = arith.constant 1 : i32
    "tpu.region"() ({
      %run_scoped3A_32 = tpu.sem_alloc : memref<!tpu.dma_semaphore, #tpu.memory_space<semaphore_mem>>
      %dma_start3A = arith.constant 0 : i32
      %dma_start3A_33 = arith.constant 0 : i32
      %dma_start3A_34 = tpu.memref_slice %arg4[%run_scoped3A_7, %dma_start3A, %dma_start3A_33] : memref<2x125x128xf32, #tpu.memory_space<hbm>> -> memref<1x125x128xf32, #tpu.memory_space<hbm>>
      %dma_start3A_35 = tpu.memref_squeeze %dma_start3A_34 : memref<1x125x128xf32, #tpu.memory_space<hbm>> -> memref<125x128xf32, #tpu.memory_space<hbm>>
      %dma_start3A_36 = arith.constant 0 : i32
      %dma_start3A_37 = arith.constant 0 : i32
      %dma_start3A_38 = tpu.memref_slice %arg4[%run_scoped3A_7, %dma_start3A_36, %dma_start3A_37] : memref<2x125x128xf32, #tpu.memory_space<hbm>> -> memref<1x125x128xf32, #tpu.memory_space<hbm>>
      %dma_start3A_39 = tpu.memref_squeeze %dma_start3A_38 : memref<1x125x128xf32, #tpu.memory_space<hbm>> -> memref<125x128xf32, #tpu.memory_space<hbm>>
      tpu.enqueue_dma source(%dma_start3A_39 : memref<125x128xf32, #tpu.memory_space<hbm>>) target(%arg10 : memref<125x128xf32, #tpu.memory_space<vmem>>) target_semaphore(%run_scoped3A_32 : memref<!tpu.dma_semaphore, #tpu.memory_space<semaphore_mem>>)
      %dma_wait3A = arith.constant 0 : i32
      %dma_wait3A_40 = arith.constant 0 : i32
      %dma_wait3A_41 = tpu.memref_slice %arg4[%run_scoped3A_7, %dma_wait3A, %dma_wait3A_40] : memref<2x125x128xf32, #tpu.memory_space<hbm>> -> memref<1x125x128xf32, #tpu.memory_space<hbm>>
      %dma_wait3A_42 = tpu.memref_squeeze %dma_wait3A_41 : memref<1x125x128xf32, #tpu.memory_space<hbm>> -> memref<125x128xf32, #tpu.memory_space<hbm>>
      %dma_wait3A_43 = arith.constant 0 : i32
      %dma_wait3A_44 = arith.constant 0 : i32
      %dma_wait3A_45 = tpu.memref_slice %arg4[%run_scoped3A_7, %dma_wait3A_43, %dma_wait3A_44] : memref<2x125x128xf32, #tpu.memory_space<hbm>> -> memref<1x125x128xf32, #tpu.memory_space<hbm>>
      %dma_wait3A_46 = tpu.memref_squeeze %dma_wait3A_45 : memref<1x125x128xf32, #tpu.memory_space<hbm>> -> memref<125x128xf32, #tpu.memory_space<hbm>>
      tpu.wait_dma2 semaphore(%run_scoped3A_32 : memref<!tpu.dma_semaphore, #tpu.memory_space<semaphore_mem>>) src(%dma_wait3A_46 : memref<125x128xf32, #tpu.memory_space<hbm>>) dst(%arg10 : memref<125x128xf32, #tpu.memory_space<vmem>>)
      tpu.yield
    }) : () -> ()
    %barrier3A = arith.constant 0 : index
    tpu.barrier barrier_id(%barrier3A)
    "tpu.region"() ({
      %run_scoped3A_32 = tpu.sem_alloc : memref<!tpu.dma_semaphore, #tpu.memory_space<semaphore_mem>>
      %dma_start3A = arith.constant 0 : i32
      %dma_start3A_33 = arith.constant 0 : i32
      %dma_start3A_34 = tpu.memref_slice %arg2[%add3A, %dma_start3A, %dma_start3A_33] : memref<32x80x125xi32, #tpu.memory_space<hbm>> -> memref<1x40x125xi32, #tpu.memory_space<hbm>>
      %dma_start3A_35 = tpu.memref_squeeze %dma_start3A_34 : memref<1x40x125xi32, #tpu.memory_space<hbm>> -> memref<40x125xi32, #tpu.memory_space<hbm>>
      %dma_start3A_36 = arith.constant 0 : i32
      %dma_start3A_37 = arith.constant 0 : i32
      %dma_start3A_38 = tpu.memref_slice %arg2[%add3A, %dma_start3A_36, %dma_start3A_37] : memref<32x80x125xi32, #tpu.memory_space<hbm>> -> memref<1x40x125xi32, #tpu.memory_space<hbm>>
      %dma_start3A_39 = tpu.memref_squeeze %dma_start3A_38 : memref<1x40x125xi32, #tpu.memory_space<hbm>> -> memref<40x125xi32, #tpu.memory_space<hbm>>
      tpu.enqueue_dma source(%dma_start3A_39 : memref<40x125xi32, #tpu.memory_space<hbm>>) target(%arg7 : memref<40x125xi32, #tpu.memory_space<vmem>>) target_semaphore(%run_scoped3A_32 : memref<!tpu.dma_semaphore, #tpu.memory_space<semaphore_mem>>)
      %dma_wait3A = arith.constant 0 : i32
      %dma_wait3A_40 = arith.constant 0 : i32
      %dma_wait3A_41 = tpu.memref_slice %arg2[%add3A, %dma_wait3A, %dma_wait3A_40] : memref<32x80x125xi32, #tpu.memory_space<hbm>> -> memref<1x40x125xi32, #tpu.memory_space<hbm>>
      %dma_wait3A_42 = tpu.memref_squeeze %dma_wait3A_41 : memref<1x40x125xi32, #tpu.memory_space<hbm>> -> memref<40x125xi32, #tpu.memory_space<hbm>>
      %dma_wait3A_43 = arith.constant 0 : i32
      %dma_wait3A_44 = arith.constant 0 : i32
      %dma_wait3A_45 = tpu.memref_slice %arg2[%add3A, %dma_wait3A_43, %dma_wait3A_44] : memref<32x80x125xi32, #tpu.memory_space<hbm>> -> memref<1x40x125xi32, #tpu.memory_space<hbm>>
      %dma_wait3A_46 = tpu.memref_squeeze %dma_wait3A_45 : memref<1x40x125xi32, #tpu.memory_space<hbm>> -> memref<40x125xi32, #tpu.memory_space<hbm>>
      tpu.wait_dma2 semaphore(%run_scoped3A_32 : memref<!tpu.dma_semaphore, #tpu.memory_space<semaphore_mem>>) src(%dma_wait3A_46 : memref<40x125xi32, #tpu.memory_space<hbm>>) dst(%arg7 : memref<40x125xi32, #tpu.memory_space<vmem>>)
      tpu.yield
    }) : () -> ()
    "tpu.region"() ({
      %run_scoped3A_32 = tpu.sem_alloc : memref<!tpu.dma_semaphore, #tpu.memory_space<semaphore_mem>>
      %dma_start3A = arith.constant 0 : i32
      %dma_start3A_33 = arith.constant 0 : i32
      %dma_start3A_34 = tpu.memref_slice %arg3[%add3A, %dma_start3A, %dma_start3A_33] : memref<32x80x125xi32, #tpu.memory_space<hbm>> -> memref<1x40x125xi32, #tpu.memory_space<hbm>>
      %dma_start3A_35 = tpu.memref_squeeze %dma_start3A_34 : memref<1x40x125xi32, #tpu.memory_space<hbm>> -> memref<40x125xi32, #tpu.memory_space<hbm>>
      %dma_start3A_36 = arith.constant 0 : i32
      %dma_start3A_37 = arith.constant 0 : i32
      %dma_start3A_38 = tpu.memref_slice %arg3[%add3A, %dma_start3A_36, %dma_start3A_37] : memref<32x80x125xi32, #tpu.memory_space<hbm>> -> memref<1x40x125xi32, #tpu.memory_space<hbm>>
      %dma_start3A_39 = tpu.memref_squeeze %dma_start3A_38 : memref<1x40x125xi32, #tpu.memory_space<hbm>> -> memref<40x125xi32, #tpu.memory_space<hbm>>
      tpu.enqueue_dma source(%dma_start3A_39 : memref<40x125xi32, #tpu.memory_space<hbm>>) target(%arg8 : memref<40x125xi32, #tpu.memory_space<vmem>>) target_semaphore(%run_scoped3A_32 : memref<!tpu.dma_semaphore, #tpu.memory_space<semaphore_mem>>)
      %dma_wait3A = arith.constant 0 : i32
      %dma_wait3A_40 = arith.constant 0 : i32
      %dma_wait3A_41 = tpu.memref_slice %arg3[%add3A, %dma_wait3A, %dma_wait3A_40] : memref<32x80x125xi32, #tpu.memory_space<hbm>> -> memref<1x40x125xi32, #tpu.memory_space<hbm>>
      %dma_wait3A_42 = tpu.memref_squeeze %dma_wait3A_41 : memref<1x40x125xi32, #tpu.memory_space<hbm>> -> memref<40x125xi32, #tpu.memory_space<hbm>>
      %dma_wait3A_43 = arith.constant 0 : i32
      %dma_wait3A_44 = arith.constant 0 : i32
      %dma_wait3A_45 = tpu.memref_slice %arg3[%add3A, %dma_wait3A_43, %dma_wait3A_44] : memref<32x80x125xi32, #tpu.memory_space<hbm>> -> memref<1x40x125xi32, #tpu.memory_space<hbm>>
      %dma_wait3A_46 = tpu.memref_squeeze %dma_wait3A_45 : memref<1x40x125xi32, #tpu.memory_space<hbm>> -> memref<40x125xi32, #tpu.memory_space<hbm>>
      tpu.wait_dma2 semaphore(%run_scoped3A_32 : memref<!tpu.dma_semaphore, #tpu.memory_space<semaphore_mem>>) src(%dma_wait3A_46 : memref<40x125xi32, #tpu.memory_space<hbm>>) dst(%arg8 : memref<40x125xi32, #tpu.memory_space<vmem>>)
      tpu.yield
    }) : () -> ()
    %scan3A = arith.constant 0 : i32
    %scan3A_8 = arith.constant 0 : i32
    %scan3A_9 = arith.constant 40 : i32
    %scan3A_10 = arith.addi %scan3A_8, %scan3A_9 : i32
    %scan3A_11 = arith.constant 1 : i32
    %scan3A_12 = scf.for %scan3A_32 = %scan3A_8 to %scan3A_10 step %scan3A_11 iter_args(%scan3A_33 = %scan3A) -> (i32)  : i32 {
      "tpu.region"() ({
        %run_scoped3A_35 = tpu.sem_alloc : memref<!tpu.dma_semaphore, #tpu.memory_space<semaphore_mem>>
        %dma_start3A = arith.constant 0 : i32
        %dma_start3A_36 = tpu.memref_slice %arg7[%scan3A_32, %dma_start3A] : memref<40x125xi32, #tpu.memory_space<vmem>> -> memref<1x125xi32, #tpu.memory_space<vmem>>
        %dma_start3A_37 = tpu.memref_squeeze %dma_start3A_36 : memref<1x125xi32, #tpu.memory_space<vmem>> -> memref<125xi32, #tpu.memory_space<vmem>>
        %dma_start3A_38 = arith.constant 0 : i32
        %dma_start3A_39 = arith.constant 0 : i32
        %dma_start3A_40 = tpu.memref_slice %arg11[%dma_start3A_38, %dma_start3A_39] : memref<10000x128xf32, #tpu.memory_space<vmem_shared>> -> memref<10000x128xf32, #tpu.memory_space<vmem_shared>>
        tpu.enqueue_indirect_dma source(%arg9 : memref<125x128xf32, #tpu.memory_space<vmem>>) target(%dma_start3A_40 : memref<10000x128xf32, #tpu.memory_space<vmem_shared>>) offsets(%dma_start3A_37 : memref<125xi32, #tpu.memory_space<vmem>>) semaphore(%run_scoped3A_35 : memref<!tpu.dma_semaphore, #tpu.memory_space<semaphore_mem>>) {add = true}
        %dma_wait3A = arith.constant 0 : i32
        %dma_wait3A_41 = tpu.memref_slice %arg7[%scan3A_32, %dma_wait3A] : memref<40x125xi32, #tpu.memory_space<vmem>> -> memref<1x125xi32, #tpu.memory_space<vmem>>
        %dma_wait3A_42 = tpu.memref_squeeze %dma_wait3A_41 : memref<1x125xi32, #tpu.memory_space<vmem>> -> memref<125xi32, #tpu.memory_space<vmem>>
        %dma_wait3A_43 = arith.constant 0 : i32
        %dma_wait3A_44 = arith.constant 0 : i32
        %dma_wait3A_45 = tpu.memref_slice %arg11[%dma_wait3A_43, %dma_wait3A_44] : memref<10000x128xf32, #tpu.memory_space<vmem_shared>> -> memref<10000x128xf32, #tpu.memory_space<vmem_shared>>
        tpu.wait_indirect_dma semaphore(%run_scoped3A_35 : memref<!tpu.dma_semaphore, #tpu.memory_space<semaphore_mem>>) src(%arg9 : memref<125x128xf32, #tpu.memory_space<vmem>>) dst(%dma_wait3A_45 : memref<10000x128xf32, #tpu.memory_space<vmem_shared>>)
        tpu.yield
      }) : () -> ()
      "tpu.region"() ({
        %run_scoped3A_35 = tpu.sem_alloc : memref<!tpu.dma_semaphore, #tpu.memory_space<semaphore_mem>>
        %dma_start3A = arith.constant 0 : i32
        %dma_start3A_36 = tpu.memref_slice %arg8[%scan3A_32, %dma_start3A] : memref<40x125xi32, #tpu.memory_space<vmem>> -> memref<1x125xi32, #tpu.memory_space<vmem>>
        %dma_start3A_37 = tpu.memref_squeeze %dma_start3A_36 : memref<1x125xi32, #tpu.memory_space<vmem>> -> memref<125xi32, #tpu.memory_space<vmem>>
        %dma_start3A_38 = arith.constant 0 : i32
        %dma_start3A_39 = arith.constant 0 : i32
        %dma_start3A_40 = tpu.memref_slice %arg11[%dma_start3A_38, %dma_start3A_39] : memref<10000x128xf32, #tpu.memory_space<vmem_shared>> -> memref<10000x128xf32, #tpu.memory_space<vmem_shared>>
        tpu.enqueue_indirect_dma source(%arg10 : memref<125x128xf32, #tpu.memory_space<vmem>>) target(%dma_start3A_40 : memref<10000x128xf32, #tpu.memory_space<vmem_shared>>) offsets(%dma_start3A_37 : memref<125xi32, #tpu.memory_space<vmem>>) semaphore(%run_scoped3A_35 : memref<!tpu.dma_semaphore, #tpu.memory_space<semaphore_mem>>) {add = true}
        %dma_wait3A = arith.constant 0 : i32
        %dma_wait3A_41 = tpu.memref_slice %arg8[%scan3A_32, %dma_wait3A] : memref<40x125xi32, #tpu.memory_space<vmem>> -> memref<1x125xi32, #tpu.memory_space<vmem>>
        %dma_wait3A_42 = tpu.memref_squeeze %dma_wait3A_41 : memref<1x125xi32, #tpu.memory_space<vmem>> -> memref<125xi32, #tpu.memory_space<vmem>>
        %dma_wait3A_43 = arith.constant 0 : i32
        %dma_wait3A_44 = arith.constant 0 : i32
        %dma_wait3A_45 = tpu.memref_slice %arg11[%dma_wait3A_43, %dma_wait3A_44] : memref<10000x128xf32, #tpu.memory_space<vmem_shared>> -> memref<10000x128xf32, #tpu.memory_space<vmem_shared>>
        tpu.wait_indirect_dma semaphore(%run_scoped3A_35 : memref<!tpu.dma_semaphore, #tpu.memory_space<semaphore_mem>>) src(%arg10 : memref<125x128xf32, #tpu.memory_space<vmem>>) dst(%dma_wait3A_45 : memref<10000x128xf32, #tpu.memory_space<vmem_shared>>)
        tpu.yield
      }) : () -> ()
      %scan3A_34 = arith.constant 0 : i32
      scf.yield %scan3A_34 : i32
    }
    %scan3A_13 = arith.constant 40 : i32
    "tpu.region"() ({
      %run_scoped3A_32 = tpu.sem_alloc : memref<!tpu.dma_semaphore, #tpu.memory_space<semaphore_mem>>
      %dma_start3A = arith.constant 40 : i32
      %dma_start3A_33 = arith.constant 0 : i32
      %dma_start3A_34 = tpu.memref_slice %arg2[%add3A, %dma_start3A, %dma_start3A_33] : memref<32x80x125xi32, #tpu.memory_space<hbm>> -> memref<1x40x125xi32, #tpu.memory_space<hbm>>
      %dma_start3A_35 = tpu.memref_squeeze %dma_start3A_34 : memref<1x40x125xi32, #tpu.memory_space<hbm>> -> memref<40x125xi32, #tpu.memory_space<hbm>>
      %dma_start3A_36 = arith.constant 40 : i32
      %dma_start3A_37 = arith.constant 0 : i32
      %dma_start3A_38 = tpu.memref_slice %arg2[%add3A, %dma_start3A_36, %dma_start3A_37] : memref<32x80x125xi32, #tpu.memory_space<hbm>> -> memref<1x40x125xi32, #tpu.memory_space<hbm>>
      %dma_start3A_39 = tpu.memref_squeeze %dma_start3A_38 : memref<1x40x125xi32, #tpu.memory_space<hbm>> -> memref<40x125xi32, #tpu.memory_space<hbm>>
      tpu.enqueue_dma source(%dma_start3A_39 : memref<40x125xi32, #tpu.memory_space<hbm>>) target(%arg7 : memref<40x125xi32, #tpu.memory_space<vmem>>) target_semaphore(%run_scoped3A_32 : memref<!tpu.dma_semaphore, #tpu.memory_space<semaphore_mem>>)
      %dma_wait3A = arith.constant 40 : i32
      %dma_wait3A_40 = arith.constant 0 : i32
      %dma_wait3A_41 = tpu.memref_slice %arg2[%add3A, %dma_wait3A, %dma_wait3A_40] : memref<32x80x125xi32, #tpu.memory_space<hbm>> -> memref<1x40x125xi32, #tpu.memory_space<hbm>>
      %dma_wait3A_42 = tpu.memref_squeeze %dma_wait3A_41 : memref<1x40x125xi32, #tpu.memory_space<hbm>> -> memref<40x125xi32, #tpu.memory_space<hbm>>
      %dma_wait3A_43 = arith.constant 40 : i32
      %dma_wait3A_44 = arith.constant 0 : i32
      %dma_wait3A_45 = tpu.memref_slice %arg2[%add3A, %dma_wait3A_43, %dma_wait3A_44] : memref<32x80x125xi32, #tpu.memory_space<hbm>> -> memref<1x40x125xi32, #tpu.memory_space<hbm>>
      %dma_wait3A_46 = tpu.memref_squeeze %dma_wait3A_45 : memref<1x40x125xi32, #tpu.memory_space<hbm>> -> memref<40x125xi32, #tpu.memory_space<hbm>>
      tpu.wait_dma2 semaphore(%run_scoped3A_32 : memref<!tpu.dma_semaphore, #tpu.memory_space<semaphore_mem>>) src(%dma_wait3A_46 : memref<40x125xi32, #tpu.memory_space<hbm>>) dst(%arg7 : memref<40x125xi32, #tpu.memory_space<vmem>>)
      tpu.yield
    }) : () -> ()
    "tpu.region"() ({
      %run_scoped3A_32 = tpu.sem_alloc : memref<!tpu.dma_semaphore, #tpu.memory_space<semaphore_mem>>
      %dma_start3A = arith.constant 40 : i32
      %dma_start3A_33 = arith.constant 0 : i32
      %dma_start3A_34 = tpu.memref_slice %arg3[%add3A, %dma_start3A, %dma_start3A_33] : memref<32x80x125xi32, #tpu.memory_space<hbm>> -> memref<1x40x125xi32, #tpu.memory_space<hbm>>
      %dma_start3A_35 = tpu.memref_squeeze %dma_start3A_34 : memref<1x40x125xi32, #tpu.memory_space<hbm>> -> memref<40x125xi32, #tpu.memory_space<hbm>>
      %dma_start3A_36 = arith.constant 40 : i32
      %dma_start3A_37 = arith.constant 0 : i32
      %dma_start3A_38 = tpu.memref_slice %arg3[%add3A, %dma_start3A_36, %dma_start3A_37] : memref<32x80x125xi32, #tpu.memory_space<hbm>> -> memref<1x40x125xi32, #tpu.memory_space<hbm>>
      %dma_start3A_39 = tpu.memref_squeeze %dma_start3A_38 : memref<1x40x125xi32, #tpu.memory_space<hbm>> -> memref<40x125xi32, #tpu.memory_space<hbm>>
      tpu.enqueue_dma source(%dma_start3A_39 : memref<40x125xi32, #tpu.memory_space<hbm>>) target(%arg8 : memref<40x125xi32, #tpu.memory_space<vmem>>) target_semaphore(%run_scoped3A_32 : memref<!tpu.dma_semaphore, #tpu.memory_space<semaphore_mem>>)
      %dma_wait3A = arith.constant 40 : i32
      %dma_wait3A_40 = arith.constant 0 : i32
      %dma_wait3A_41 = tpu.memref_slice %arg3[%add3A, %dma_wait3A, %dma_wait3A_40] : memref<32x80x125xi32, #tpu.memory_space<hbm>> -> memref<1x40x125xi32, #tpu.memory_space<hbm>>
      %dma_wait3A_42 = tpu.memref_squeeze %dma_wait3A_41 : memref<1x40x125xi32, #tpu.memory_space<hbm>> -> memref<40x125xi32, #tpu.memory_space<hbm>>
      %dma_wait3A_43 = arith.constant 40 : i32
      %dma_wait3A_44 = arith.constant 0 : i32
      %dma_wait3A_45 = tpu.memref_slice %arg3[%add3A, %dma_wait3A_43, %dma_wait3A_44] : memref<32x80x125xi32, #tpu.memory_space<hbm>> -> memref<1x40x125xi32, #tpu.memory_space<hbm>>
      %dma_wait3A_46 = tpu.memref_squeeze %dma_wait3A_45 : memref<1x40x125xi32, #tpu.memory_space<hbm>> -> memref<40x125xi32, #tpu.memory_space<hbm>>
      tpu.wait_dma2 semaphore(%run_scoped3A_32 : memref<!tpu.dma_semaphore, #tpu.memory_space<semaphore_mem>>) src(%dma_wait3A_46 : memref<40x125xi32, #tpu.memory_space<hbm>>) dst(%arg8 : memref<40x125xi32, #tpu.memory_space<vmem>>)
      tpu.yield
    }) : () -> ()
    %scan3A_14 = arith.constant 0 : i32
    %scan3A_15 = arith.constant 0 : i32
    %scan3A_16 = arith.constant 40 : i32
    %scan3A_17 = arith.addi %scan3A_15, %scan3A_16 : i32
    %scan3A_18 = arith.constant 1 : i32
    %scan3A_19 = scf.for %scan3A_32 = %scan3A_15 to %scan3A_17 step %scan3A_18 iter_args(%scan3A_33 = %scan3A_14) -> (i32)  : i32 {
      "tpu.region"() ({
        %run_scoped3A_35 = tpu.sem_alloc : memref<!tpu.dma_semaphore, #tpu.memory_space<semaphore_mem>>
        %dma_start3A = arith.constant 0 : i32
        %dma_start3A_36 = tpu.memref_slice %arg7[%scan3A_32, %dma_start3A] : memref<40x125xi32, #tpu.memory_space<vmem>> -> memref<1x125xi32, #tpu.memory_space<vmem>>
        %dma_start3A_37 = tpu.memref_squeeze %dma_start3A_36 : memref<1x125xi32, #tpu.memory_space<vmem>> -> memref<125xi32, #tpu.memory_space<vmem>>
        %dma_start3A_38 = arith.constant 0 : i32
        %dma_start3A_39 = arith.constant 0 : i32
        %dma_start3A_40 = tpu.memref_slice %arg11[%dma_start3A_38, %dma_start3A_39] : memref<10000x128xf32, #tpu.memory_space<vmem_shared>> -> memref<10000x128xf32, #tpu.memory_space<vmem_shared>>
        tpu.enqueue_indirect_dma source(%arg9 : memref<125x128xf32, #tpu.memory_space<vmem>>) target(%dma_start3A_40 : memref<10000x128xf32, #tpu.memory_space<vmem_shared>>) offsets(%dma_start3A_37 : memref<125xi32, #tpu.memory_space<vmem>>) semaphore(%run_scoped3A_35 : memref<!tpu.dma_semaphore, #tpu.memory_space<semaphore_mem>>) {add = true}
        %dma_wait3A = arith.constant 0 : i32
        %dma_wait3A_41 = tpu.memref_slice %arg7[%scan3A_32, %dma_wait3A] : memref<40x125xi32, #tpu.memory_space<vmem>> -> memref<1x125xi32, #tpu.memory_space<vmem>>
        %dma_wait3A_42 = tpu.memref_squeeze %dma_wait3A_41 : memref<1x125xi32, #tpu.memory_space<vmem>> -> memref<125xi32, #tpu.memory_space<vmem>>
        %dma_wait3A_43 = arith.constant 0 : i32
        %dma_wait3A_44 = arith.constant 0 : i32
        %dma_wait3A_45 = tpu.memref_slice %arg11[%dma_wait3A_43, %dma_wait3A_44] : memref<10000x128xf32, #tpu.memory_space<vmem_shared>> -> memref<10000x128xf32, #tpu.memory_space<vmem_shared>>
        tpu.wait_indirect_dma semaphore(%run_scoped3A_35 : memref<!tpu.dma_semaphore, #tpu.memory_space<semaphore_mem>>) src(%arg9 : memref<125x128xf32, #tpu.memory_space<vmem>>) dst(%dma_wait3A_45 : memref<10000x128xf32, #tpu.memory_space<vmem_shared>>)
        tpu.yield
      }) : () -> ()
      "tpu.region"() ({
        %run_scoped3A_35 = tpu.sem_alloc : memref<!tpu.dma_semaphore, #tpu.memory_space<semaphore_mem>>
        %dma_start3A = arith.constant 0 : i32
        %dma_start3A_36 = tpu.memref_slice %arg8[%scan3A_32, %dma_start3A] : memref<40x125xi32, #tpu.memory_space<vmem>> -> memref<1x125xi32, #tpu.memory_space<vmem>>
        %dma_start3A_37 = tpu.memref_squeeze %dma_start3A_36 : memref<1x125xi32, #tpu.memory_space<vmem>> -> memref<125xi32, #tpu.memory_space<vmem>>
        %dma_start3A_38 = arith.constant 0 : i32
        %dma_start3A_39 = arith.constant 0 : i32
        %dma_start3A_40 = tpu.memref_slice %arg11[%dma_start3A_38, %dma_start3A_39] : memref<10000x128xf32, #tpu.memory_space<vmem_shared>> -> memref<10000x128xf32, #tpu.memory_space<vmem_shared>>
        tpu.enqueue_indirect_dma source(%arg10 : memref<125x128xf32, #tpu.memory_space<vmem>>) target(%dma_start3A_40 : memref<10000x128xf32, #tpu.memory_space<vmem_shared>>) offsets(%dma_start3A_37 : memref<125xi32, #tpu.memory_space<vmem>>) semaphore(%run_scoped3A_35 : memref<!tpu.dma_semaphore, #tpu.memory_space<semaphore_mem>>) {add = true}
        %dma_wait3A = arith.constant 0 : i32
        %dma_wait3A_41 = tpu.memref_slice %arg8[%scan3A_32, %dma_wait3A] : memref<40x125xi32, #tpu.memory_space<vmem>> -> memref<1x125xi32, #tpu.memory_space<vmem>>
        %dma_wait3A_42 = tpu.memref_squeeze %dma_wait3A_41 : memref<1x125xi32, #tpu.memory_space<vmem>> -> memref<125xi32, #tpu.memory_space<vmem>>
        %dma_wait3A_43 = arith.constant 0 : i32
        %dma_wait3A_44 = arith.constant 0 : i32
        %dma_wait3A_45 = tpu.memref_slice %arg11[%dma_wait3A_43, %dma_wait3A_44] : memref<10000x128xf32, #tpu.memory_space<vmem_shared>> -> memref<10000x128xf32, #tpu.memory_space<vmem_shared>>
        tpu.wait_indirect_dma semaphore(%run_scoped3A_35 : memref<!tpu.dma_semaphore, #tpu.memory_space<semaphore_mem>>) src(%arg10 : memref<125x128xf32, #tpu.memory_space<vmem>>) dst(%dma_wait3A_45 : memref<10000x128xf32, #tpu.memory_space<vmem_shared>>)
        tpu.yield
      }) : () -> ()
      %scan3A_34 = arith.constant 0 : i32
      scf.yield %scan3A_34 : i32
    }
    %scan3A_20 = arith.constant 40 : i32
    %barrier3A_21 = arith.constant 0 : index
    tpu.barrier barrier_id(%barrier3A_21)
    %lt3A_22 = arith.constant 15 : i32
    %lt3A_23 = arith.cmpi slt, %arg1, %lt3A_22 : i32
    %convert_element_type3A_24 = arith.extui %lt3A_23 : i1 to i32
    %cond3A_25 = arith.constant 0 : i32
    %cond3A_26 = arith.cmpi ne, %convert_element_type3A_24, %cond3A_25 : i32
    scf.if %cond3A_26 {
      %mul3A_32 = arith.constant 624 : i32
      %mul3A_33 = arith.muli %arg1, %mul3A_32 : i32
      %multiple_of3A = tpu.assume_multiple %mul3A_33, 8 : i32
      "tpu.region"() ({
        %run_scoped3A_34 = tpu.sem_alloc : memref<!tpu.dma_semaphore, #tpu.memory_space<semaphore_mem>>
        %dma_start3A = arith.constant 0 : i32
        %dma_start3A_35 = tpu.memref_slice %arg6[%arg0, %multiple_of3A, %dma_start3A] : memref<2x10000x128xf32, #tpu.memory_space<hbm>> -> memref<1x624x128xf32, #tpu.memory_space<hbm>>
        %dma_start3A_36 = tpu.memref_squeeze %dma_start3A_35 : memref<1x624x128xf32, #tpu.memory_space<hbm>> -> memref<624x128xf32, #tpu.memory_space<hbm>>
        %dma_start3A_37 = arith.constant 0 : i32
        %dma_start3A_38 = tpu.memref_slice %arg11[%multiple_of3A, %dma_start3A_37] : memref<10000x128xf32, #tpu.memory_space<vmem_shared>> -> memref<624x128xf32, #tpu.memory_space<vmem_shared>>
        tpu.enqueue_dma source(%dma_start3A_38 : memref<624x128xf32, #tpu.memory_space<vmem_shared>>) target(%dma_start3A_36 : memref<624x128xf32, #tpu.memory_space<hbm>>) target_semaphore(%run_scoped3A_34 : memref<!tpu.dma_semaphore, #tpu.memory_space<semaphore_mem>>)
        %dma_wait3A = arith.constant 0 : i32
        %dma_wait3A_39 = tpu.memref_slice %arg6[%arg0, %multiple_of3A, %dma_wait3A] : memref<2x10000x128xf32, #tpu.memory_space<hbm>> -> memref<1x624x128xf32, #tpu.memory_space<hbm>>
        %dma_wait3A_40 = tpu.memref_squeeze %dma_wait3A_39 : memref<1x624x128xf32, #tpu.memory_space<hbm>> -> memref<624x128xf32, #tpu.memory_space<hbm>>
        %dma_wait3A_41 = arith.constant 0 : i32
        %dma_wait3A_42 = tpu.memref_slice %arg11[%multiple_of3A, %dma_wait3A_41] : memref<10000x128xf32, #tpu.memory_space<vmem_shared>> -> memref<624x128xf32, #tpu.memory_space<vmem_shared>>
        tpu.wait_dma2 semaphore(%run_scoped3A_34 : memref<!tpu.dma_semaphore, #tpu.memory_space<semaphore_mem>>) src(%dma_wait3A_42 : memref<624x128xf32, #tpu.memory_space<vmem_shared>>) dst(%dma_wait3A_40 : memref<624x128xf32, #tpu.memory_space<hbm>>)
        tpu.yield
      }) : () -> ()
    } else {
    }
    %eq3A_27 = arith.constant 15 : i32
    %eq3A_28 = arith.cmpi eq, %arg1, %eq3A_27 : i32
    %convert_element_type3A_29 = arith.extui %eq3A_28 : i1 to i32
    %cond3A_30 = arith.constant 0 : i32
    %cond3A_31 = arith.cmpi ne, %convert_element_type3A_29, %cond3A_30 : i32
    scf.if %cond3A_31 {
      "tpu.region"() ({
        %run_scoped3A_32 = tpu.sem_alloc : memref<!tpu.dma_semaphore, #tpu.memory_space<semaphore_mem>>
        %dma_start3A = arith.constant 9360 : i32
        %dma_start3A_33 = arith.constant 0 : i32
        %dma_start3A_34 = tpu.memref_slice %arg6[%arg0, %dma_start3A, %dma_start3A_33] : memref<2x10000x128xf32, #tpu.memory_space<hbm>> -> memref<1x640x128xf32, #tpu.memory_space<hbm>>
        %dma_start3A_35 = tpu.memref_squeeze %dma_start3A_34 : memref<1x640x128xf32, #tpu.memory_space<hbm>> -> memref<640x128xf32, #tpu.memory_space<hbm>>
        %dma_start3A_36 = arith.constant 9360 : i32
        %dma_start3A_37 = arith.constant 0 : i32
        %dma_start3A_38 = tpu.memref_slice %arg11[%dma_start3A_36, %dma_start3A_37] : memref<10000x128xf32, #tpu.memory_space<vmem_shared>> -> memref<640x128xf32, #tpu.memory_space<vmem_shared>>
        tpu.enqueue_dma source(%dma_start3A_38 : memref<640x128xf32, #tpu.memory_space<vmem_shared>>) target(%dma_start3A_35 : memref<640x128xf32, #tpu.memory_space<hbm>>) target_semaphore(%run_scoped3A_32 : memref<!tpu.dma_semaphore, #tpu.memory_space<semaphore_mem>>)
        %dma_wait3A = arith.constant 9360 : i32
        %dma_wait3A_39 = arith.constant 0 : i32
        %dma_wait3A_40 = tpu.memref_slice %arg6[%arg0, %dma_wait3A, %dma_wait3A_39] : memref<2x10000x128xf32, #tpu.memory_space<hbm>> -> memref<1x640x128xf32, #tpu.memory_space<hbm>>
        %dma_wait3A_41 = tpu.memref_squeeze %dma_wait3A_40 : memref<1x640x128xf32, #tpu.memory_space<hbm>> -> memref<640x128xf32, #tpu.memory_space<hbm>>
        %dma_wait3A_42 = arith.constant 9360 : i32
        %dma_wait3A_43 = arith.constant 0 : i32
        %dma_wait3A_44 = tpu.memref_slice %arg11[%dma_wait3A_42, %dma_wait3A_43] : memref<10000x128xf32, #tpu.memory_space<vmem_shared>> -> memref<640x128xf32, #tpu.memory_space<vmem_shared>>
        tpu.wait_dma2 semaphore(%run_scoped3A_32 : memref<!tpu.dma_semaphore, #tpu.memory_space<semaphore_mem>>) src(%dma_wait3A_44 : memref<640x128xf32, #tpu.memory_space<vmem_shared>>) dst(%dma_wait3A_41 : memref<640x128xf32, #tpu.memory_space<hbm>>)
        tpu.yield
      }) : () -> ()
    } else {
    }
    return
  }
}

#map = affine_map<(d0, d1) -> (0, 0)>
#map1 = affine_map<(d0, d1) -> (0, 0, 0)>
module attributes {stable_mosaic.version = 14 : i64} {
  func.func @_spmm_kernel(%arg0: i32, %arg1: i32, %arg2: memref<10000x128xf32, #tpu.memory_space<hbm>>, %arg3: memref<32x80x125xi32, #tpu.memory_space<hbm>>, %arg4: memref<32x80x125xi32, #tpu.memory_space<hbm>>, %arg5: memref<125x128xf32, #tpu.memory_space<hbm>>, %arg6: memref<2x10000x128xf32, #tpu.memory_space<hbm>>, %arg7: memref<40x125xi32, #tpu.memory_space<vmem>>, %arg8: memref<40x125xi32, #tpu.memory_space<vmem>>, %arg9: memref<125x128xf32, #tpu.memory_space<vmem>>, %arg10: memref<125x128xf32, #tpu.memory_space<vmem>>, %arg11: memref<10000x128xf32, #tpu.memory_space<vmem_shared>>, %arg12: memref<!tpu.dma_semaphore, #tpu.memory_space<semaphore_mem>>, %arg13: memref<!tpu.dma_semaphore, #tpu.memory_space<semaphore_mem>>) attributes {dimension_semantics = [#tpu.dimension_semantics<core_parallel>, #tpu.dimension_semantics<subcore_parallel>], iteration_bounds = array<i64: 2, 16>, scalar_prefetch = 0 : i64, scratch_operands = 7 : i64, tpu.core_type = #tpu.core_type<sc_vector_subcore>, window_params = [{transform_indices = #map}, {transform_indices = #map1}, {transform_indices = #map1}, {transform_indices = #map}, {transform_indices = #map1}]} {
    %mul3A = arith.constant 16 : i32
    %mul3A_0 = arith.muli %arg0, %mul3A : i32
    %add3A = arith.addi %mul3A_0, %arg1 : i32
    "tpu.region"() ({
      %run_scoped3A = tpu.sem_alloc : memref<!tpu.dma_semaphore, #tpu.memory_space<semaphore_mem>>
      tpu.enqueue_dma source(%arg5 : memref<125x128xf32, #tpu.memory_space<hbm>>) target(%arg9 : memref<125x128xf32, #tpu.memory_space<vmem>>) target_semaphore(%run_scoped3A : memref<!tpu.dma_semaphore, #tpu.memory_space<semaphore_mem>>)
      tpu.wait_dma2 semaphore(%run_scoped3A : memref<!tpu.dma_semaphore, #tpu.memory_space<semaphore_mem>>) src(%arg5 : memref<125x128xf32, #tpu.memory_space<hbm>>) dst(%arg9 : memref<125x128xf32, #tpu.memory_space<vmem>>)
      tpu.yield
    }) : () -> ()
    %lt3A = arith.constant 15 : i32
    %lt3A_1 = arith.cmpi slt, %arg1, %lt3A : i32
    %convert_element_type3A = arith.extui %lt3A_1 : i1 to i32
    %cond3A = arith.constant 0 : i32
    %cond3A_2 = arith.cmpi ne, %convert_element_type3A, %cond3A : i32
    scf.if %cond3A_2 {
      %mul3A_44 = arith.constant 624 : i32
      %mul3A_45 = arith.muli %arg1, %mul3A_44 : i32
      %multiple_of3A = tpu.assume_multiple %mul3A_45, 8 : i32
      %add3A_46 = arith.constant 0 : i32
      %add3A_47 = arith.addi %multiple_of3A, %add3A_46 : i32
      "tpu.region"() ({
        %run_scoped3A = tpu.sem_alloc : memref<!tpu.dma_semaphore, #tpu.memory_space<semaphore_mem>>
        %dma_start3A_58 = arith.constant 0 : i32
        %dma_start3A_59 = arith.constant 0 : i32
        %dma_start3A_60 = tpu.memref_slice %arg9[%dma_start3A_58, %dma_start3A_59] : memref<125x128xf32, #tpu.memory_space<vmem>> -> memref<120x128xf32, #tpu.memory_space<vmem>>
        %dma_start3A_61 = arith.constant 0 : i32
        %dma_start3A_62 = tpu.memref_slice %arg11[%add3A_47, %dma_start3A_61] : memref<10000x128xf32, #tpu.memory_space<vmem_shared>> -> memref<120x128xf32, #tpu.memory_space<vmem_shared>>
        %dma_start3A_63 = arith.constant 0 : i32
        %dma_start3A_64 = tpu.memref_slice %arg11[%add3A_47, %dma_start3A_63] : memref<10000x128xf32, #tpu.memory_space<vmem_shared>> -> memref<120x128xf32, #tpu.memory_space<vmem_shared>>
        %dma_start3A_65 = arith.constant 0 : i32
        %dma_start3A_66 = arith.constant 0 : i32
        %dma_start3A_67 = tpu.memref_slice %arg9[%dma_start3A_65, %dma_start3A_66] : memref<125x128xf32, #tpu.memory_space<vmem>> -> memref<120x128xf32, #tpu.memory_space<vmem>>
        tpu.enqueue_dma source(%dma_start3A_67 : memref<120x128xf32, #tpu.memory_space<vmem>>) target(%dma_start3A_64 : memref<120x128xf32, #tpu.memory_space<vmem_shared>>) target_semaphore(%run_scoped3A : memref<!tpu.dma_semaphore, #tpu.memory_space<semaphore_mem>>)
        %dma_wait3A = arith.constant 0 : i32
        %dma_wait3A_68 = arith.constant 0 : i32
        %dma_wait3A_69 = tpu.memref_slice %arg9[%dma_wait3A, %dma_wait3A_68] : memref<125x128xf32, #tpu.memory_space<vmem>> -> memref<120x128xf32, #tpu.memory_space<vmem>>
        %dma_wait3A_70 = arith.constant 0 : i32
        %dma_wait3A_71 = tpu.memref_slice %arg11[%add3A_47, %dma_wait3A_70] : memref<10000x128xf32, #tpu.memory_space<vmem_shared>> -> memref<120x128xf32, #tpu.memory_space<vmem_shared>>
        %dma_wait3A_72 = arith.constant 0 : i32
        %dma_wait3A_73 = tpu.memref_slice %arg11[%add3A_47, %dma_wait3A_72] : memref<10000x128xf32, #tpu.memory_space<vmem_shared>> -> memref<120x128xf32, #tpu.memory_space<vmem_shared>>
        %dma_wait3A_74 = arith.constant 0 : i32
        %dma_wait3A_75 = arith.constant 0 : i32
        %dma_wait3A_76 = tpu.memref_slice %arg9[%dma_wait3A_74, %dma_wait3A_75] : memref<125x128xf32, #tpu.memory_space<vmem>> -> memref<120x128xf32, #tpu.memory_space<vmem>>
        tpu.wait_dma2 semaphore(%run_scoped3A : memref<!tpu.dma_semaphore, #tpu.memory_space<semaphore_mem>>) src(%dma_wait3A_76 : memref<120x128xf32, #tpu.memory_space<vmem>>) dst(%dma_wait3A_73 : memref<120x128xf32, #tpu.memory_space<vmem_shared>>)
        tpu.yield
      }) : () -> ()
      %add3A_48 = arith.constant 120 : i32
      %add3A_49 = arith.addi %multiple_of3A, %add3A_48 : i32
      "tpu.region"() ({
        %run_scoped3A = tpu.sem_alloc : memref<!tpu.dma_semaphore, #tpu.memory_space<semaphore_mem>>
        %dma_start3A_58 = arith.constant 0 : i32
        %dma_start3A_59 = arith.constant 0 : i32
        %dma_start3A_60 = tpu.memref_slice %arg9[%dma_start3A_58, %dma_start3A_59] : memref<125x128xf32, #tpu.memory_space<vmem>> -> memref<120x128xf32, #tpu.memory_space<vmem>>
        %dma_start3A_61 = arith.constant 0 : i32
        %dma_start3A_62 = tpu.memref_slice %arg11[%add3A_49, %dma_start3A_61] : memref<10000x128xf32, #tpu.memory_space<vmem_shared>> -> memref<120x128xf32, #tpu.memory_space<vmem_shared>>
        %dma_start3A_63 = arith.constant 0 : i32
        %dma_start3A_64 = tpu.memref_slice %arg11[%add3A_49, %dma_start3A_63] : memref<10000x128xf32, #tpu.memory_space<vmem_shared>> -> memref<120x128xf32, #tpu.memory_space<vmem_shared>>
        %dma_start3A_65 = arith.constant 0 : i32
        %dma_start3A_66 = arith.constant 0 : i32
        %dma_start3A_67 = tpu.memref_slice %arg9[%dma_start3A_65, %dma_start3A_66] : memref<125x128xf32, #tpu.memory_space<vmem>> -> memref<120x128xf32, #tpu.memory_space<vmem>>
        tpu.enqueue_dma source(%dma_start3A_67 : memref<120x128xf32, #tpu.memory_space<vmem>>) target(%dma_start3A_64 : memref<120x128xf32, #tpu.memory_space<vmem_shared>>) target_semaphore(%run_scoped3A : memref<!tpu.dma_semaphore, #tpu.memory_space<semaphore_mem>>)
        %dma_wait3A = arith.constant 0 : i32
        %dma_wait3A_68 = arith.constant 0 : i32
        %dma_wait3A_69 = tpu.memref_slice %arg9[%dma_wait3A, %dma_wait3A_68] : memref<125x128xf32, #tpu.memory_space<vmem>> -> memref<120x128xf32, #tpu.memory_space<vmem>>
        %dma_wait3A_70 = arith.constant 0 : i32
        %dma_wait3A_71 = tpu.memref_slice %arg11[%add3A_49, %dma_wait3A_70] : memref<10000x128xf32, #tpu.memory_space<vmem_shared>> -> memref<120x128xf32, #tpu.memory_space<vmem_shared>>
        %dma_wait3A_72 = arith.constant 0 : i32
        %dma_wait3A_73 = tpu.memref_slice %arg11[%add3A_49, %dma_wait3A_72] : memref<10000x128xf32, #tpu.memory_space<vmem_shared>> -> memref<120x128xf32, #tpu.memory_space<vmem_shared>>
        %dma_wait3A_74 = arith.constant 0 : i32
        %dma_wait3A_75 = arith.constant 0 : i32
        %dma_wait3A_76 = tpu.memref_slice %arg9[%dma_wait3A_74, %dma_wait3A_75] : memref<125x128xf32, #tpu.memory_space<vmem>> -> memref<120x128xf32, #tpu.memory_space<vmem>>
        tpu.wait_dma2 semaphore(%run_scoped3A : memref<!tpu.dma_semaphore, #tpu.memory_space<semaphore_mem>>) src(%dma_wait3A_76 : memref<120x128xf32, #tpu.memory_space<vmem>>) dst(%dma_wait3A_73 : memref<120x128xf32, #tpu.memory_space<vmem_shared>>)
        tpu.yield
      }) : () -> ()
      %add3A_50 = arith.constant 240 : i32
      %add3A_51 = arith.addi %multiple_of3A, %add3A_50 : i32
      "tpu.region"() ({
        %run_scoped3A = tpu.sem_alloc : memref<!tpu.dma_semaphore, #tpu.memory_space<semaphore_mem>>
        %dma_start3A_58 = arith.constant 0 : i32
        %dma_start3A_59 = arith.constant 0 : i32
        %dma_start3A_60 = tpu.memref_slice %arg9[%dma_start3A_58, %dma_start3A_59] : memref<125x128xf32, #tpu.memory_space<vmem>> -> memref<120x128xf32, #tpu.memory_space<vmem>>
        %dma_start3A_61 = arith.constant 0 : i32
        %dma_start3A_62 = tpu.memref_slice %arg11[%add3A_51, %dma_start3A_61] : memref<10000x128xf32, #tpu.memory_space<vmem_shared>> -> memref<120x128xf32, #tpu.memory_space<vmem_shared>>
        %dma_start3A_63 = arith.constant 0 : i32
        %dma_start3A_64 = tpu.memref_slice %arg11[%add3A_51, %dma_start3A_63] : memref<10000x128xf32, #tpu.memory_space<vmem_shared>> -> memref<120x128xf32, #tpu.memory_space<vmem_shared>>
        %dma_start3A_65 = arith.constant 0 : i32
        %dma_start3A_66 = arith.constant 0 : i32
        %dma_start3A_67 = tpu.memref_slice %arg9[%dma_start3A_65, %dma_start3A_66] : memref<125x128xf32, #tpu.memory_space<vmem>> -> memref<120x128xf32, #tpu.memory_space<vmem>>
        tpu.enqueue_dma source(%dma_start3A_67 : memref<120x128xf32, #tpu.memory_space<vmem>>) target(%dma_start3A_64 : memref<120x128xf32, #tpu.memory_space<vmem_shared>>) target_semaphore(%run_scoped3A : memref<!tpu.dma_semaphore, #tpu.memory_space<semaphore_mem>>)
        %dma_wait3A = arith.constant 0 : i32
        %dma_wait3A_68 = arith.constant 0 : i32
        %dma_wait3A_69 = tpu.memref_slice %arg9[%dma_wait3A, %dma_wait3A_68] : memref<125x128xf32, #tpu.memory_space<vmem>> -> memref<120x128xf32, #tpu.memory_space<vmem>>
        %dma_wait3A_70 = arith.constant 0 : i32
        %dma_wait3A_71 = tpu.memref_slice %arg11[%add3A_51, %dma_wait3A_70] : memref<10000x128xf32, #tpu.memory_space<vmem_shared>> -> memref<120x128xf32, #tpu.memory_space<vmem_shared>>
        %dma_wait3A_72 = arith.constant 0 : i32
        %dma_wait3A_73 = tpu.memref_slice %arg11[%add3A_51, %dma_wait3A_72] : memref<10000x128xf32, #tpu.memory_space<vmem_shared>> -> memref<120x128xf32, #tpu.memory_space<vmem_shared>>
        %dma_wait3A_74 = arith.constant 0 : i32
        %dma_wait3A_75 = arith.constant 0 : i32
        %dma_wait3A_76 = tpu.memref_slice %arg9[%dma_wait3A_74, %dma_wait3A_75] : memref<125x128xf32, #tpu.memory_space<vmem>> -> memref<120x128xf32, #tpu.memory_space<vmem>>
        tpu.wait_dma2 semaphore(%run_scoped3A : memref<!tpu.dma_semaphore, #tpu.memory_space<semaphore_mem>>) src(%dma_wait3A_76 : memref<120x128xf32, #tpu.memory_space<vmem>>) dst(%dma_wait3A_73 : memref<120x128xf32, #tpu.memory_space<vmem_shared>>)
        tpu.yield
      }) : () -> ()
      %add3A_52 = arith.constant 360 : i32
      %add3A_53 = arith.addi %multiple_of3A, %add3A_52 : i32
      "tpu.region"() ({
        %run_scoped3A = tpu.sem_alloc : memref<!tpu.dma_semaphore, #tpu.memory_space<semaphore_mem>>
        %dma_start3A_58 = arith.constant 0 : i32
        %dma_start3A_59 = arith.constant 0 : i32
        %dma_start3A_60 = tpu.memref_slice %arg9[%dma_start3A_58, %dma_start3A_59] : memref<125x128xf32, #tpu.memory_space<vmem>> -> memref<120x128xf32, #tpu.memory_space<vmem>>
        %dma_start3A_61 = arith.constant 0 : i32
        %dma_start3A_62 = tpu.memref_slice %arg11[%add3A_53, %dma_start3A_61] : memref<10000x128xf32, #tpu.memory_space<vmem_shared>> -> memref<120x128xf32, #tpu.memory_space<vmem_shared>>
        %dma_start3A_63 = arith.constant 0 : i32
        %dma_start3A_64 = tpu.memref_slice %arg11[%add3A_53, %dma_start3A_63] : memref<10000x128xf32, #tpu.memory_space<vmem_shared>> -> memref<120x128xf32, #tpu.memory_space<vmem_shared>>
        %dma_start3A_65 = arith.constant 0 : i32
        %dma_start3A_66 = arith.constant 0 : i32
        %dma_start3A_67 = tpu.memref_slice %arg9[%dma_start3A_65, %dma_start3A_66] : memref<125x128xf32, #tpu.memory_space<vmem>> -> memref<120x128xf32, #tpu.memory_space<vmem>>
        tpu.enqueue_dma source(%dma_start3A_67 : memref<120x128xf32, #tpu.memory_space<vmem>>) target(%dma_start3A_64 : memref<120x128xf32, #tpu.memory_space<vmem_shared>>) target_semaphore(%run_scoped3A : memref<!tpu.dma_semaphore, #tpu.memory_space<semaphore_mem>>)
        %dma_wait3A = arith.constant 0 : i32
        %dma_wait3A_68 = arith.constant 0 : i32
        %dma_wait3A_69 = tpu.memref_slice %arg9[%dma_wait3A, %dma_wait3A_68] : memref<125x128xf32, #tpu.memory_space<vmem>> -> memref<120x128xf32, #tpu.memory_space<vmem>>
        %dma_wait3A_70 = arith.constant 0 : i32
        %dma_wait3A_71 = tpu.memref_slice %arg11[%add3A_53, %dma_wait3A_70] : memref<10000x128xf32, #tpu.memory_space<vmem_shared>> -> memref<120x128xf32, #tpu.memory_space<vmem_shared>>
        %dma_wait3A_72 = arith.constant 0 : i32
        %dma_wait3A_73 = tpu.memref_slice %arg11[%add3A_53, %dma_wait3A_72] : memref<10000x128xf32, #tpu.memory_space<vmem_shared>> -> memref<120x128xf32, #tpu.memory_space<vmem_shared>>
        %dma_wait3A_74 = arith.constant 0 : i32
        %dma_wait3A_75 = arith.constant 0 : i32
        %dma_wait3A_76 = tpu.memref_slice %arg9[%dma_wait3A_74, %dma_wait3A_75] : memref<125x128xf32, #tpu.memory_space<vmem>> -> memref<120x128xf32, #tpu.memory_space<vmem>>
        tpu.wait_dma2 semaphore(%run_scoped3A : memref<!tpu.dma_semaphore, #tpu.memory_space<semaphore_mem>>) src(%dma_wait3A_76 : memref<120x128xf32, #tpu.memory_space<vmem>>) dst(%dma_wait3A_73 : memref<120x128xf32, #tpu.memory_space<vmem_shared>>)
        tpu.yield
      }) : () -> ()
      %add3A_54 = arith.constant 480 : i32
      %add3A_55 = arith.addi %multiple_of3A, %add3A_54 : i32
      "tpu.region"() ({
        %run_scoped3A = tpu.sem_alloc : memref<!tpu.dma_semaphore, #tpu.memory_space<semaphore_mem>>
        %dma_start3A_58 = arith.constant 0 : i32
        %dma_start3A_59 = arith.constant 0 : i32
        %dma_start3A_60 = tpu.memref_slice %arg9[%dma_start3A_58, %dma_start3A_59] : memref<125x128xf32, #tpu.memory_space<vmem>> -> memref<120x128xf32, #tpu.memory_space<vmem>>
        %dma_start3A_61 = arith.constant 0 : i32
        %dma_start3A_62 = tpu.memref_slice %arg11[%add3A_55, %dma_start3A_61] : memref<10000x128xf32, #tpu.memory_space<vmem_shared>> -> memref<120x128xf32, #tpu.memory_space<vmem_shared>>
        %dma_start3A_63 = arith.constant 0 : i32
        %dma_start3A_64 = tpu.memref_slice %arg11[%add3A_55, %dma_start3A_63] : memref<10000x128xf32, #tpu.memory_space<vmem_shared>> -> memref<120x128xf32, #tpu.memory_space<vmem_shared>>
        %dma_start3A_65 = arith.constant 0 : i32
        %dma_start3A_66 = arith.constant 0 : i32
        %dma_start3A_67 = tpu.memref_slice %arg9[%dma_start3A_65, %dma_start3A_66] : memref<125x128xf32, #tpu.memory_space<vmem>> -> memref<120x128xf32, #tpu.memory_space<vmem>>
        tpu.enqueue_dma source(%dma_start3A_67 : memref<120x128xf32, #tpu.memory_space<vmem>>) target(%dma_start3A_64 : memref<120x128xf32, #tpu.memory_space<vmem_shared>>) target_semaphore(%run_scoped3A : memref<!tpu.dma_semaphore, #tpu.memory_space<semaphore_mem>>)
        %dma_wait3A = arith.constant 0 : i32
        %dma_wait3A_68 = arith.constant 0 : i32
        %dma_wait3A_69 = tpu.memref_slice %arg9[%dma_wait3A, %dma_wait3A_68] : memref<125x128xf32, #tpu.memory_space<vmem>> -> memref<120x128xf32, #tpu.memory_space<vmem>>
        %dma_wait3A_70 = arith.constant 0 : i32
        %dma_wait3A_71 = tpu.memref_slice %arg11[%add3A_55, %dma_wait3A_70] : memref<10000x128xf32, #tpu.memory_space<vmem_shared>> -> memref<120x128xf32, #tpu.memory_space<vmem_shared>>
        %dma_wait3A_72 = arith.constant 0 : i32
        %dma_wait3A_73 = tpu.memref_slice %arg11[%add3A_55, %dma_wait3A_72] : memref<10000x128xf32, #tpu.memory_space<vmem_shared>> -> memref<120x128xf32, #tpu.memory_space<vmem_shared>>
        %dma_wait3A_74 = arith.constant 0 : i32
        %dma_wait3A_75 = arith.constant 0 : i32
        %dma_wait3A_76 = tpu.memref_slice %arg9[%dma_wait3A_74, %dma_wait3A_75] : memref<125x128xf32, #tpu.memory_space<vmem>> -> memref<120x128xf32, #tpu.memory_space<vmem>>
        tpu.wait_dma2 semaphore(%run_scoped3A : memref<!tpu.dma_semaphore, #tpu.memory_space<semaphore_mem>>) src(%dma_wait3A_76 : memref<120x128xf32, #tpu.memory_space<vmem>>) dst(%dma_wait3A_73 : memref<120x128xf32, #tpu.memory_space<vmem_shared>>)
        tpu.yield
      }) : () -> ()
      %add3A_56 = arith.constant 600 : i32
      %add3A_57 = arith.addi %multiple_of3A, %add3A_56 : i32
      "tpu.region"() ({
        %run_scoped3A = tpu.sem_alloc : memref<!tpu.dma_semaphore, #tpu.memory_space<semaphore_mem>>
        %dma_start3A_58 = arith.constant 0 : i32
        %dma_start3A_59 = arith.constant 0 : i32
        %dma_start3A_60 = tpu.memref_slice %arg9[%dma_start3A_58, %dma_start3A_59] : memref<125x128xf32, #tpu.memory_space<vmem>> -> memref<24x128xf32, #tpu.memory_space<vmem>>
        %dma_start3A_61 = arith.constant 0 : i32
        %dma_start3A_62 = tpu.memref_slice %arg11[%add3A_57, %dma_start3A_61] : memref<10000x128xf32, #tpu.memory_space<vmem_shared>> -> memref<24x128xf32, #tpu.memory_space<vmem_shared>>
        %dma_start3A_63 = arith.constant 0 : i32
        %dma_start3A_64 = tpu.memref_slice %arg11[%add3A_57, %dma_start3A_63] : memref<10000x128xf32, #tpu.memory_space<vmem_shared>> -> memref<24x128xf32, #tpu.memory_space<vmem_shared>>
        %dma_start3A_65 = arith.constant 0 : i32
        %dma_start3A_66 = arith.constant 0 : i32
        %dma_start3A_67 = tpu.memref_slice %arg9[%dma_start3A_65, %dma_start3A_66] : memref<125x128xf32, #tpu.memory_space<vmem>> -> memref<24x128xf32, #tpu.memory_space<vmem>>
        tpu.enqueue_dma source(%dma_start3A_67 : memref<24x128xf32, #tpu.memory_space<vmem>>) target(%dma_start3A_64 : memref<24x128xf32, #tpu.memory_space<vmem_shared>>) target_semaphore(%run_scoped3A : memref<!tpu.dma_semaphore, #tpu.memory_space<semaphore_mem>>)
        %dma_wait3A = arith.constant 0 : i32
        %dma_wait3A_68 = arith.constant 0 : i32
        %dma_wait3A_69 = tpu.memref_slice %arg9[%dma_wait3A, %dma_wait3A_68] : memref<125x128xf32, #tpu.memory_space<vmem>> -> memref<24x128xf32, #tpu.memory_space<vmem>>
        %dma_wait3A_70 = arith.constant 0 : i32
        %dma_wait3A_71 = tpu.memref_slice %arg11[%add3A_57, %dma_wait3A_70] : memref<10000x128xf32, #tpu.memory_space<vmem_shared>> -> memref<24x128xf32, #tpu.memory_space<vmem_shared>>
        %dma_wait3A_72 = arith.constant 0 : i32
        %dma_wait3A_73 = tpu.memref_slice %arg11[%add3A_57, %dma_wait3A_72] : memref<10000x128xf32, #tpu.memory_space<vmem_shared>> -> memref<24x128xf32, #tpu.memory_space<vmem_shared>>
        %dma_wait3A_74 = arith.constant 0 : i32
        %dma_wait3A_75 = arith.constant 0 : i32
        %dma_wait3A_76 = tpu.memref_slice %arg9[%dma_wait3A_74, %dma_wait3A_75] : memref<125x128xf32, #tpu.memory_space<vmem>> -> memref<24x128xf32, #tpu.memory_space<vmem>>
        tpu.wait_dma2 semaphore(%run_scoped3A : memref<!tpu.dma_semaphore, #tpu.memory_space<semaphore_mem>>) src(%dma_wait3A_76 : memref<24x128xf32, #tpu.memory_space<vmem>>) dst(%dma_wait3A_73 : memref<24x128xf32, #tpu.memory_space<vmem_shared>>)
        tpu.yield
      }) : () -> ()
    } else {
    }
    %eq3A = arith.constant 15 : i32
    %eq3A_3 = arith.cmpi eq, %arg1, %eq3A : i32
    %convert_element_type3A_4 = arith.extui %eq3A_3 : i1 to i32
    %cond3A_5 = arith.constant 0 : i32
    %cond3A_6 = arith.cmpi ne, %convert_element_type3A_4, %cond3A_5 : i32
    scf.if %cond3A_6 {
      "tpu.region"() ({
        %run_scoped3A = tpu.sem_alloc : memref<!tpu.dma_semaphore, #tpu.memory_space<semaphore_mem>>
        %dma_start3A_44 = arith.constant 0 : i32
        %dma_start3A_45 = arith.constant 0 : i32
        %dma_start3A_46 = tpu.memref_slice %arg9[%dma_start3A_44, %dma_start3A_45] : memref<125x128xf32, #tpu.memory_space<vmem>> -> memref<120x128xf32, #tpu.memory_space<vmem>>
        %dma_start3A_47 = arith.constant 9360 : i32
        %dma_start3A_48 = arith.constant 0 : i32
        %dma_start3A_49 = tpu.memref_slice %arg11[%dma_start3A_47, %dma_start3A_48] : memref<10000x128xf32, #tpu.memory_space<vmem_shared>> -> memref<120x128xf32, #tpu.memory_space<vmem_shared>>
        %dma_start3A_50 = arith.constant 9360 : i32
        %dma_start3A_51 = arith.constant 0 : i32
        %dma_start3A_52 = tpu.memref_slice %arg11[%dma_start3A_50, %dma_start3A_51] : memref<10000x128xf32, #tpu.memory_space<vmem_shared>> -> memref<120x128xf32, #tpu.memory_space<vmem_shared>>
        %dma_start3A_53 = arith.constant 0 : i32
        %dma_start3A_54 = arith.constant 0 : i32
        %dma_start3A_55 = tpu.memref_slice %arg9[%dma_start3A_53, %dma_start3A_54] : memref<125x128xf32, #tpu.memory_space<vmem>> -> memref<120x128xf32, #tpu.memory_space<vmem>>
        tpu.enqueue_dma source(%dma_start3A_55 : memref<120x128xf32, #tpu.memory_space<vmem>>) target(%dma_start3A_52 : memref<120x128xf32, #tpu.memory_space<vmem_shared>>) target_semaphore(%run_scoped3A : memref<!tpu.dma_semaphore, #tpu.memory_space<semaphore_mem>>)
        %dma_wait3A = arith.constant 0 : i32
        %dma_wait3A_56 = arith.constant 0 : i32
        %dma_wait3A_57 = tpu.memref_slice %arg9[%dma_wait3A, %dma_wait3A_56] : memref<125x128xf32, #tpu.memory_space<vmem>> -> memref<120x128xf32, #tpu.memory_space<vmem>>
        %dma_wait3A_58 = arith.constant 9360 : i32
        %dma_wait3A_59 = arith.constant 0 : i32
        %dma_wait3A_60 = tpu.memref_slice %arg11[%dma_wait3A_58, %dma_wait3A_59] : memref<10000x128xf32, #tpu.memory_space<vmem_shared>> -> memref<120x128xf32, #tpu.memory_space<vmem_shared>>
        %dma_wait3A_61 = arith.constant 9360 : i32
        %dma_wait3A_62 = arith.constant 0 : i32
        %dma_wait3A_63 = tpu.memref_slice %arg11[%dma_wait3A_61, %dma_wait3A_62] : memref<10000x128xf32, #tpu.memory_space<vmem_shared>> -> memref<120x128xf32, #tpu.memory_space<vmem_shared>>
        %dma_wait3A_64 = arith.constant 0 : i32
        %dma_wait3A_65 = arith.constant 0 : i32
        %dma_wait3A_66 = tpu.memref_slice %arg9[%dma_wait3A_64, %dma_wait3A_65] : memref<125x128xf32, #tpu.memory_space<vmem>> -> memref<120x128xf32, #tpu.memory_space<vmem>>
        tpu.wait_dma2 semaphore(%run_scoped3A : memref<!tpu.dma_semaphore, #tpu.memory_space<semaphore_mem>>) src(%dma_wait3A_66 : memref<120x128xf32, #tpu.memory_space<vmem>>) dst(%dma_wait3A_63 : memref<120x128xf32, #tpu.memory_space<vmem_shared>>)
        tpu.yield
      }) : () -> ()
      "tpu.region"() ({
        %run_scoped3A = tpu.sem_alloc : memref<!tpu.dma_semaphore, #tpu.memory_space<semaphore_mem>>
        %dma_start3A_44 = arith.constant 0 : i32
        %dma_start3A_45 = arith.constant 0 : i32
        %dma_start3A_46 = tpu.memref_slice %arg9[%dma_start3A_44, %dma_start3A_45] : memref<125x128xf32, #tpu.memory_space<vmem>> -> memref<120x128xf32, #tpu.memory_space<vmem>>
        %dma_start3A_47 = arith.constant 9480 : i32
        %dma_start3A_48 = arith.constant 0 : i32
        %dma_start3A_49 = tpu.memref_slice %arg11[%dma_start3A_47, %dma_start3A_48] : memref<10000x128xf32, #tpu.memory_space<vmem_shared>> -> memref<120x128xf32, #tpu.memory_space<vmem_shared>>
        %dma_start3A_50 = arith.constant 9480 : i32
        %dma_start3A_51 = arith.constant 0 : i32
        %dma_start3A_52 = tpu.memref_slice %arg11[%dma_start3A_50, %dma_start3A_51] : memref<10000x128xf32, #tpu.memory_space<vmem_shared>> -> memref<120x128xf32, #tpu.memory_space<vmem_shared>>
        %dma_start3A_53 = arith.constant 0 : i32
        %dma_start3A_54 = arith.constant 0 : i32
        %dma_start3A_55 = tpu.memref_slice %arg9[%dma_start3A_53, %dma_start3A_54] : memref<125x128xf32, #tpu.memory_space<vmem>> -> memref<120x128xf32, #tpu.memory_space<vmem>>
        tpu.enqueue_dma source(%dma_start3A_55 : memref<120x128xf32, #tpu.memory_space<vmem>>) target(%dma_start3A_52 : memref<120x128xf32, #tpu.memory_space<vmem_shared>>) target_semaphore(%run_scoped3A : memref<!tpu.dma_semaphore, #tpu.memory_space<semaphore_mem>>)
        %dma_wait3A = arith.constant 0 : i32
        %dma_wait3A_56 = arith.constant 0 : i32
        %dma_wait3A_57 = tpu.memref_slice %arg9[%dma_wait3A, %dma_wait3A_56] : memref<125x128xf32, #tpu.memory_space<vmem>> -> memref<120x128xf32, #tpu.memory_space<vmem>>
        %dma_wait3A_58 = arith.constant 9480 : i32
        %dma_wait3A_59 = arith.constant 0 : i32
        %dma_wait3A_60 = tpu.memref_slice %arg11[%dma_wait3A_58, %dma_wait3A_59] : memref<10000x128xf32, #tpu.memory_space<vmem_shared>> -> memref<120x128xf32, #tpu.memory_space<vmem_shared>>
        %dma_wait3A_61 = arith.constant 9480 : i32
        %dma_wait3A_62 = arith.constant 0 : i32
        %dma_wait3A_63 = tpu.memref_slice %arg11[%dma_wait3A_61, %dma_wait3A_62] : memref<10000x128xf32, #tpu.memory_space<vmem_shared>> -> memref<120x128xf32, #tpu.memory_space<vmem_shared>>
        %dma_wait3A_64 = arith.constant 0 : i32
        %dma_wait3A_65 = arith.constant 0 : i32
        %dma_wait3A_66 = tpu.memref_slice %arg9[%dma_wait3A_64, %dma_wait3A_65] : memref<125x128xf32, #tpu.memory_space<vmem>> -> memref<120x128xf32, #tpu.memory_space<vmem>>
        tpu.wait_dma2 semaphore(%run_scoped3A : memref<!tpu.dma_semaphore, #tpu.memory_space<semaphore_mem>>) src(%dma_wait3A_66 : memref<120x128xf32, #tpu.memory_space<vmem>>) dst(%dma_wait3A_63 : memref<120x128xf32, #tpu.memory_space<vmem_shared>>)
        tpu.yield
      }) : () -> ()
      "tpu.region"() ({
        %run_scoped3A = tpu.sem_alloc : memref<!tpu.dma_semaphore, #tpu.memory_space<semaphore_mem>>
        %dma_start3A_44 = arith.constant 0 : i32
        %dma_start3A_45 = arith.constant 0 : i32
        %dma_start3A_46 = tpu.memref_slice %arg9[%dma_start3A_44, %dma_start3A_45] : memref<125x128xf32, #tpu.memory_space<vmem>> -> memref<120x128xf32, #tpu.memory_space<vmem>>
        %dma_start3A_47 = arith.constant 9600 : i32
        %dma_start3A_48 = arith.constant 0 : i32
        %dma_start3A_49 = tpu.memref_slice %arg11[%dma_start3A_47, %dma_start3A_48] : memref<10000x128xf32, #tpu.memory_space<vmem_shared>> -> memref<120x128xf32, #tpu.memory_space<vmem_shared>>
        %dma_start3A_50 = arith.constant 9600 : i32
        %dma_start3A_51 = arith.constant 0 : i32
        %dma_start3A_52 = tpu.memref_slice %arg11[%dma_start3A_50, %dma_start3A_51] : memref<10000x128xf32, #tpu.memory_space<vmem_shared>> -> memref<120x128xf32, #tpu.memory_space<vmem_shared>>
        %dma_start3A_53 = arith.constant 0 : i32
        %dma_start3A_54 = arith.constant 0 : i32
        %dma_start3A_55 = tpu.memref_slice %arg9[%dma_start3A_53, %dma_start3A_54] : memref<125x128xf32, #tpu.memory_space<vmem>> -> memref<120x128xf32, #tpu.memory_space<vmem>>
        tpu.enqueue_dma source(%dma_start3A_55 : memref<120x128xf32, #tpu.memory_space<vmem>>) target(%dma_start3A_52 : memref<120x128xf32, #tpu.memory_space<vmem_shared>>) target_semaphore(%run_scoped3A : memref<!tpu.dma_semaphore, #tpu.memory_space<semaphore_mem>>)
        %dma_wait3A = arith.constant 0 : i32
        %dma_wait3A_56 = arith.constant 0 : i32
        %dma_wait3A_57 = tpu.memref_slice %arg9[%dma_wait3A, %dma_wait3A_56] : memref<125x128xf32, #tpu.memory_space<vmem>> -> memref<120x128xf32, #tpu.memory_space<vmem>>
        %dma_wait3A_58 = arith.constant 9600 : i32
        %dma_wait3A_59 = arith.constant 0 : i32
        %dma_wait3A_60 = tpu.memref_slice %arg11[%dma_wait3A_58, %dma_wait3A_59] : memref<10000x128xf32, #tpu.memory_space<vmem_shared>> -> memref<120x128xf32, #tpu.memory_space<vmem_shared>>
        %dma_wait3A_61 = arith.constant 9600 : i32
        %dma_wait3A_62 = arith.constant 0 : i32
        %dma_wait3A_63 = tpu.memref_slice %arg11[%dma_wait3A_61, %dma_wait3A_62] : memref<10000x128xf32, #tpu.memory_space<vmem_shared>> -> memref<120x128xf32, #tpu.memory_space<vmem_shared>>
        %dma_wait3A_64 = arith.constant 0 : i32
        %dma_wait3A_65 = arith.constant 0 : i32
        %dma_wait3A_66 = tpu.memref_slice %arg9[%dma_wait3A_64, %dma_wait3A_65] : memref<125x128xf32, #tpu.memory_space<vmem>> -> memref<120x128xf32, #tpu.memory_space<vmem>>
        tpu.wait_dma2 semaphore(%run_scoped3A : memref<!tpu.dma_semaphore, #tpu.memory_space<semaphore_mem>>) src(%dma_wait3A_66 : memref<120x128xf32, #tpu.memory_space<vmem>>) dst(%dma_wait3A_63 : memref<120x128xf32, #tpu.memory_space<vmem_shared>>)
        tpu.yield
      }) : () -> ()
      "tpu.region"() ({
        %run_scoped3A = tpu.sem_alloc : memref<!tpu.dma_semaphore, #tpu.memory_space<semaphore_mem>>
        %dma_start3A_44 = arith.constant 0 : i32
        %dma_start3A_45 = arith.constant 0 : i32
        %dma_start3A_46 = tpu.memref_slice %arg9[%dma_start3A_44, %dma_start3A_45] : memref<125x128xf32, #tpu.memory_space<vmem>> -> memref<120x128xf32, #tpu.memory_space<vmem>>
        %dma_start3A_47 = arith.constant 9720 : i32
        %dma_start3A_48 = arith.constant 0 : i32
        %dma_start3A_49 = tpu.memref_slice %arg11[%dma_start3A_47, %dma_start3A_48] : memref<10000x128xf32, #tpu.memory_space<vmem_shared>> -> memref<120x128xf32, #tpu.memory_space<vmem_shared>>
        %dma_start3A_50 = arith.constant 9720 : i32
        %dma_start3A_51 = arith.constant 0 : i32
        %dma_start3A_52 = tpu.memref_slice %arg11[%dma_start3A_50, %dma_start3A_51] : memref<10000x128xf32, #tpu.memory_space<vmem_shared>> -> memref<120x128xf32, #tpu.memory_space<vmem_shared>>
        %dma_start3A_53 = arith.constant 0 : i32
        %dma_start3A_54 = arith.constant 0 : i32
        %dma_start3A_55 = tpu.memref_slice %arg9[%dma_start3A_53, %dma_start3A_54] : memref<125x128xf32, #tpu.memory_space<vmem>> -> memref<120x128xf32, #tpu.memory_space<vmem>>
        tpu.enqueue_dma source(%dma_start3A_55 : memref<120x128xf32, #tpu.memory_space<vmem>>) target(%dma_start3A_52 : memref<120x128xf32, #tpu.memory_space<vmem_shared>>) target_semaphore(%run_scoped3A : memref<!tpu.dma_semaphore, #tpu.memory_space<semaphore_mem>>)
        %dma_wait3A = arith.constant 0 : i32
        %dma_wait3A_56 = arith.constant 0 : i32
        %dma_wait3A_57 = tpu.memref_slice %arg9[%dma_wait3A, %dma_wait3A_56] : memref<125x128xf32, #tpu.memory_space<vmem>> -> memref<120x128xf32, #tpu.memory_space<vmem>>
        %dma_wait3A_58 = arith.constant 9720 : i32
        %dma_wait3A_59 = arith.constant 0 : i32
        %dma_wait3A_60 = tpu.memref_slice %arg11[%dma_wait3A_58, %dma_wait3A_59] : memref<10000x128xf32, #tpu.memory_space<vmem_shared>> -> memref<120x128xf32, #tpu.memory_space<vmem_shared>>
        %dma_wait3A_61 = arith.constant 9720 : i32
        %dma_wait3A_62 = arith.constant 0 : i32
        %dma_wait3A_63 = tpu.memref_slice %arg11[%dma_wait3A_61, %dma_wait3A_62] : memref<10000x128xf32, #tpu.memory_space<vmem_shared>> -> memref<120x128xf32, #tpu.memory_space<vmem_shared>>
        %dma_wait3A_64 = arith.constant 0 : i32
        %dma_wait3A_65 = arith.constant 0 : i32
        %dma_wait3A_66 = tpu.memref_slice %arg9[%dma_wait3A_64, %dma_wait3A_65] : memref<125x128xf32, #tpu.memory_space<vmem>> -> memref<120x128xf32, #tpu.memory_space<vmem>>
        tpu.wait_dma2 semaphore(%run_scoped3A : memref<!tpu.dma_semaphore, #tpu.memory_space<semaphore_mem>>) src(%dma_wait3A_66 : memref<120x128xf32, #tpu.memory_space<vmem>>) dst(%dma_wait3A_63 : memref<120x128xf32, #tpu.memory_space<vmem_shared>>)
        tpu.yield
      }) : () -> ()
      "tpu.region"() ({
        %run_scoped3A = tpu.sem_alloc : memref<!tpu.dma_semaphore, #tpu.memory_space<semaphore_mem>>
        %dma_start3A_44 = arith.constant 0 : i32
        %dma_start3A_45 = arith.constant 0 : i32
        %dma_start3A_46 = tpu.memref_slice %arg9[%dma_start3A_44, %dma_start3A_45] : memref<125x128xf32, #tpu.memory_space<vmem>> -> memref<120x128xf32, #tpu.memory_space<vmem>>
        %dma_start3A_47 = arith.constant 9840 : i32
        %dma_start3A_48 = arith.constant 0 : i32
        %dma_start3A_49 = tpu.memref_slice %arg11[%dma_start3A_47, %dma_start3A_48] : memref<10000x128xf32, #tpu.memory_space<vmem_shared>> -> memref<120x128xf32, #tpu.memory_space<vmem_shared>>
        %dma_start3A_50 = arith.constant 9840 : i32
        %dma_start3A_51 = arith.constant 0 : i32
        %dma_start3A_52 = tpu.memref_slice %arg11[%dma_start3A_50, %dma_start3A_51] : memref<10000x128xf32, #tpu.memory_space<vmem_shared>> -> memref<120x128xf32, #tpu.memory_space<vmem_shared>>
        %dma_start3A_53 = arith.constant 0 : i32
        %dma_start3A_54 = arith.constant 0 : i32
        %dma_start3A_55 = tpu.memref_slice %arg9[%dma_start3A_53, %dma_start3A_54] : memref<125x128xf32, #tpu.memory_space<vmem>> -> memref<120x128xf32, #tpu.memory_space<vmem>>
        tpu.enqueue_dma source(%dma_start3A_55 : memref<120x128xf32, #tpu.memory_space<vmem>>) target(%dma_start3A_52 : memref<120x128xf32, #tpu.memory_space<vmem_shared>>) target_semaphore(%run_scoped3A : memref<!tpu.dma_semaphore, #tpu.memory_space<semaphore_mem>>)
        %dma_wait3A = arith.constant 0 : i32
        %dma_wait3A_56 = arith.constant 0 : i32
        %dma_wait3A_57 = tpu.memref_slice %arg9[%dma_wait3A, %dma_wait3A_56] : memref<125x128xf32, #tpu.memory_space<vmem>> -> memref<120x128xf32, #tpu.memory_space<vmem>>
        %dma_wait3A_58 = arith.constant 9840 : i32
        %dma_wait3A_59 = arith.constant 0 : i32
        %dma_wait3A_60 = tpu.memref_slice %arg11[%dma_wait3A_58, %dma_wait3A_59] : memref<10000x128xf32, #tpu.memory_space<vmem_shared>> -> memref<120x128xf32, #tpu.memory_space<vmem_shared>>
        %dma_wait3A_61 = arith.constant 9840 : i32
        %dma_wait3A_62 = arith.constant 0 : i32
        %dma_wait3A_63 = tpu.memref_slice %arg11[%dma_wait3A_61, %dma_wait3A_62] : memref<10000x128xf32, #tpu.memory_space<vmem_shared>> -> memref<120x128xf32, #tpu.memory_space<vmem_shared>>
        %dma_wait3A_64 = arith.constant 0 : i32
        %dma_wait3A_65 = arith.constant 0 : i32
        %dma_wait3A_66 = tpu.memref_slice %arg9[%dma_wait3A_64, %dma_wait3A_65] : memref<125x128xf32, #tpu.memory_space<vmem>> -> memref<120x128xf32, #tpu.memory_space<vmem>>
        tpu.wait_dma2 semaphore(%run_scoped3A : memref<!tpu.dma_semaphore, #tpu.memory_space<semaphore_mem>>) src(%dma_wait3A_66 : memref<120x128xf32, #tpu.memory_space<vmem>>) dst(%dma_wait3A_63 : memref<120x128xf32, #tpu.memory_space<vmem_shared>>)
        tpu.yield
      }) : () -> ()
      "tpu.region"() ({
        %run_scoped3A = tpu.sem_alloc : memref<!tpu.dma_semaphore, #tpu.memory_space<semaphore_mem>>
        %dma_start3A_44 = arith.constant 0 : i32
        %dma_start3A_45 = arith.constant 0 : i32
        %dma_start3A_46 = tpu.memref_slice %arg9[%dma_start3A_44, %dma_start3A_45] : memref<125x128xf32, #tpu.memory_space<vmem>> -> memref<40x128xf32, #tpu.memory_space<vmem>>
        %dma_start3A_47 = arith.constant 9960 : i32
        %dma_start3A_48 = arith.constant 0 : i32
        %dma_start3A_49 = tpu.memref_slice %arg11[%dma_start3A_47, %dma_start3A_48] : memref<10000x128xf32, #tpu.memory_space<vmem_shared>> -> memref<40x128xf32, #tpu.memory_space<vmem_shared>>
        %dma_start3A_50 = arith.constant 9960 : i32
        %dma_start3A_51 = arith.constant 0 : i32
        %dma_start3A_52 = tpu.memref_slice %arg11[%dma_start3A_50, %dma_start3A_51] : memref<10000x128xf32, #tpu.memory_space<vmem_shared>> -> memref<40x128xf32, #tpu.memory_space<vmem_shared>>
        %dma_start3A_53 = arith.constant 0 : i32
        %dma_start3A_54 = arith.constant 0 : i32
        %dma_start3A_55 = tpu.memref_slice %arg9[%dma_start3A_53, %dma_start3A_54] : memref<125x128xf32, #tpu.memory_space<vmem>> -> memref<40x128xf32, #tpu.memory_space<vmem>>
        tpu.enqueue_dma source(%dma_start3A_55 : memref<40x128xf32, #tpu.memory_space<vmem>>) target(%dma_start3A_52 : memref<40x128xf32, #tpu.memory_space<vmem_shared>>) target_semaphore(%run_scoped3A : memref<!tpu.dma_semaphore, #tpu.memory_space<semaphore_mem>>)
        %dma_wait3A = arith.constant 0 : i32
        %dma_wait3A_56 = arith.constant 0 : i32
        %dma_wait3A_57 = tpu.memref_slice %arg9[%dma_wait3A, %dma_wait3A_56] : memref<125x128xf32, #tpu.memory_space<vmem>> -> memref<40x128xf32, #tpu.memory_space<vmem>>
        %dma_wait3A_58 = arith.constant 9960 : i32
        %dma_wait3A_59 = arith.constant 0 : i32
        %dma_wait3A_60 = tpu.memref_slice %arg11[%dma_wait3A_58, %dma_wait3A_59] : memref<10000x128xf32, #tpu.memory_space<vmem_shared>> -> memref<40x128xf32, #tpu.memory_space<vmem_shared>>
        %dma_wait3A_61 = arith.constant 9960 : i32
        %dma_wait3A_62 = arith.constant 0 : i32
        %dma_wait3A_63 = tpu.memref_slice %arg11[%dma_wait3A_61, %dma_wait3A_62] : memref<10000x128xf32, #tpu.memory_space<vmem_shared>> -> memref<40x128xf32, #tpu.memory_space<vmem_shared>>
        %dma_wait3A_64 = arith.constant 0 : i32
        %dma_wait3A_65 = arith.constant 0 : i32
        %dma_wait3A_66 = tpu.memref_slice %arg9[%dma_wait3A_64, %dma_wait3A_65] : memref<125x128xf32, #tpu.memory_space<vmem>> -> memref<40x128xf32, #tpu.memory_space<vmem>>
        tpu.wait_dma2 semaphore(%run_scoped3A : memref<!tpu.dma_semaphore, #tpu.memory_space<semaphore_mem>>) src(%dma_wait3A_66 : memref<40x128xf32, #tpu.memory_space<vmem>>) dst(%dma_wait3A_63 : memref<40x128xf32, #tpu.memory_space<vmem_shared>>)
        tpu.yield
      }) : () -> ()
    } else {
    }
    %barrier3A = arith.constant 0 : index
    tpu.barrier barrier_id(%barrier3A)
    "tpu.region"() ({
      %run_scoped3A = tpu.sem_alloc : memref<!tpu.dma_semaphore, #tpu.memory_space<semaphore_mem>>
      %dma_start3A_44 = arith.constant 0 : i32
      %dma_start3A_45 = arith.constant 0 : i32
      %dma_start3A_46 = tpu.memref_slice %arg3[%add3A, %dma_start3A_44, %dma_start3A_45] : memref<32x80x125xi32, #tpu.memory_space<hbm>> -> memref<1x40x125xi32, #tpu.memory_space<hbm>>
      %dma_start3A_47 = tpu.memref_squeeze %dma_start3A_46 : memref<1x40x125xi32, #tpu.memory_space<hbm>> -> memref<40x125xi32, #tpu.memory_space<hbm>>
      %dma_start3A_48 = arith.constant 0 : i32
      %dma_start3A_49 = arith.constant 0 : i32
      %dma_start3A_50 = tpu.memref_slice %arg3[%add3A, %dma_start3A_48, %dma_start3A_49] : memref<32x80x125xi32, #tpu.memory_space<hbm>> -> memref<1x40x125xi32, #tpu.memory_space<hbm>>
      %dma_start3A_51 = tpu.memref_squeeze %dma_start3A_50 : memref<1x40x125xi32, #tpu.memory_space<hbm>> -> memref<40x125xi32, #tpu.memory_space<hbm>>
      tpu.enqueue_dma source(%dma_start3A_51 : memref<40x125xi32, #tpu.memory_space<hbm>>) target(%arg7 : memref<40x125xi32, #tpu.memory_space<vmem>>) target_semaphore(%run_scoped3A : memref<!tpu.dma_semaphore, #tpu.memory_space<semaphore_mem>>)
      %dma_wait3A = arith.constant 0 : i32
      %dma_wait3A_52 = arith.constant 0 : i32
      %dma_wait3A_53 = tpu.memref_slice %arg3[%add3A, %dma_wait3A, %dma_wait3A_52] : memref<32x80x125xi32, #tpu.memory_space<hbm>> -> memref<1x40x125xi32, #tpu.memory_space<hbm>>
      %dma_wait3A_54 = tpu.memref_squeeze %dma_wait3A_53 : memref<1x40x125xi32, #tpu.memory_space<hbm>> -> memref<40x125xi32, #tpu.memory_space<hbm>>
      %dma_wait3A_55 = arith.constant 0 : i32
      %dma_wait3A_56 = arith.constant 0 : i32
      %dma_wait3A_57 = tpu.memref_slice %arg3[%add3A, %dma_wait3A_55, %dma_wait3A_56] : memref<32x80x125xi32, #tpu.memory_space<hbm>> -> memref<1x40x125xi32, #tpu.memory_space<hbm>>
      %dma_wait3A_58 = tpu.memref_squeeze %dma_wait3A_57 : memref<1x40x125xi32, #tpu.memory_space<hbm>> -> memref<40x125xi32, #tpu.memory_space<hbm>>
      tpu.wait_dma2 semaphore(%run_scoped3A : memref<!tpu.dma_semaphore, #tpu.memory_space<semaphore_mem>>) src(%dma_wait3A_58 : memref<40x125xi32, #tpu.memory_space<hbm>>) dst(%arg7 : memref<40x125xi32, #tpu.memory_space<vmem>>)
      tpu.yield
    }) : () -> ()
    "tpu.region"() ({
      %run_scoped3A = tpu.sem_alloc : memref<!tpu.dma_semaphore, #tpu.memory_space<semaphore_mem>>
      %dma_start3A_44 = arith.constant 0 : i32
      %dma_start3A_45 = arith.constant 0 : i32
      %dma_start3A_46 = tpu.memref_slice %arg4[%add3A, %dma_start3A_44, %dma_start3A_45] : memref<32x80x125xi32, #tpu.memory_space<hbm>> -> memref<1x40x125xi32, #tpu.memory_space<hbm>>
      %dma_start3A_47 = tpu.memref_squeeze %dma_start3A_46 : memref<1x40x125xi32, #tpu.memory_space<hbm>> -> memref<40x125xi32, #tpu.memory_space<hbm>>
      %dma_start3A_48 = arith.constant 0 : i32
      %dma_start3A_49 = arith.constant 0 : i32
      %dma_start3A_50 = tpu.memref_slice %arg4[%add3A, %dma_start3A_48, %dma_start3A_49] : memref<32x80x125xi32, #tpu.memory_space<hbm>> -> memref<1x40x125xi32, #tpu.memory_space<hbm>>
      %dma_start3A_51 = tpu.memref_squeeze %dma_start3A_50 : memref<1x40x125xi32, #tpu.memory_space<hbm>> -> memref<40x125xi32, #tpu.memory_space<hbm>>
      tpu.enqueue_dma source(%dma_start3A_51 : memref<40x125xi32, #tpu.memory_space<hbm>>) target(%arg8 : memref<40x125xi32, #tpu.memory_space<vmem>>) target_semaphore(%run_scoped3A : memref<!tpu.dma_semaphore, #tpu.memory_space<semaphore_mem>>)
      %dma_wait3A = arith.constant 0 : i32
      %dma_wait3A_52 = arith.constant 0 : i32
      %dma_wait3A_53 = tpu.memref_slice %arg4[%add3A, %dma_wait3A, %dma_wait3A_52] : memref<32x80x125xi32, #tpu.memory_space<hbm>> -> memref<1x40x125xi32, #tpu.memory_space<hbm>>
      %dma_wait3A_54 = tpu.memref_squeeze %dma_wait3A_53 : memref<1x40x125xi32, #tpu.memory_space<hbm>> -> memref<40x125xi32, #tpu.memory_space<hbm>>
      %dma_wait3A_55 = arith.constant 0 : i32
      %dma_wait3A_56 = arith.constant 0 : i32
      %dma_wait3A_57 = tpu.memref_slice %arg4[%add3A, %dma_wait3A_55, %dma_wait3A_56] : memref<32x80x125xi32, #tpu.memory_space<hbm>> -> memref<1x40x125xi32, #tpu.memory_space<hbm>>
      %dma_wait3A_58 = tpu.memref_squeeze %dma_wait3A_57 : memref<1x40x125xi32, #tpu.memory_space<hbm>> -> memref<40x125xi32, #tpu.memory_space<hbm>>
      tpu.wait_dma2 semaphore(%run_scoped3A : memref<!tpu.dma_semaphore, #tpu.memory_space<semaphore_mem>>) src(%dma_wait3A_58 : memref<40x125xi32, #tpu.memory_space<hbm>>) dst(%arg8 : memref<40x125xi32, #tpu.memory_space<vmem>>)
      tpu.yield
    }) : () -> ()
    %dma_start3A = arith.constant 0 : i32
    %dma_start3A_7 = arith.constant 0 : i32
    %dma_start3A_8 = tpu.memref_slice %arg7[%dma_start3A, %dma_start3A_7] : memref<40x125xi32, #tpu.memory_space<vmem>> -> memref<1x125xi32, #tpu.memory_space<vmem>>
    %dma_start3A_9 = tpu.memref_squeeze %dma_start3A_8 : memref<1x125xi32, #tpu.memory_space<vmem>> -> memref<125xi32, #tpu.memory_space<vmem>>
    %dma_start3A_10 = arith.constant 0 : i32
    %dma_start3A_11 = arith.constant 0 : i32
    %dma_start3A_12 = tpu.memref_slice %arg2[%dma_start3A_10, %dma_start3A_11] : memref<10000x128xf32, #tpu.memory_space<hbm>> -> memref<10000x128xf32, #tpu.memory_space<hbm>>
    tpu.enqueue_indirect_dma source(%dma_start3A_12 : memref<10000x128xf32, #tpu.memory_space<hbm>>) target(%arg9 : memref<125x128xf32, #tpu.memory_space<vmem>>) offsets(%dma_start3A_9 : memref<125xi32, #tpu.memory_space<vmem>>) semaphore(%arg12 : memref<!tpu.dma_semaphore, #tpu.memory_space<semaphore_mem>>)
    %scan3A = arith.constant 0 : i32
    %scan3A_13 = arith.constant 0 : i32
    %scan3A_14 = arith.constant 20 : i32
    %scan3A_15 = arith.addi %scan3A_13, %scan3A_14 : i32
    %scan3A_16 = arith.constant 1 : i32
    %scan3A_17 = scf.for %scan3A_44 = %scan3A_13 to %scan3A_15 step %scan3A_16 iter_args(%scan3A_45 = %scan3A) -> (i32)  : i32 {
      %mul3A_46 = arith.constant 2 : i32
      %mul3A_47 = arith.muli %mul3A_46, %scan3A_44 : i32
      %dma_wait3A = arith.constant 0 : i32
      %dma_wait3A_48 = tpu.memref_slice %arg7[%mul3A_47, %dma_wait3A] : memref<40x125xi32, #tpu.memory_space<vmem>> -> memref<1x125xi32, #tpu.memory_space<vmem>>
      %dma_wait3A_49 = tpu.memref_squeeze %dma_wait3A_48 : memref<1x125xi32, #tpu.memory_space<vmem>> -> memref<125xi32, #tpu.memory_space<vmem>>
      %dma_wait3A_50 = arith.constant 0 : i32
      %dma_wait3A_51 = arith.constant 0 : i32
      %dma_wait3A_52 = tpu.memref_slice %arg2[%dma_wait3A_50, %dma_wait3A_51] : memref<10000x128xf32, #tpu.memory_space<hbm>> -> memref<10000x128xf32, #tpu.memory_space<hbm>>
      tpu.wait_indirect_dma semaphore(%arg12 : memref<!tpu.dma_semaphore, #tpu.memory_space<semaphore_mem>>) src(%dma_wait3A_52 : memref<10000x128xf32, #tpu.memory_space<hbm>>) dst(%arg9 : memref<125x128xf32, #tpu.memory_space<vmem>>)
      %add3A_53 = arith.constant 1 : i32
      %add3A_54 = arith.addi %mul3A_47, %add3A_53 : i32
      %dma_start3A_55 = arith.constant 0 : i32
      %dma_start3A_56 = tpu.memref_slice %arg7[%add3A_54, %dma_start3A_55] : memref<40x125xi32, #tpu.memory_space<vmem>> -> memref<1x125xi32, #tpu.memory_space<vmem>>
      %dma_start3A_57 = tpu.memref_squeeze %dma_start3A_56 : memref<1x125xi32, #tpu.memory_space<vmem>> -> memref<125xi32, #tpu.memory_space<vmem>>
      %dma_start3A_58 = arith.constant 0 : i32
      %dma_start3A_59 = arith.constant 0 : i32
      %dma_start3A_60 = tpu.memref_slice %arg2[%dma_start3A_58, %dma_start3A_59] : memref<10000x128xf32, #tpu.memory_space<hbm>> -> memref<10000x128xf32, #tpu.memory_space<hbm>>
      tpu.enqueue_indirect_dma source(%dma_start3A_60 : memref<10000x128xf32, #tpu.memory_space<hbm>>) target(%arg10 : memref<125x128xf32, #tpu.memory_space<vmem>>) offsets(%dma_start3A_57 : memref<125xi32, #tpu.memory_space<vmem>>) semaphore(%arg13 : memref<!tpu.dma_semaphore, #tpu.memory_space<semaphore_mem>>)
      "tpu.region"() ({
        %run_scoped3A = tpu.sem_alloc : memref<!tpu.dma_semaphore, #tpu.memory_space<semaphore_mem>>
        %dma_start3A_77 = arith.constant 0 : i32
        %dma_start3A_78 = tpu.memref_slice %arg8[%mul3A_47, %dma_start3A_77] : memref<40x125xi32, #tpu.memory_space<vmem>> -> memref<1x125xi32, #tpu.memory_space<vmem>>
        %dma_start3A_79 = tpu.memref_squeeze %dma_start3A_78 : memref<1x125xi32, #tpu.memory_space<vmem>> -> memref<125xi32, #tpu.memory_space<vmem>>
        %dma_start3A_80 = arith.constant 0 : i32
        %dma_start3A_81 = arith.constant 0 : i32
        %dma_start3A_82 = tpu.memref_slice %arg11[%dma_start3A_80, %dma_start3A_81] : memref<10000x128xf32, #tpu.memory_space<vmem_shared>> -> memref<10000x128xf32, #tpu.memory_space<vmem_shared>>
        tpu.enqueue_indirect_dma source(%arg9 : memref<125x128xf32, #tpu.memory_space<vmem>>) target(%dma_start3A_82 : memref<10000x128xf32, #tpu.memory_space<vmem_shared>>) offsets(%dma_start3A_79 : memref<125xi32, #tpu.memory_space<vmem>>) semaphore(%run_scoped3A : memref<!tpu.dma_semaphore, #tpu.memory_space<semaphore_mem>>) {add = true}
        %dma_wait3A_83 = arith.constant 0 : i32
        %dma_wait3A_84 = tpu.memref_slice %arg8[%mul3A_47, %dma_wait3A_83] : memref<40x125xi32, #tpu.memory_space<vmem>> -> memref<1x125xi32, #tpu.memory_space<vmem>>
        %dma_wait3A_85 = tpu.memref_squeeze %dma_wait3A_84 : memref<1x125xi32, #tpu.memory_space<vmem>> -> memref<125xi32, #tpu.memory_space<vmem>>
        %dma_wait3A_86 = arith.constant 0 : i32
        %dma_wait3A_87 = arith.constant 0 : i32
        %dma_wait3A_88 = tpu.memref_slice %arg11[%dma_wait3A_86, %dma_wait3A_87] : memref<10000x128xf32, #tpu.memory_space<vmem_shared>> -> memref<10000x128xf32, #tpu.memory_space<vmem_shared>>
        tpu.wait_indirect_dma semaphore(%run_scoped3A : memref<!tpu.dma_semaphore, #tpu.memory_space<semaphore_mem>>) src(%arg9 : memref<125x128xf32, #tpu.memory_space<vmem>>) dst(%dma_wait3A_88 : memref<10000x128xf32, #tpu.memory_space<vmem_shared>>)
        tpu.yield
      }) : () -> ()
      %add3A_61 = arith.constant 1 : i32
      %add3A_62 = arith.addi %mul3A_47, %add3A_61 : i32
      %dma_wait3A_63 = arith.constant 0 : i32
      %dma_wait3A_64 = tpu.memref_slice %arg7[%add3A_62, %dma_wait3A_63] : memref<40x125xi32, #tpu.memory_space<vmem>> -> memref<1x125xi32, #tpu.memory_space<vmem>>
      %dma_wait3A_65 = tpu.memref_squeeze %dma_wait3A_64 : memref<1x125xi32, #tpu.memory_space<vmem>> -> memref<125xi32, #tpu.memory_space<vmem>>
      %dma_wait3A_66 = arith.constant 0 : i32
      %dma_wait3A_67 = arith.constant 0 : i32
      %dma_wait3A_68 = tpu.memref_slice %arg2[%dma_wait3A_66, %dma_wait3A_67] : memref<10000x128xf32, #tpu.memory_space<hbm>> -> memref<10000x128xf32, #tpu.memory_space<hbm>>
      tpu.wait_indirect_dma semaphore(%arg13 : memref<!tpu.dma_semaphore, #tpu.memory_space<semaphore_mem>>) src(%dma_wait3A_68 : memref<10000x128xf32, #tpu.memory_space<hbm>>) dst(%arg10 : memref<125x128xf32, #tpu.memory_space<vmem>>)
      %lt3A_69 = arith.constant 19 : i32
      %lt3A_70 = arith.cmpi slt, %scan3A_44, %lt3A_69 : i32
      %convert_element_type3A_71 = arith.extui %lt3A_70 : i1 to i32
      %cond3A_72 = arith.constant 0 : i32
      %cond3A_73 = arith.cmpi ne, %convert_element_type3A_71, %cond3A_72 : i32
      scf.if %cond3A_73 {
        %add3A_77 = arith.constant 2 : i32
        %add3A_78 = arith.addi %mul3A_47, %add3A_77 : i32
        %dma_start3A_79 = arith.constant 0 : i32
        %dma_start3A_80 = tpu.memref_slice %arg7[%add3A_78, %dma_start3A_79] : memref<40x125xi32, #tpu.memory_space<vmem>> -> memref<1x125xi32, #tpu.memory_space<vmem>>
        %dma_start3A_81 = tpu.memref_squeeze %dma_start3A_80 : memref<1x125xi32, #tpu.memory_space<vmem>> -> memref<125xi32, #tpu.memory_space<vmem>>
        %dma_start3A_82 = arith.constant 0 : i32
        %dma_start3A_83 = arith.constant 0 : i32
        %dma_start3A_84 = tpu.memref_slice %arg2[%dma_start3A_82, %dma_start3A_83] : memref<10000x128xf32, #tpu.memory_space<hbm>> -> memref<10000x128xf32, #tpu.memory_space<hbm>>
        tpu.enqueue_indirect_dma source(%dma_start3A_84 : memref<10000x128xf32, #tpu.memory_space<hbm>>) target(%arg9 : memref<125x128xf32, #tpu.memory_space<vmem>>) offsets(%dma_start3A_81 : memref<125xi32, #tpu.memory_space<vmem>>) semaphore(%arg12 : memref<!tpu.dma_semaphore, #tpu.memory_space<semaphore_mem>>)
      } else {
      }
      %add3A_74 = arith.constant 1 : i32
      %add3A_75 = arith.addi %mul3A_47, %add3A_74 : i32
      "tpu.region"() ({
        %run_scoped3A = tpu.sem_alloc : memref<!tpu.dma_semaphore, #tpu.memory_space<semaphore_mem>>
        %dma_start3A_77 = arith.constant 0 : i32
        %dma_start3A_78 = tpu.memref_slice %arg8[%add3A_75, %dma_start3A_77] : memref<40x125xi32, #tpu.memory_space<vmem>> -> memref<1x125xi32, #tpu.memory_space<vmem>>
        %dma_start3A_79 = tpu.memref_squeeze %dma_start3A_78 : memref<1x125xi32, #tpu.memory_space<vmem>> -> memref<125xi32, #tpu.memory_space<vmem>>
        %dma_start3A_80 = arith.constant 0 : i32
        %dma_start3A_81 = arith.constant 0 : i32
        %dma_start3A_82 = tpu.memref_slice %arg11[%dma_start3A_80, %dma_start3A_81] : memref<10000x128xf32, #tpu.memory_space<vmem_shared>> -> memref<10000x128xf32, #tpu.memory_space<vmem_shared>>
        tpu.enqueue_indirect_dma source(%arg10 : memref<125x128xf32, #tpu.memory_space<vmem>>) target(%dma_start3A_82 : memref<10000x128xf32, #tpu.memory_space<vmem_shared>>) offsets(%dma_start3A_79 : memref<125xi32, #tpu.memory_space<vmem>>) semaphore(%run_scoped3A : memref<!tpu.dma_semaphore, #tpu.memory_space<semaphore_mem>>) {add = true}
        %dma_wait3A_83 = arith.constant 0 : i32
        %dma_wait3A_84 = tpu.memref_slice %arg8[%add3A_75, %dma_wait3A_83] : memref<40x125xi32, #tpu.memory_space<vmem>> -> memref<1x125xi32, #tpu.memory_space<vmem>>
        %dma_wait3A_85 = tpu.memref_squeeze %dma_wait3A_84 : memref<1x125xi32, #tpu.memory_space<vmem>> -> memref<125xi32, #tpu.memory_space<vmem>>
        %dma_wait3A_86 = arith.constant 0 : i32
        %dma_wait3A_87 = arith.constant 0 : i32
        %dma_wait3A_88 = tpu.memref_slice %arg11[%dma_wait3A_86, %dma_wait3A_87] : memref<10000x128xf32, #tpu.memory_space<vmem_shared>> -> memref<10000x128xf32, #tpu.memory_space<vmem_shared>>
        tpu.wait_indirect_dma semaphore(%run_scoped3A : memref<!tpu.dma_semaphore, #tpu.memory_space<semaphore_mem>>) src(%arg10 : memref<125x128xf32, #tpu.memory_space<vmem>>) dst(%dma_wait3A_88 : memref<10000x128xf32, #tpu.memory_space<vmem_shared>>)
        tpu.yield
      }) : () -> ()
      %scan3A_76 = arith.constant 0 : i32
      scf.yield %scan3A_76 : i32
    }
    %scan3A_18 = arith.constant 20 : i32
    "tpu.region"() ({
      %run_scoped3A = tpu.sem_alloc : memref<!tpu.dma_semaphore, #tpu.memory_space<semaphore_mem>>
      %dma_start3A_44 = arith.constant 40 : i32
      %dma_start3A_45 = arith.constant 0 : i32
      %dma_start3A_46 = tpu.memref_slice %arg3[%add3A, %dma_start3A_44, %dma_start3A_45] : memref<32x80x125xi32, #tpu.memory_space<hbm>> -> memref<1x40x125xi32, #tpu.memory_space<hbm>>
      %dma_start3A_47 = tpu.memref_squeeze %dma_start3A_46 : memref<1x40x125xi32, #tpu.memory_space<hbm>> -> memref<40x125xi32, #tpu.memory_space<hbm>>
      %dma_start3A_48 = arith.constant 40 : i32
      %dma_start3A_49 = arith.constant 0 : i32
      %dma_start3A_50 = tpu.memref_slice %arg3[%add3A, %dma_start3A_48, %dma_start3A_49] : memref<32x80x125xi32, #tpu.memory_space<hbm>> -> memref<1x40x125xi32, #tpu.memory_space<hbm>>
      %dma_start3A_51 = tpu.memref_squeeze %dma_start3A_50 : memref<1x40x125xi32, #tpu.memory_space<hbm>> -> memref<40x125xi32, #tpu.memory_space<hbm>>
      tpu.enqueue_dma source(%dma_start3A_51 : memref<40x125xi32, #tpu.memory_space<hbm>>) target(%arg7 : memref<40x125xi32, #tpu.memory_space<vmem>>) target_semaphore(%run_scoped3A : memref<!tpu.dma_semaphore, #tpu.memory_space<semaphore_mem>>)
      %dma_wait3A = arith.constant 40 : i32
      %dma_wait3A_52 = arith.constant 0 : i32
      %dma_wait3A_53 = tpu.memref_slice %arg3[%add3A, %dma_wait3A, %dma_wait3A_52] : memref<32x80x125xi32, #tpu.memory_space<hbm>> -> memref<1x40x125xi32, #tpu.memory_space<hbm>>
      %dma_wait3A_54 = tpu.memref_squeeze %dma_wait3A_53 : memref<1x40x125xi32, #tpu.memory_space<hbm>> -> memref<40x125xi32, #tpu.memory_space<hbm>>
      %dma_wait3A_55 = arith.constant 40 : i32
      %dma_wait3A_56 = arith.constant 0 : i32
      %dma_wait3A_57 = tpu.memref_slice %arg3[%add3A, %dma_wait3A_55, %dma_wait3A_56] : memref<32x80x125xi32, #tpu.memory_space<hbm>> -> memref<1x40x125xi32, #tpu.memory_space<hbm>>
      %dma_wait3A_58 = tpu.memref_squeeze %dma_wait3A_57 : memref<1x40x125xi32, #tpu.memory_space<hbm>> -> memref<40x125xi32, #tpu.memory_space<hbm>>
      tpu.wait_dma2 semaphore(%run_scoped3A : memref<!tpu.dma_semaphore, #tpu.memory_space<semaphore_mem>>) src(%dma_wait3A_58 : memref<40x125xi32, #tpu.memory_space<hbm>>) dst(%arg7 : memref<40x125xi32, #tpu.memory_space<vmem>>)
      tpu.yield
    }) : () -> ()
    "tpu.region"() ({
      %run_scoped3A = tpu.sem_alloc : memref<!tpu.dma_semaphore, #tpu.memory_space<semaphore_mem>>
      %dma_start3A_44 = arith.constant 40 : i32
      %dma_start3A_45 = arith.constant 0 : i32
      %dma_start3A_46 = tpu.memref_slice %arg4[%add3A, %dma_start3A_44, %dma_start3A_45] : memref<32x80x125xi32, #tpu.memory_space<hbm>> -> memref<1x40x125xi32, #tpu.memory_space<hbm>>
      %dma_start3A_47 = tpu.memref_squeeze %dma_start3A_46 : memref<1x40x125xi32, #tpu.memory_space<hbm>> -> memref<40x125xi32, #tpu.memory_space<hbm>>
      %dma_start3A_48 = arith.constant 40 : i32
      %dma_start3A_49 = arith.constant 0 : i32
      %dma_start3A_50 = tpu.memref_slice %arg4[%add3A, %dma_start3A_48, %dma_start3A_49] : memref<32x80x125xi32, #tpu.memory_space<hbm>> -> memref<1x40x125xi32, #tpu.memory_space<hbm>>
      %dma_start3A_51 = tpu.memref_squeeze %dma_start3A_50 : memref<1x40x125xi32, #tpu.memory_space<hbm>> -> memref<40x125xi32, #tpu.memory_space<hbm>>
      tpu.enqueue_dma source(%dma_start3A_51 : memref<40x125xi32, #tpu.memory_space<hbm>>) target(%arg8 : memref<40x125xi32, #tpu.memory_space<vmem>>) target_semaphore(%run_scoped3A : memref<!tpu.dma_semaphore, #tpu.memory_space<semaphore_mem>>)
      %dma_wait3A = arith.constant 40 : i32
      %dma_wait3A_52 = arith.constant 0 : i32
      %dma_wait3A_53 = tpu.memref_slice %arg4[%add3A, %dma_wait3A, %dma_wait3A_52] : memref<32x80x125xi32, #tpu.memory_space<hbm>> -> memref<1x40x125xi32, #tpu.memory_space<hbm>>
      %dma_wait3A_54 = tpu.memref_squeeze %dma_wait3A_53 : memref<1x40x125xi32, #tpu.memory_space<hbm>> -> memref<40x125xi32, #tpu.memory_space<hbm>>
      %dma_wait3A_55 = arith.constant 40 : i32
      %dma_wait3A_56 = arith.constant 0 : i32
      %dma_wait3A_57 = tpu.memref_slice %arg4[%add3A, %dma_wait3A_55, %dma_wait3A_56] : memref<32x80x125xi32, #tpu.memory_space<hbm>> -> memref<1x40x125xi32, #tpu.memory_space<hbm>>
      %dma_wait3A_58 = tpu.memref_squeeze %dma_wait3A_57 : memref<1x40x125xi32, #tpu.memory_space<hbm>> -> memref<40x125xi32, #tpu.memory_space<hbm>>
      tpu.wait_dma2 semaphore(%run_scoped3A : memref<!tpu.dma_semaphore, #tpu.memory_space<semaphore_mem>>) src(%dma_wait3A_58 : memref<40x125xi32, #tpu.memory_space<hbm>>) dst(%arg8 : memref<40x125xi32, #tpu.memory_space<vmem>>)
      tpu.yield
    }) : () -> ()
    %dma_start3A_19 = arith.constant 0 : i32
    %dma_start3A_20 = arith.constant 0 : i32
    %dma_start3A_21 = tpu.memref_slice %arg7[%dma_start3A_19, %dma_start3A_20] : memref<40x125xi32, #tpu.memory_space<vmem>> -> memref<1x125xi32, #tpu.memory_space<vmem>>
    %dma_start3A_22 = tpu.memref_squeeze %dma_start3A_21 : memref<1x125xi32, #tpu.memory_space<vmem>> -> memref<125xi32, #tpu.memory_space<vmem>>
    %dma_start3A_23 = arith.constant 0 : i32
    %dma_start3A_24 = arith.constant 0 : i32
    %dma_start3A_25 = tpu.memref_slice %arg2[%dma_start3A_23, %dma_start3A_24] : memref<10000x128xf32, #tpu.memory_space<hbm>> -> memref<10000x128xf32, #tpu.memory_space<hbm>>
    tpu.enqueue_indirect_dma source(%dma_start3A_25 : memref<10000x128xf32, #tpu.memory_space<hbm>>) target(%arg9 : memref<125x128xf32, #tpu.memory_space<vmem>>) offsets(%dma_start3A_22 : memref<125xi32, #tpu.memory_space<vmem>>) semaphore(%arg12 : memref<!tpu.dma_semaphore, #tpu.memory_space<semaphore_mem>>)
    %scan3A_26 = arith.constant 0 : i32
    %scan3A_27 = arith.constant 0 : i32
    %scan3A_28 = arith.constant 20 : i32
    %scan3A_29 = arith.addi %scan3A_27, %scan3A_28 : i32
    %scan3A_30 = arith.constant 1 : i32
    %scan3A_31 = scf.for %scan3A_44 = %scan3A_27 to %scan3A_29 step %scan3A_30 iter_args(%scan3A_45 = %scan3A_26) -> (i32)  : i32 {
      %mul3A_46 = arith.constant 2 : i32
      %mul3A_47 = arith.muli %mul3A_46, %scan3A_44 : i32
      %dma_wait3A = arith.constant 0 : i32
      %dma_wait3A_48 = tpu.memref_slice %arg7[%mul3A_47, %dma_wait3A] : memref<40x125xi32, #tpu.memory_space<vmem>> -> memref<1x125xi32, #tpu.memory_space<vmem>>
      %dma_wait3A_49 = tpu.memref_squeeze %dma_wait3A_48 : memref<1x125xi32, #tpu.memory_space<vmem>> -> memref<125xi32, #tpu.memory_space<vmem>>
      %dma_wait3A_50 = arith.constant 0 : i32
      %dma_wait3A_51 = arith.constant 0 : i32
      %dma_wait3A_52 = tpu.memref_slice %arg2[%dma_wait3A_50, %dma_wait3A_51] : memref<10000x128xf32, #tpu.memory_space<hbm>> -> memref<10000x128xf32, #tpu.memory_space<hbm>>
      tpu.wait_indirect_dma semaphore(%arg12 : memref<!tpu.dma_semaphore, #tpu.memory_space<semaphore_mem>>) src(%dma_wait3A_52 : memref<10000x128xf32, #tpu.memory_space<hbm>>) dst(%arg9 : memref<125x128xf32, #tpu.memory_space<vmem>>)
      %add3A_53 = arith.constant 1 : i32
      %add3A_54 = arith.addi %mul3A_47, %add3A_53 : i32
      %dma_start3A_55 = arith.constant 0 : i32
      %dma_start3A_56 = tpu.memref_slice %arg7[%add3A_54, %dma_start3A_55] : memref<40x125xi32, #tpu.memory_space<vmem>> -> memref<1x125xi32, #tpu.memory_space<vmem>>
      %dma_start3A_57 = tpu.memref_squeeze %dma_start3A_56 : memref<1x125xi32, #tpu.memory_space<vmem>> -> memref<125xi32, #tpu.memory_space<vmem>>
      %dma_start3A_58 = arith.constant 0 : i32
      %dma_start3A_59 = arith.constant 0 : i32
      %dma_start3A_60 = tpu.memref_slice %arg2[%dma_start3A_58, %dma_start3A_59] : memref<10000x128xf32, #tpu.memory_space<hbm>> -> memref<10000x128xf32, #tpu.memory_space<hbm>>
      tpu.enqueue_indirect_dma source(%dma_start3A_60 : memref<10000x128xf32, #tpu.memory_space<hbm>>) target(%arg10 : memref<125x128xf32, #tpu.memory_space<vmem>>) offsets(%dma_start3A_57 : memref<125xi32, #tpu.memory_space<vmem>>) semaphore(%arg13 : memref<!tpu.dma_semaphore, #tpu.memory_space<semaphore_mem>>)
      "tpu.region"() ({
        %run_scoped3A = tpu.sem_alloc : memref<!tpu.dma_semaphore, #tpu.memory_space<semaphore_mem>>
        %dma_start3A_77 = arith.constant 0 : i32
        %dma_start3A_78 = tpu.memref_slice %arg8[%mul3A_47, %dma_start3A_77] : memref<40x125xi32, #tpu.memory_space<vmem>> -> memref<1x125xi32, #tpu.memory_space<vmem>>
        %dma_start3A_79 = tpu.memref_squeeze %dma_start3A_78 : memref<1x125xi32, #tpu.memory_space<vmem>> -> memref<125xi32, #tpu.memory_space<vmem>>
        %dma_start3A_80 = arith.constant 0 : i32
        %dma_start3A_81 = arith.constant 0 : i32
        %dma_start3A_82 = tpu.memref_slice %arg11[%dma_start3A_80, %dma_start3A_81] : memref<10000x128xf32, #tpu.memory_space<vmem_shared>> -> memref<10000x128xf32, #tpu.memory_space<vmem_shared>>
        tpu.enqueue_indirect_dma source(%arg9 : memref<125x128xf32, #tpu.memory_space<vmem>>) target(%dma_start3A_82 : memref<10000x128xf32, #tpu.memory_space<vmem_shared>>) offsets(%dma_start3A_79 : memref<125xi32, #tpu.memory_space<vmem>>) semaphore(%run_scoped3A : memref<!tpu.dma_semaphore, #tpu.memory_space<semaphore_mem>>) {add = true}
        %dma_wait3A_83 = arith.constant 0 : i32
        %dma_wait3A_84 = tpu.memref_slice %arg8[%mul3A_47, %dma_wait3A_83] : memref<40x125xi32, #tpu.memory_space<vmem>> -> memref<1x125xi32, #tpu.memory_space<vmem>>
        %dma_wait3A_85 = tpu.memref_squeeze %dma_wait3A_84 : memref<1x125xi32, #tpu.memory_space<vmem>> -> memref<125xi32, #tpu.memory_space<vmem>>
        %dma_wait3A_86 = arith.constant 0 : i32
        %dma_wait3A_87 = arith.constant 0 : i32
        %dma_wait3A_88 = tpu.memref_slice %arg11[%dma_wait3A_86, %dma_wait3A_87] : memref<10000x128xf32, #tpu.memory_space<vmem_shared>> -> memref<10000x128xf32, #tpu.memory_space<vmem_shared>>
        tpu.wait_indirect_dma semaphore(%run_scoped3A : memref<!tpu.dma_semaphore, #tpu.memory_space<semaphore_mem>>) src(%arg9 : memref<125x128xf32, #tpu.memory_space<vmem>>) dst(%dma_wait3A_88 : memref<10000x128xf32, #tpu.memory_space<vmem_shared>>)
        tpu.yield
      }) : () -> ()
      %add3A_61 = arith.constant 1 : i32
      %add3A_62 = arith.addi %mul3A_47, %add3A_61 : i32
      %dma_wait3A_63 = arith.constant 0 : i32
      %dma_wait3A_64 = tpu.memref_slice %arg7[%add3A_62, %dma_wait3A_63] : memref<40x125xi32, #tpu.memory_space<vmem>> -> memref<1x125xi32, #tpu.memory_space<vmem>>
      %dma_wait3A_65 = tpu.memref_squeeze %dma_wait3A_64 : memref<1x125xi32, #tpu.memory_space<vmem>> -> memref<125xi32, #tpu.memory_space<vmem>>
      %dma_wait3A_66 = arith.constant 0 : i32
      %dma_wait3A_67 = arith.constant 0 : i32
      %dma_wait3A_68 = tpu.memref_slice %arg2[%dma_wait3A_66, %dma_wait3A_67] : memref<10000x128xf32, #tpu.memory_space<hbm>> -> memref<10000x128xf32, #tpu.memory_space<hbm>>
      tpu.wait_indirect_dma semaphore(%arg13 : memref<!tpu.dma_semaphore, #tpu.memory_space<semaphore_mem>>) src(%dma_wait3A_68 : memref<10000x128xf32, #tpu.memory_space<hbm>>) dst(%arg10 : memref<125x128xf32, #tpu.memory_space<vmem>>)
      %lt3A_69 = arith.constant 19 : i32
      %lt3A_70 = arith.cmpi slt, %scan3A_44, %lt3A_69 : i32
      %convert_element_type3A_71 = arith.extui %lt3A_70 : i1 to i32
      %cond3A_72 = arith.constant 0 : i32
      %cond3A_73 = arith.cmpi ne, %convert_element_type3A_71, %cond3A_72 : i32
      scf.if %cond3A_73 {
        %add3A_77 = arith.constant 2 : i32
        %add3A_78 = arith.addi %mul3A_47, %add3A_77 : i32
        %dma_start3A_79 = arith.constant 0 : i32
        %dma_start3A_80 = tpu.memref_slice %arg7[%add3A_78, %dma_start3A_79] : memref<40x125xi32, #tpu.memory_space<vmem>> -> memref<1x125xi32, #tpu.memory_space<vmem>>
        %dma_start3A_81 = tpu.memref_squeeze %dma_start3A_80 : memref<1x125xi32, #tpu.memory_space<vmem>> -> memref<125xi32, #tpu.memory_space<vmem>>
        %dma_start3A_82 = arith.constant 0 : i32
        %dma_start3A_83 = arith.constant 0 : i32
        %dma_start3A_84 = tpu.memref_slice %arg2[%dma_start3A_82, %dma_start3A_83] : memref<10000x128xf32, #tpu.memory_space<hbm>> -> memref<10000x128xf32, #tpu.memory_space<hbm>>
        tpu.enqueue_indirect_dma source(%dma_start3A_84 : memref<10000x128xf32, #tpu.memory_space<hbm>>) target(%arg9 : memref<125x128xf32, #tpu.memory_space<vmem>>) offsets(%dma_start3A_81 : memref<125xi32, #tpu.memory_space<vmem>>) semaphore(%arg12 : memref<!tpu.dma_semaphore, #tpu.memory_space<semaphore_mem>>)
      } else {
      }
      %add3A_74 = arith.constant 1 : i32
      %add3A_75 = arith.addi %mul3A_47, %add3A_74 : i32
      "tpu.region"() ({
        %run_scoped3A = tpu.sem_alloc : memref<!tpu.dma_semaphore, #tpu.memory_space<semaphore_mem>>
        %dma_start3A_77 = arith.constant 0 : i32
        %dma_start3A_78 = tpu.memref_slice %arg8[%add3A_75, %dma_start3A_77] : memref<40x125xi32, #tpu.memory_space<vmem>> -> memref<1x125xi32, #tpu.memory_space<vmem>>
        %dma_start3A_79 = tpu.memref_squeeze %dma_start3A_78 : memref<1x125xi32, #tpu.memory_space<vmem>> -> memref<125xi32, #tpu.memory_space<vmem>>
        %dma_start3A_80 = arith.constant 0 : i32
        %dma_start3A_81 = arith.constant 0 : i32
        %dma_start3A_82 = tpu.memref_slice %arg11[%dma_start3A_80, %dma_start3A_81] : memref<10000x128xf32, #tpu.memory_space<vmem_shared>> -> memref<10000x128xf32, #tpu.memory_space<vmem_shared>>
        tpu.enqueue_indirect_dma source(%arg10 : memref<125x128xf32, #tpu.memory_space<vmem>>) target(%dma_start3A_82 : memref<10000x128xf32, #tpu.memory_space<vmem_shared>>) offsets(%dma_start3A_79 : memref<125xi32, #tpu.memory_space<vmem>>) semaphore(%run_scoped3A : memref<!tpu.dma_semaphore, #tpu.memory_space<semaphore_mem>>) {add = true}
        %dma_wait3A_83 = arith.constant 0 : i32
        %dma_wait3A_84 = tpu.memref_slice %arg8[%add3A_75, %dma_wait3A_83] : memref<40x125xi32, #tpu.memory_space<vmem>> -> memref<1x125xi32, #tpu.memory_space<vmem>>
        %dma_wait3A_85 = tpu.memref_squeeze %dma_wait3A_84 : memref<1x125xi32, #tpu.memory_space<vmem>> -> memref<125xi32, #tpu.memory_space<vmem>>
        %dma_wait3A_86 = arith.constant 0 : i32
        %dma_wait3A_87 = arith.constant 0 : i32
        %dma_wait3A_88 = tpu.memref_slice %arg11[%dma_wait3A_86, %dma_wait3A_87] : memref<10000x128xf32, #tpu.memory_space<vmem_shared>> -> memref<10000x128xf32, #tpu.memory_space<vmem_shared>>
        tpu.wait_indirect_dma semaphore(%run_scoped3A : memref<!tpu.dma_semaphore, #tpu.memory_space<semaphore_mem>>) src(%arg10 : memref<125x128xf32, #tpu.memory_space<vmem>>) dst(%dma_wait3A_88 : memref<10000x128xf32, #tpu.memory_space<vmem_shared>>)
        tpu.yield
      }) : () -> ()
      %scan3A_76 = arith.constant 0 : i32
      scf.yield %scan3A_76 : i32
    }
    %scan3A_32 = arith.constant 20 : i32
    %barrier3A_33 = arith.constant 0 : index
    tpu.barrier barrier_id(%barrier3A_33)
    %lt3A_34 = arith.constant 15 : i32
    %lt3A_35 = arith.cmpi slt, %arg1, %lt3A_34 : i32
    %convert_element_type3A_36 = arith.extui %lt3A_35 : i1 to i32
    %cond3A_37 = arith.constant 0 : i32
    %cond3A_38 = arith.cmpi ne, %convert_element_type3A_36, %cond3A_37 : i32
    scf.if %cond3A_38 {
      %mul3A_44 = arith.constant 624 : i32
      %mul3A_45 = arith.muli %arg1, %mul3A_44 : i32
      %multiple_of3A = tpu.assume_multiple %mul3A_45, 8 : i32
      "tpu.region"() ({
        %run_scoped3A = tpu.sem_alloc : memref<!tpu.dma_semaphore, #tpu.memory_space<semaphore_mem>>
        %dma_start3A_46 = arith.constant 0 : i32
        %dma_start3A_47 = tpu.memref_slice %arg6[%arg0, %multiple_of3A, %dma_start3A_46] : memref<2x10000x128xf32, #tpu.memory_space<hbm>> -> memref<1x624x128xf32, #tpu.memory_space<hbm>>
        %dma_start3A_48 = tpu.memref_squeeze %dma_start3A_47 : memref<1x624x128xf32, #tpu.memory_space<hbm>> -> memref<624x128xf32, #tpu.memory_space<hbm>>
        %dma_start3A_49 = arith.constant 0 : i32
        %dma_start3A_50 = tpu.memref_slice %arg11[%multiple_of3A, %dma_start3A_49] : memref<10000x128xf32, #tpu.memory_space<vmem_shared>> -> memref<624x128xf32, #tpu.memory_space<vmem_shared>>
        tpu.enqueue_dma source(%dma_start3A_50 : memref<624x128xf32, #tpu.memory_space<vmem_shared>>) target(%dma_start3A_48 : memref<624x128xf32, #tpu.memory_space<hbm>>) target_semaphore(%run_scoped3A : memref<!tpu.dma_semaphore, #tpu.memory_space<semaphore_mem>>)
        %dma_wait3A = arith.constant 0 : i32
        %dma_wait3A_51 = tpu.memref_slice %arg6[%arg0, %multiple_of3A, %dma_wait3A] : memref<2x10000x128xf32, #tpu.memory_space<hbm>> -> memref<1x624x128xf32, #tpu.memory_space<hbm>>
        %dma_wait3A_52 = tpu.memref_squeeze %dma_wait3A_51 : memref<1x624x128xf32, #tpu.memory_space<hbm>> -> memref<624x128xf32, #tpu.memory_space<hbm>>
        %dma_wait3A_53 = arith.constant 0 : i32
        %dma_wait3A_54 = tpu.memref_slice %arg11[%multiple_of3A, %dma_wait3A_53] : memref<10000x128xf32, #tpu.memory_space<vmem_shared>> -> memref<624x128xf32, #tpu.memory_space<vmem_shared>>
        tpu.wait_dma2 semaphore(%run_scoped3A : memref<!tpu.dma_semaphore, #tpu.memory_space<semaphore_mem>>) src(%dma_wait3A_54 : memref<624x128xf32, #tpu.memory_space<vmem_shared>>) dst(%dma_wait3A_52 : memref<624x128xf32, #tpu.memory_space<hbm>>)
        tpu.yield
      }) : () -> ()
    } else {
    }
    %eq3A_39 = arith.constant 15 : i32
    %eq3A_40 = arith.cmpi eq, %arg1, %eq3A_39 : i32
    %convert_element_type3A_41 = arith.extui %eq3A_40 : i1 to i32
    %cond3A_42 = arith.constant 0 : i32
    %cond3A_43 = arith.cmpi ne, %convert_element_type3A_41, %cond3A_42 : i32
    scf.if %cond3A_43 {
      "tpu.region"() ({
        %run_scoped3A = tpu.sem_alloc : memref<!tpu.dma_semaphore, #tpu.memory_space<semaphore_mem>>
        %dma_start3A_44 = arith.constant 9360 : i32
        %dma_start3A_45 = arith.constant 0 : i32
        %dma_start3A_46 = tpu.memref_slice %arg6[%arg0, %dma_start3A_44, %dma_start3A_45] : memref<2x10000x128xf32, #tpu.memory_space<hbm>> -> memref<1x640x128xf32, #tpu.memory_space<hbm>>
        %dma_start3A_47 = tpu.memref_squeeze %dma_start3A_46 : memref<1x640x128xf32, #tpu.memory_space<hbm>> -> memref<640x128xf32, #tpu.memory_space<hbm>>
        %dma_start3A_48 = arith.constant 9360 : i32
        %dma_start3A_49 = arith.constant 0 : i32
        %dma_start3A_50 = tpu.memref_slice %arg11[%dma_start3A_48, %dma_start3A_49] : memref<10000x128xf32, #tpu.memory_space<vmem_shared>> -> memref<640x128xf32, #tpu.memory_space<vmem_shared>>
        tpu.enqueue_dma source(%dma_start3A_50 : memref<640x128xf32, #tpu.memory_space<vmem_shared>>) target(%dma_start3A_47 : memref<640x128xf32, #tpu.memory_space<hbm>>) target_semaphore(%run_scoped3A : memref<!tpu.dma_semaphore, #tpu.memory_space<semaphore_mem>>)
        %dma_wait3A = arith.constant 9360 : i32
        %dma_wait3A_51 = arith.constant 0 : i32
        %dma_wait3A_52 = tpu.memref_slice %arg6[%arg0, %dma_wait3A, %dma_wait3A_51] : memref<2x10000x128xf32, #tpu.memory_space<hbm>> -> memref<1x640x128xf32, #tpu.memory_space<hbm>>
        %dma_wait3A_53 = tpu.memref_squeeze %dma_wait3A_52 : memref<1x640x128xf32, #tpu.memory_space<hbm>> -> memref<640x128xf32, #tpu.memory_space<hbm>>
        %dma_wait3A_54 = arith.constant 9360 : i32
        %dma_wait3A_55 = arith.constant 0 : i32
        %dma_wait3A_56 = tpu.memref_slice %arg11[%dma_wait3A_54, %dma_wait3A_55] : memref<10000x128xf32, #tpu.memory_space<vmem_shared>> -> memref<640x128xf32, #tpu.memory_space<vmem_shared>>
        tpu.wait_dma2 semaphore(%run_scoped3A : memref<!tpu.dma_semaphore, #tpu.memory_space<semaphore_mem>>) src(%dma_wait3A_56 : memref<640x128xf32, #tpu.memory_space<vmem_shared>>) dst(%dma_wait3A_53 : memref<640x128xf32, #tpu.memory_space<hbm>>)
        tpu.yield
      }) : () -> ()
    } else {
    }
    return
  }
}

module attributes {stable_mosaic.version = 14 : i64} {
  func.func @_prep_body(%arg0: i32, %arg1: memref<2x2000x128xf32, #tpu.memory_space<vmem>>, %arg2: memref<2000x128xf32, #tpu.memory_space<vmem>>, %arg3: memref<2000x128xf32, #tpu.memory_space<vmem>>, %arg4: memref<2000x1xf32, #tpu.memory_space<vmem>>, %arg5: memref<2000x1xf32, #tpu.memory_space<vmem>>) attributes {dimension_semantics = [#tpu.dimension_semantics<arbitrary>], iteration_bounds = array<i64: 5>, scalar_prefetch = 0 : i64, scratch_operands = 0 : i64, tpu.core_type = #tpu.core_type<tc>, window_params = [{transform_indices = @transform_0, window_bounds = array<i64: 2, 2000, 128>}, {transform_indices = @transform_1, window_bounds = array<i64: 2000, 128>}, {transform_indices = @transform_2, window_bounds = array<i64: 2000, 128>}, {transform_indices = @transform_3, window_bounds = array<i64: 2000, 1>}, {transform_indices = @transform_4, window_bounds = array<i64: 2000, 1>}]} {
    %get3A = arith.constant 0 : index
    %get3A_0 = arith.constant 0 : index
    %get3A_1 = arith.constant 0 : index
    %get3A_2 = vector.load %arg1[%get3A, %get3A_0, %get3A_1] : memref<2x2000x128xf32, #tpu.memory_space<vmem>>, vector<2x2000x128xf32>
    %slice3A = vector.extract_strided_slice %get3A_2 {offsets = [0, 0, 0], sizes = [1, 2000, 128], strides = [1, 1, 1]} : vector<2x2000x128xf32> to vector<1x2000x128xf32>
    %squeeze3A = vector.shape_cast %slice3A : vector<1x2000x128xf32> to vector<2000x128xf32>
    %slice3A_3 = vector.extract_strided_slice %get3A_2 {offsets = [1, 0, 0], sizes = [1, 2000, 128], strides = [1, 1, 1]} : vector<2x2000x128xf32> to vector<1x2000x128xf32>
    %squeeze3A_4 = vector.shape_cast %slice3A_3 : vector<1x2000x128xf32> to vector<2000x128xf32>
    %add3A = arith.addf %squeeze3A, %squeeze3A_4 : vector<2000x128xf32>
    %slice3A_5 = vector.extract_strided_slice %add3A {offsets = [0, 0], sizes = [2000, 1], strides = [1, 1]} : vector<2000x128xf32> to vector<2000x1xf32>
    %slice3A_6 = vector.extract_strided_slice %get3A_2 {offsets = [0, 0, 0], sizes = [1, 2000, 128], strides = [1, 1, 1]} : vector<2x2000x128xf32> to vector<1x2000x128xf32>
    %squeeze3A_7 = vector.shape_cast %slice3A_6 : vector<1x2000x128xf32> to vector<2000x128xf32>
    %slice3A_8 = vector.extract_strided_slice %get3A_2 {offsets = [1, 0, 0], sizes = [1, 2000, 128], strides = [1, 1, 1]} : vector<2x2000x128xf32> to vector<1x2000x128xf32>
    %squeeze3A_9 = vector.shape_cast %slice3A_8 : vector<1x2000x128xf32> to vector<2000x128xf32>
    %add3A_10 = arith.addf %squeeze3A_7, %squeeze3A_9 : vector<2000x128xf32>
    %slice3A_11 = vector.extract_strided_slice %add3A_10 {offsets = [0, 8], sizes = [2000, 1], strides = [1, 1]} : vector<2000x128xf32> to vector<2000x1xf32>
    %max3A = arith.constant 1.000000e+00 : f32
    %max3A_12 = vector.broadcast %max3A : f32 to vector<2000x1xf32>
    %max3A_13 = arith.maximumf %slice3A_5, %max3A_12 : vector<2000x1xf32>
    %rsqrt3A = math.rsqrt %max3A_13 : vector<2000x1xf32>
    %max3A_14 = arith.constant 1.000000e+00 : f32
    %max3A_15 = vector.broadcast %max3A_14 : f32 to vector<2000x1xf32>
    %max3A_16 = arith.maximumf %slice3A_11, %max3A_15 : vector<2000x1xf32>
    %rsqrt3A_17 = math.rsqrt %max3A_16 : vector<2000x1xf32>
    %get3A_18 = arith.constant 0 : index
    %get3A_19 = arith.constant 0 : index
    %get3A_20 = vector.load %arg2[%get3A_18, %get3A_19] : memref<2000x128xf32, #tpu.memory_space<vmem>>, vector<2000x128xf32>
    %mul3A = vector.broadcast %rsqrt3A : vector<2000x1xf32> to vector<2000x128xf32>
    %mul3A_21 = arith.mulf %get3A_20, %mul3A : vector<2000x128xf32>
    %swap3A = arith.constant 0 : index
    %swap3A_22 = arith.constant 0 : index
    %swap3A_23 = vector.load %arg3[%swap3A, %swap3A_22] : memref<2000x128xf32, #tpu.memory_space<vmem>>, vector<2000x128xf32>
    tpu.vector_store %arg3[%swap3A, %swap3A_22], %mul3A_21 {strides = array<i32>} : memref<2000x128xf32, #tpu.memory_space<vmem>>, vector<2000x128xf32>,
    %swap3A_24 = arith.constant 0 : index
    %swap3A_25 = arith.constant 0 : index
    %swap3A_26 = vector.load %arg4[%swap3A_24, %swap3A_25] : memref<2000x1xf32, #tpu.memory_space<vmem>>, vector<2000x1xf32>
    tpu.vector_store %arg4[%swap3A_24, %swap3A_25], %rsqrt3A {strides = array<i32>} : memref<2000x1xf32, #tpu.memory_space<vmem>>, vector<2000x1xf32>,
    %swap3A_27 = arith.constant 0 : index
    %swap3A_28 = arith.constant 0 : index
    %swap3A_29 = vector.load %arg5[%swap3A_27, %swap3A_28] : memref<2000x1xf32, #tpu.memory_space<vmem>>, vector<2000x1xf32>
    tpu.vector_store %arg5[%swap3A_27, %swap3A_28], %rsqrt3A_17 {strides = array<i32>} : memref<2000x1xf32, #tpu.memory_space<vmem>>, vector<2000x1xf32>,
    return
  }
  func.func @transform_0(%arg0: i32) -> (i32, i32, i32) {
    %c0_i32 = arith.constant 0 : i32
    %c0_i32_0 = arith.constant 0 : i32
    %c0_i32_1 = arith.constant 0 : i32
    return %c0_i32, %arg0, %c0_i32_0 : i32, i32, i32
  }
  func.func @transform_1(%arg0: i32) -> (i32, i32) {
    %c0_i32 = arith.constant 0 : i32
    %c0_i32_0 = arith.constant 0 : i32
    return %arg0, %c0_i32 : i32, i32
  }
  func.func @transform_2(%arg0: i32) -> (i32, i32) {
    %c0_i32 = arith.constant 0 : i32
    %c0_i32_0 = arith.constant 0 : i32
    return %arg0, %c0_i32 : i32, i32
  }
  func.func @transform_3(%arg0: i32) -> (i32, i32) {
    %c0_i32 = arith.constant 0 : i32
    %c0_i32_0 = arith.constant 0 : i32
    return %arg0, %c0_i32 : i32, i32
  }
  func.func @transform_4(%arg0: i32) -> (i32, i32) {
    %c0_i32 = arith.constant 0 : i32
    %c0_i32_0 = arith.constant 0 : i32
    return %arg0, %c0_i32 : i32, i32
  }
}

module attributes {stable_mosaic.version = 14 : i64} {
  func.func @_mid_body(%arg0: i32, %arg1: memref<2x2000x128xf32, #tpu.memory_space<vmem>>, %arg2: memref<128x256xf32, #tpu.memory_space<vmem>>, %arg3: memref<1x256xf32, #tpu.memory_space<vmem>>, %arg4: memref<2000x1xf32, #tpu.memory_space<vmem>>, %arg5: memref<2000x1xf32, #tpu.memory_space<vmem>>, %arg6: memref<256x128xf32, #tpu.memory_space<vmem>>, %arg7: memref<2000x128xf32, #tpu.memory_space<vmem>>) attributes {dimension_semantics = [#tpu.dimension_semantics<arbitrary>], iteration_bounds = array<i64: 5>, scalar_prefetch = 0 : i64, scratch_operands = 0 : i64, tpu.core_type = #tpu.core_type<tc>, window_params = [{transform_indices = @transform_0, window_bounds = array<i64: 2, 2000, 128>}, {pipeline_mode = #tpu.pipeline_mode<synchronous>, transform_indices = @transform_1, window_bounds = array<i64: 128, 256>}, {pipeline_mode = #tpu.pipeline_mode<synchronous>, transform_indices = @transform_2, window_bounds = array<i64: 1, 256>}, {transform_indices = @transform_3, window_bounds = array<i64: 2000, 1>}, {transform_indices = @transform_4, window_bounds = array<i64: 2000, 1>}, {pipeline_mode = #tpu.pipeline_mode<synchronous>, transform_indices = @transform_5, window_bounds = array<i64: 256, 128>}, {transform_indices = @transform_6, window_bounds = array<i64: 2000, 128>}]} {
    %get3A = arith.constant 0 : index
    %get3A_0 = arith.constant 0 : index
    %get3A_1 = arith.constant 0 : index
    %get3A_2 = vector.load %arg1[%get3A, %get3A_0, %get3A_1] : memref<2x2000x128xf32, #tpu.memory_space<vmem>>, vector<1x2000x128xf32>
    %get3A_3 = vector.shape_cast %get3A_2 : vector<1x2000x128xf32> to vector<2000x128xf32>
    %get3A_4 = arith.constant 1 : index
    %get3A_5 = arith.constant 0 : index
    %get3A_6 = arith.constant 0 : index
    %get3A_7 = vector.load %arg1[%get3A_4, %get3A_5, %get3A_6] : memref<2x2000x128xf32, #tpu.memory_space<vmem>>, vector<1x2000x128xf32>
    %get3A_8 = vector.shape_cast %get3A_7 : vector<1x2000x128xf32> to vector<2000x128xf32>
    %add3A = arith.addf %get3A_3, %get3A_8 : vector<2000x128xf32>
    %get3A_9 = arith.constant 0 : index
    %get3A_10 = arith.constant 0 : index
    %get3A_11 = vector.load %arg2[%get3A_9, %get3A_10] : memref<128x256xf32, #tpu.memory_space<vmem>>, vector<128x256xf32>
    %dot_general3A = arith.constant dense<0.000000e+00> : vector<2000x256xf32>
    %dot_general3A_12 = tpu.matmul %add3A, %get3A_11, %dot_general3A {dimension_numbers = #tpu.dot_dimension_numbers<[1], [0], [0], [1], [0, 0, 1, 1], [], []>, transpose_lhs_hint = false} : vector<2000x128xf32>, vector<128x256xf32>, vector<2000x256xf32> -> vector<2000x256xf32>
    %get3A_13 = arith.constant 0 : index
    %get3A_14 = arith.constant 0 : index
    %get3A_15 = vector.load %arg5[%get3A_13, %get3A_14] : memref<2000x1xf32, #tpu.memory_space<vmem>>, vector<2000x1xf32>
    %mul3A = vector.broadcast %get3A_15 : vector<2000x1xf32> to vector<2000x256xf32>
    %mul3A_16 = arith.mulf %dot_general3A_12, %mul3A : vector<2000x256xf32>
    %get3A_17 = arith.constant 0 : index
    %get3A_18 = arith.constant 0 : index
    %get3A_19 = vector.load %arg3[%get3A_17, %get3A_18] : memref<1x256xf32, #tpu.memory_space<vmem>>, vector<1x256xf32>
    %add3A_20 = vector.broadcast %get3A_19 : vector<1x256xf32> to vector<2000x256xf32>
    %add3A_21 = arith.addf %mul3A_16, %add3A_20 : vector<2000x256xf32>
    %max3A = arith.constant 0.000000e+00 : f32
    %max3A_22 = vector.broadcast %max3A : f32 to vector<2000x256xf32>
    %max3A_23 = arith.maximumf %add3A_21, %max3A_22 : vector<2000x256xf32>
    %get3A_24 = arith.constant 0 : index
    %get3A_25 = arith.constant 0 : index
    %get3A_26 = vector.load %arg4[%get3A_24, %get3A_25] : memref<2000x1xf32, #tpu.memory_space<vmem>>, vector<2000x1xf32>
    %mul3A_27 = vector.broadcast %get3A_26 : vector<2000x1xf32> to vector<2000x256xf32>
    %mul3A_28 = arith.mulf %max3A_23, %mul3A_27 : vector<2000x256xf32>
    %get3A_29 = arith.constant 0 : index
    %get3A_30 = arith.constant 0 : index
    %get3A_31 = vector.load %arg6[%get3A_29, %get3A_30] : memref<256x128xf32, #tpu.memory_space<vmem>>, vector<256x128xf32>
    %dot_general3A_32 = arith.constant dense<0.000000e+00> : vector<2000x128xf32>
    %dot_general3A_33 = tpu.matmul %mul3A_28, %get3A_31, %dot_general3A_32 {dimension_numbers = #tpu.dot_dimension_numbers<[1], [0], [0], [1], [0, 0, 1, 1], [], []>, transpose_lhs_hint = false} : vector<2000x256xf32>, vector<256x128xf32>, vector<2000x128xf32> -> vector<2000x128xf32>
    %swap3A = arith.constant 0 : index
    %swap3A_34 = arith.constant 0 : index
    %swap3A_35 = vector.load %arg7[%swap3A, %swap3A_34] : memref<2000x128xf32, #tpu.memory_space<vmem>>, vector<2000x128xf32>
    tpu.vector_store %arg7[%swap3A, %swap3A_34], %dot_general3A_33 {strides = array<i32>} : memref<2000x128xf32, #tpu.memory_space<vmem>>, vector<2000x128xf32>,
    return
  }
  func.func @transform_0(%arg0: i32) -> (i32, i32, i32) {
    %c0_i32 = arith.constant 0 : i32
    %c0_i32_0 = arith.constant 0 : i32
    %c0_i32_1 = arith.constant 0 : i32
    return %c0_i32, %arg0, %c0_i32_0 : i32, i32, i32
  }
  func.func @transform_1(%arg0: i32) -> (i32, i32) {
    %c0_i32 = arith.constant 0 : i32
    %c0_i32_0 = arith.constant 0 : i32
    %c0_i32_1 = arith.constant 0 : i32
    return %c0_i32, %c0_i32_0 : i32, i32
  }
  func.func @transform_2(%arg0: i32) -> (i32, i32) {
    %c0_i32 = arith.constant 0 : i32
    %c0_i32_0 = arith.constant 0 : i32
    %c0_i32_1 = arith.constant 0 : i32
    return %c0_i32, %c0_i32_0 : i32, i32
  }
  func.func @transform_3(%arg0: i32) -> (i32, i32) {
    %c0_i32 = arith.constant 0 : i32
    %c0_i32_0 = arith.constant 0 : i32
    return %arg0, %c0_i32 : i32, i32
  }
  func.func @transform_4(%arg0: i32) -> (i32, i32) {
    %c0_i32 = arith.constant 0 : i32
    %c0_i32_0 = arith.constant 0 : i32
    return %arg0, %c0_i32 : i32, i32
  }
  func.func @transform_5(%arg0: i32) -> (i32, i32) {
    %c0_i32 = arith.constant 0 : i32
    %c0_i32_0 = arith.constant 0 : i32
    %c0_i32_1 = arith.constant 0 : i32
    return %c0_i32, %c0_i32_0 : i32, i32
  }
  func.func @transform_6(%arg0: i32) -> (i32, i32) {
    %c0_i32 = arith.constant 0 : i32
    %c0_i32_0 = arith.constant 0 : i32
    return %arg0, %c0_i32 : i32, i32
  }
}

module attributes {stable_mosaic.version = 14 : i64} {
  func.func @_fin_body(%arg0: i32, %arg1: memref<2x2000x128xf32, #tpu.memory_space<vmem>>, %arg2: memref<2000x1xf32, #tpu.memory_space<vmem>>, %arg3: memref<1x128xf32, #tpu.memory_space<vmem>>, %arg4: memref<2000x128xf32, #tpu.memory_space<vmem>>) attributes {dimension_semantics = [#tpu.dimension_semantics<arbitrary>], iteration_bounds = array<i64: 5>, scalar_prefetch = 0 : i64, scratch_operands = 0 : i64, tpu.core_type = #tpu.core_type<tc>, window_params = [{transform_indices = @transform_0, window_bounds = array<i64: 2, 2000, 128>}, {transform_indices = @transform_1, window_bounds = array<i64: 2000, 1>}, {pipeline_mode = #tpu.pipeline_mode<synchronous>, transform_indices = @transform_2, window_bounds = array<i64: 1, 128>}, {transform_indices = @transform_3, window_bounds = array<i64: 2000, 128>}]} {
    %get3A = arith.constant 0 : index
    %get3A_0 = arith.constant 0 : index
    %get3A_1 = arith.constant 0 : index
    %get3A_2 = vector.load %arg1[%get3A, %get3A_0, %get3A_1] : memref<2x2000x128xf32, #tpu.memory_space<vmem>>, vector<1x2000x128xf32>
    %get3A_3 = vector.shape_cast %get3A_2 : vector<1x2000x128xf32> to vector<2000x128xf32>
    %get3A_4 = arith.constant 1 : index
    %get3A_5 = arith.constant 0 : index
    %get3A_6 = arith.constant 0 : index
    %get3A_7 = vector.load %arg1[%get3A_4, %get3A_5, %get3A_6] : memref<2x2000x128xf32, #tpu.memory_space<vmem>>, vector<1x2000x128xf32>
    %get3A_8 = vector.shape_cast %get3A_7 : vector<1x2000x128xf32> to vector<2000x128xf32>
    %add3A = arith.addf %get3A_3, %get3A_8 : vector<2000x128xf32>
    %get3A_9 = arith.constant 0 : index
    %get3A_10 = arith.constant 0 : index
    %get3A_11 = vector.load %arg2[%get3A_9, %get3A_10] : memref<2000x1xf32, #tpu.memory_space<vmem>>, vector<2000x1xf32>
    %mul3A = vector.broadcast %get3A_11 : vector<2000x1xf32> to vector<2000x128xf32>
    %mul3A_12 = arith.mulf %add3A, %mul3A : vector<2000x128xf32>
    %get3A_13 = arith.constant 0 : index
    %get3A_14 = arith.constant 0 : index
    %get3A_15 = vector.load %arg3[%get3A_13, %get3A_14] : memref<1x128xf32, #tpu.memory_space<vmem>>, vector<1x128xf32>
    %add3A_16 = vector.broadcast %get3A_15 : vector<1x128xf32> to vector<2000x128xf32>
    %add3A_17 = arith.addf %mul3A_12, %add3A_16 : vector<2000x128xf32>
    %swap3A = arith.constant 0 : index
    %swap3A_18 = arith.constant 0 : index
    %swap3A_19 = vector.load %arg4[%swap3A, %swap3A_18] : memref<2000x128xf32, #tpu.memory_space<vmem>>, vector<2000x128xf32>
    tpu.vector_store %arg4[%swap3A, %swap3A_18], %add3A_17 {strides = array<i32>} : memref<2000x128xf32, #tpu.memory_space<vmem>>, vector<2000x128xf32>,
    return
  }
  func.func @transform_0(%arg0: i32) -> (i32, i32, i32) {
    %c0_i32 = arith.constant 0 : i32
    %c0_i32_0 = arith.constant 0 : i32
    %c0_i32_1 = arith.constant 0 : i32
    return %c0_i32, %arg0, %c0_i32_0 : i32, i32, i32
  }
  func.func @transform_1(%arg0: i32) -> (i32, i32) {
    %c0_i32 = arith.constant 0 : i32
    %c0_i32_0 = arith.constant 0 : i32
    return %arg0, %c0_i32 : i32, i32
  }
  func.func @transform_2(%arg0: i32) -> (i32, i32) {
    %c0_i32 = arith.constant 0 : i32
    %c0_i32_0 = arith.constant 0 : i32
    %c0_i32_1 = arith.constant 0 : i32
    return %c0_i32, %c0_i32_0 : i32, i32
  }
  func.func @transform_3(%arg0: i32) -> (i32, i32) {
    %c0_i32 = arith.constant 0 : i32
    %c0_i32_0 = arith.constant 0 : i32
    return %arg0, %c0_i32 : i32, i32
  }
}

</mosaic_0001>

<sc_bundles>
// kernel: kernel.11.cloned.1.call-start
scs
__scs_entry_jumppad:
0x0: {  	(pc) =	sbr.rel $0x88, $3  }
0x1: {  	(tag) =	ssettag $0x0;
	lr =	simm.s32 $0x1  }
0x2: {  	[smem:$0x3F9B] =	sst lr;
	_ =	strace $0xD0000000  }
0x3: {  	_ = 	snop  }
0x4: {  	_ = 	snop  }
0x5: {  	_ = 	snop  }
0x6: {  	_ = 	snop  }
0x7: {  	_ = 	snop  }
__scs_overlays_trampoline_lowered:
0x8: {  	[smem:$0x3FAA] =	sst s0  }
0x9: {  	[smem:$0x3FAB] =	sst s1  }
0xa: {  	[smem:$0x3FAC] =	sst s2  }
0xb: {  	[smem:$0x3FAD] =	sst s3  }
0xc: {  	[smem:$0x3FAE] =	sst s4  }
0xd: {  	[smem:$0x3FAF] =	sst s5  }
0xe: {  	[smem:$0x3FB0] =	sst s6  }
0xf: {  	[smem:$0x3FB1] =	sst s7  }
0x10: {  	[smem:$0x3FB2] =	sst s8  }
0x11: {  	[smem:$0x3FB3] =	sst s9;
	s0 =	simm.s32 @!p0 $0x0  }
0x12: {  	s1 =	sld [smem:$0x3F99];
	s0 =	simm.s32 @p0 $0x1  }
0x13: {  	[smem:$0x3FB4] =	sst s0;
	s0 =	simm.s32 @!p1 $0x0  }
0x14: {  	s2 =	sld [smem:$0x3F98];
	s0 =	simm.s32 @p1 $0x1  }
0x15: {  	[smem:$0x3FB5] =	sst s0;
	s0 =	simm.s32 @!p2 $0x0  }
0x16: {  	s3 =	sld [smem:$0x3FDB];
	s0 =	simm.s32 @p2 $0x1  }
0x17: {  	s4 =	simm.s32 $0x1BF5;
	[smem:$0x3FB7] =	sst s0  }
0x18: {  	s0 =	sld [smem:$0x3F9A];
	_ =	swait.ge [sflag:s4], $0x0  }
0x19: {  	s7 =	sld [smem:$0x3F9B]  }
0x1a: {  	s8 =	sadd.s32 $0xFFFFE003, lr  }
0x1b: {  	s9 =	sadd.s32 $0xFFFFFEF7, lr;
	s5 =	simm.s32 $0xFFFFFFFF;
	p2 =	slt.u32 s8, $0xFFFFF086  }
0x1c: {  	p1 =	slt.u32 s9, $0xF7A;
	s5 =	simm.s32 @!p2 $0x0  }
0x1d: {  	s5 =	simm.s32 @p1 $0x1;
	p0 =	seq.s32 s7, s2  }
0x1e: {  	s7 =	smul.u32 @!p0 $0xF7A, s2;
	p2 =	seq.s32 @!p0 s5, $0x0  }
0x1f: {  	s9 =	smul.u32 $0xF7A, s1;
	s8 =	simm.s32 @!p0 $0x1BF5;
	p2 =	por !p2, p0  }
0x20: {  	[sflag:s8] =	ssyncset.s32 @!p0 $0xFFFFF086;
	s6 =	sadd.s32 @!p0 s3, s7;
	s7 =	simm.s32 @!p0 $0x108  }
0x21: {  	s3 =	sadd.s32 s3, s9;
	s6 =	sadd.s32 @!p0 $0x88, s6;
	s7 =	simm.s32 @p2 $0x1082  }
0x22: {  	[simem:s7], [sflag:s8] =	dma.local @!p0 [hbm:s6], $0xF7A  }
0x23: {  	s9 =	sor.u32 $0xD0000000, s2;
	s6 =	simm.s32 $0x108;
	_ =	swait.ge @!p0 [sflag:s8], $0x0  }
0x24: {  	s3 =	sadd.s32 $0x88, s3;
	s6 =	simm.s32 @!p1 $0x1082;
	[sflag:s4] =	ssyncset.s32 $0xFFFFF086  }
0x25: {  	[simem:s6], [sflag:s4] =	dma.local [hbm:s3], $0xF7A  }
0x26: {  	[smem:$0x3F9B] =	sst s1;
	(tag) =	ssettag s2;
	_ =	strace s9  }
0x27: {  	s1 =	sld [smem:$0x3FAB]  }
0x28: {  	s2 =	sld [smem:$0x3FAC]  }
0x29: {  	s4 =	sld [smem:$0x3FAE]  }
0x2a: {  	p0 =	seq.s32 s5, $0x0;
	s5 =	sld [smem:$0x3FAF]  }
0x2b: {  	s6 =	sld [smem:$0x3FB0]  }
0x2c: {  	s7 =	sld [smem:$0x3FB1]  }
0x2d: {  	s3 =	simm.s32 $0x108;
	s8 =	sld [smem:$0x3FB2]  }
0x2e: {  	s3 =	simm.s32 @!p0 $0x1082;
	s9 =	sld [smem:$0x3FB3]  }
0x2f: {  	lr =	sadd.s32 s0, s3;
	s0 =	sld [smem:$0x3FAA]  }
0x30: {  	s3 =	sld [smem:$0x3FAD]  }
0x31: {  	[smem:$0x3FB6] =	sst s10  }
0x32: {  	s10 =	sld [smem:$0x3FB4];
	_ =	sdelay $0x3  }
0x33: {  	p0 =	seq.s32 s10, $0x1;
	s10 =	sld [smem:$0x3FB6];
	_ =	sdelay $0x3  }
0x34: {  	[smem:$0x3FB6] =	sst s10  }
0x35: {  	s10 =	sld [smem:$0x3FB5];
	_ =	sdelay $0x3  }
0x36: {  	p1 =	seq.s32 s10, $0x1;
	s10 =	sld [smem:$0x3FB6];
	_ =	sdelay $0x3  }
0x37: {  	[smem:$0x3FB6] =	sst s10  }
0x38: {  	s10 =	sld [smem:$0x3FB7]  }
0x39: {  	_ = 	snop;
	(pc) =	sbr.ind lr, $3  }
0x3a: {  	_ = 	snop  }
0x3b: {  	_ = 	snop  }
0x3c: {  	p2 =	seq.s32 s10, $0x1;
	s10 =	sld [smem:$0x3FB6]  }
0x3d: {  	_ =	shalt  }
0x3e: {  	_ =	shalt  }
0x3f: {  	_ =	shalt  }
0x40: {  	_ =	shalt  }
0x41: {  	_ =	shalt  }
0x42: {  	_ =	shalt  }
0x43: {  	_ =	shalt  }
0x44: {  	_ =	shalt  }
0x45: {  	_ =	shalt  }
0x46: {  	_ =	shalt  }
0x47: {  	_ =	shalt  }
0x48: {  	_ =	shalt  }
0x49: {  	_ =	shalt  }
0x4a: {  	_ =	shalt  }
0x4b: {  	_ =	shalt  }
0x4c: {  	_ =	shalt  }
0x4d: {  	_ =	shalt  }
0x4e: {  	_ =	shalt  }
0x4f: {  	_ =	shalt  }
0x50: {  	_ =	shalt  }
0x51: {  	_ =	shalt  }
0x52: {  	_ =	shalt  }
0x53: {  	_ =	shalt  }
0x54: {  	_ =	shalt  }
0x55: {  	_ =	shalt  }
0x56: {  	_ =	shalt  }
0x57: {  	_ =	shalt  }
0x58: {  	_ =	shalt  }
0x59: {  	_ =	shalt  }
0x5a: {  	_ =	shalt  }
0x5b: {  	_ =	shalt  }
0x5c: {  	_ =	shalt  }
0x5d: {  	_ =	shalt  }
0x5e: {  	_ =	shalt  }
0x5f: {  	_ =	shalt  }
0x60: {  	_ =	shalt  }
0x61: {  	_ =	shalt  }
0x62: {  	_ =	shalt  }
0x63: {  	_ =	shalt  }
0x64: {  	_ =	shalt  }
0x65: {  	_ =	shalt  }
0x66: {  	_ =	shalt  }
0x67: {  	_ =	shalt  }
0x68: {  	_ =	shalt  }
0x69: {  	_ =	shalt  }
0x6a: {  	_ =	shalt  }
0x6b: {  	_ =	shalt  }
0x6c: {  	_ =	shalt  }
0x6d: {  	_ =	shalt  }
0x6e: {  	_ =	shalt  }
0x6f: {  	_ =	shalt  }
0x70: {  	_ =	shalt  }
0x71: {  	_ =	shalt  }
0x72: {  	_ =	shalt  }
0x73: {  	_ =	shalt  }
0x74: {  	_ =	shalt  }
0x75: {  	_ =	shalt  }
0x76: {  	_ =	shalt  }
0x77: {  	_ =	shalt  }
0x78: {  	_ =	shalt  }
0x79: {  	_ =	shalt  }
0x7a: {  	_ =	shalt  }
0x7b: {  	_ =	shalt  }
0x7c: {  	_ =	shalt  }
0x7d: {  	_ =	shalt  }
0x7e: {  	_ =	shalt  }
0x7f: {  	_ =	shalt  }
0x80: {  	_ =	shalt  }
0x81: {  	_ =	shalt  }
0x82: {  	_ =	shalt  }
0x83: {  	_ =	shalt  }
0x84: {  	_ =	shalt  }
0x85: {  	_ =	shalt  }
0x86: {  	_ =	shalt  }
0x87: {  	_ =	shalt  }
.Lfunc_end0:
.L_simem_size_0:
called_computation.1_lowered:
.L_overlay_start_0:
0x88: {  	s2 =	sld [smem:$0x3FD9]  }
0x89: {  	s3 =	sld [smem:$0x3FFE];
	_ =	sdelay $0x1  }
0x8a: {  	s1 =	srdreg.scid  }
0x8b: {  	s0 =	sand.u32 $0x1, s1  }
0x8c: {  	s17 =	sshll.u32 s0, $0xA;
	s2 =	sadd.s32 s3, s2  }
0x8d: {  	s2 =	sadd.s32 s2, s17  }
0x8e: {  	[smem:$0x3FC2] =	sst s2  }
0x8f: {  	_ = 	snop  }
0x90: {  	s2 =	sld [smem:$0x3FD0];
	(tm) =	ssettm $0x1  }
0x91: {  	s18 =	sld [smem:$0x3FFB];
	_ =	sdelay $0x3  }
0x92: {  	_ =	strace s18  }
0x93: {  	s3 =	sld [smem:$0x3FFC];
	_ =	sdelay $0x3  }
0x94: {  	_ =	strace s3  }
0x95: {  	s3 =	sld [smem:$0x3FFD];
	_ =	sdelay $0x3  }
0x96: {  	_ =	strace s3  }
0x97: {  	_ =	strace $0x8FFFFFFF  }
0x98: {  	s19 =	sld [smem:$0x3FDB];
	_ =	sdelay $0x1  }
0x99: {  	s4 =	simm.s32 $_scs_section_size  }
0x9a: {  	s5 =	simm.s32 $_size__tile_overlayer_lowered;
	s6 =	simm.s32 $_tile_overlayer_lowered  }
0x9b: {  	s22 =	simm.s32 $0x1BFF;
	s21 =	sshll.u32 s6, $0x1;
	s3 =	sadd.s32 s4, s19  }
0x9c: {  	s7 =	simm.s32 $0x0;
	s20 =	sshll.u32 s5, $0x1;
	s5 =	sadd.s32 s21, s3  }
0x9d: {  	[timem:s7], [sflag:s22] =	dma.local [hbm:s5], s20  }
0x9e: {  	_ =	swait.ge [sflag:s22], s20  }
0x9f: {  	s4 =	ssub.s32 $0x0, s20;
	[sflag:s22] =	ssyncset.done $0x0  }
0xa0: {  	[sflag:s22] =	ssyncadd.s32 s4;
	_ =	sdelay $0x1  }
0xa1: {  	s23 =	simm.s32 $0x1B8B  }
0xa2: {  	_ =	swait.ge [sflag:s23], $0x1  }
0xa3: {  	[sflag:s23] =	ssyncset.done $0x0  }
0xa4: {  	s25 =	simm.s32 $0x1B8E;
	s24 =	sld [smem:$0x3FFE];
	[sflag:s23] =	ssyncadd.s32 $0xFFFFFFFF  }
0xa5: {  	s26 =	simm.s32 $execute0_lowered;
	[smem:$0x3FD2] =	sst s25  }
0xa6: {  	s5 =	sshll.u32 s26, $0x1;
	_ =	strace $0x80000049;
	[dreg:$0x1] =	wrdreg $0xFFFFFFFF  }
0xa7: {  	s28 =	simm.s32 $_size_execute0_lowered;
	s3 =	sadd.s32 s3, s5;
	[dreg:$0x0] =	wrdreg $0x0  }
0xa8: {  	s5 =	sshll.u32 s28, $0x1;
	[dreg:$0x2] =	wrdreg s3  }
0xa9: {  	[dreg:$0x3] =	wrdreg s5  }
0xaa: {  	[dreg:$0x4] =	wrdreg $0xC0  }
0xab: {  	_ =	task [dreg:s7], $0x5FFFF  }
0xac: {  	[dreg:$0x1] =	wrdreg $0xFFFFFFFF  }
0xad: {  	[dreg:$0x0] =	wrdreg $0x60  }
0xae: {  	[dreg:$0x2] =	wrdreg s2  }
0xaf: {  	[dreg:$0x3] =	wrdreg s24  }
0xb0: {  	[dreg:$0x4] =	wrdreg $0xA8000  }
0xb1: {  	[dreg:$0x5] =	wrdreg $0x9  }
0xb2: {  	_ =	task.clear_ibuf [dreg:s7], $0x6FFFF;
	_ =	strace $0x90000049  }
0xb3: {  	s29 =	simm.s32 $0x9;
	_ =	strace $0x8000004B  }
0xb4: {  	_ =	swait.ge [sflag:s29], $0x1  }
0xb5: {  	[sflag:s29] =	ssyncadd.s32 $0xFFFFFFFF  }
0xb6: {  	_ =	strace $0x9000004B  }
0xb7: {  	_ =	sfence  }
0xb8: {  	s30 =	sld [smem:$0x0];
	_ =	sdelay $0x2  }
0xb9: {  	s31 =	sshll.u32 s1, $0xD;
	s1 =	sshrl.u32 s1, $0x2  }
0xba: {  	s3 =	sand.u32 $0x4000, s31;
	s1 =	sadd.s32 s1, s30  }
0xbb: {  	s0 =	sor.u32 s3, s0;
	s1 =	sshll.u32 s1, $0x11  }
0xbc: {  	s0 =	sor.u32 s1, s0  }
0xbd: {  	s0 =	sadd.s32 $0x8F2B, s0  }
0xbe: {  	[sflag:s0] =	ssyncadd.remote.s32 $0x1  }
0xbf: {  	_ =	sfence.sel $0xFFFF  }
0xc0: {  	[dreg:$0x0] =	wrdreg $0xFFFFFFFF;
	(pc) =	sbr.abs _section_cstart, $3  }
0xc1: {  	[dreg:$0x1] =	wrdreg $0xFFFFFFFF  }
0xc2: {  	_ =	task.clear_ibuf [dreg:s7], $0x2FFFF;
	_ =	strace $0x9FFFFFFF  }
0xc3: {  	(tm) =	ssettm $0x7FFFFFFF  }
tec
execute0_lowered:
.L_overlay_start_1:
0x0: {  	(tag) =	ssettag $0x1  }
0x1: {  	s1 =	rddreg [dreg:$0x0]  }
0x2: {  	s0 =	rddreg [dreg:$0x1]  }
0x3: {  	s2 =	rddreg [dreg:$0x2]  }
0x4: {  	s3 =	simm.s32 $0x0;
	s5 =	srdreg.scid;
	s12 =	stileid.u32  }
0x5: {  	s28 =	simm.s32 $0x1400;
	s29 =	simm.s32 $0x7D;
	s30 =	simm.s32 $0x1  }
0x6: {  	s31 =	simm.s32 $0x6800;
	[smem:$0x7FF] =	sst s3;
	s4 =	sadd.s32 $0xBE00, s0  }
0x7: {  	s7 =	sadd.s32 $0x1E00, s0;
	s6 =	smul.u32 $0x4E000, s12;
	s8 =	sadd.s32 $0x15E00, s0  }
0x8: {  	s5 =	sand.u32 $0x1, s5;
	s11 =	sadd.s32 $0x124800, s2;
	s13 =	sadd.s32 $0x128400, s2  }
0x9: {  	s0 =	sadd.s32 $0x16600, s0;
	s14 =	sadd.s32 $0x12C000, s2;
	s15 =	sadd.s32 $0x12FC00, s2  }
0xa: {  	s16 =	sadd.s32 $0x133800, s2;
	_ =	strace $0x8000004A;
	s6 =	sshrl.u32 s6, $0x2  }
0xb: {  	[dreg:$0x4] =	wrdreg s8;
	s19 =	ssub.s32 $0x2, s5;
	s6 =	sadd.s32 s6, s2  }
0xc: {  	s10 =	sshll.u32 s5, $0x4;
	s9 =	sshrl.u32 s19, $0x1;
	s21 =	sadd.s32 $0x3C00, s6  }
0xd: {  	s20 =	sor.u32 s12, s10;
	s22 =	sadd.s32 $0x7800, s6;
	[dreg:$0x5] =	wrdreg s21  }
0xe: {  	s8 =	ssub.s32 s19, s9;
	s23 =	sadd.s32 $0xB400, s6;
	[dreg:$0x6] =	wrdreg s22  }
0xf: {  	s9 =	smul.u32 $0x2800, s20;
	s24 =	sadd.s32 $0xF000, s6;
	[dreg:$0x7] =	wrdreg s23  }
0x10: {  	p0 =	seq.s32 s12, $0xF;
	s25 =	sadd.s32 $0x12C00, s6;
	[dreg:$0x8] =	wrdreg s24  }
0x11: {  	s5 =	smul.u32 $0x138800, s5;
	[dreg:$0x9] =	wrdreg s25;
	s9 =	sshrl.u32 s9, $0x3  }
0x12: {  	s21 =	smul.u32 $0x13800, s12;
	s24 =	smax.u32 s8, $0x1;
	s25 =	simm.s32 $0x2800  }
0x13: {  	s8 =	simm.s32 $0x0;
	s20 =	sadd.s32 $0x280, s9;
	s17 =	sadd.s32 s4, s9  }
0x14: {  	s18 =	sadd.s32 s7, s9;
	s19 =	sadd.s32 s4, s20;
	s20 =	sadd.s32 s7, s20  }
0x15: {  	s26 =	sadd.s32 s21, s5;
	s5 =	sshrl.u32 s5, $0x3;
	s21 =	sadd.s32 $0x137400, s2  }
0x16: {  	s7 =	simm.s32 $0x2780;
	s4 =	sshrl.u32 s26, $0x3;
	s5 =	sadd.s32 s0, s5  }
0x17: {  	s26 =	simm.s32 $0x3;
	s22 =	sadd.s32 s0, s4;
	s23 =	sadd.s32 $0x24900, s5  }
0x18: {  	s0 =	simm.s32 $0x2;
	s4 =	simm.s32 $0x1380;
	s5 =	simm.s32 $0x2700  }
.LBB2_1:
0x19: {  	s9 =	rddreg [dreg:$0x4]  }
0x1a: {  	[tilespmem:s25], [sflag:$0x3] =	stream.linear.gather [hbm4b:s9+s3], $0x3E80, $0x38;
	[tilespmem:$0x1E080] =	vst v63  }
0x1b: {  	_ =	swait.ge [sflag:s26], $0x3E80  }
0x1c: {  	[sflag:s26] =	ssyncset.done $0x0  }
0x1d: {  	s10 =	simm.s32 @p0 $0x3;
	s9 =	simm.s32 @p0 $0x2800;
	[sflag:s26] =	ssyncadd.s32 $0xFFFFC180  }
0x1e: {  	[spmem:s11] =	stream.linear.scatter @p0 [tilespmem:s9], [sflag:$0x3], $0x3C00, $0x38;
	[tilespmem:$0x1E080] =	vst v63  }
0x1f: {  	_ =	swait.ge @p0 [sflag:s10], $0x3C00  }
0x20: {  	[sflag:s10] =	ssyncset.done @p0 $0x0  }
0x21: {  	[sflag:s10] =	ssyncadd.s32 @p0 $0xFFFFC400  }
0x22: {  	[spmem:s13] =	stream.linear.scatter @p0 [tilespmem:s9], [sflag:$0x3], $0x3C00, $0x38;
	[tilespmem:$0x1E080] =	vst v63  }
0x23: {  	_ =	swait.ge @p0 [sflag:s10], $0x3C00  }
0x24: {  	[sflag:s10] =	ssyncset.done @p0 $0x0  }
0x25: {  	[sflag:s10] =	ssyncadd.s32 @p0 $0xFFFFC400  }
0x26: {  	[spmem:s14] =	stream.linear.scatter @p0 [tilespmem:s9], [sflag:$0x3], $0x3C00, $0x38;
	[tilespmem:$0x1E080] =	vst v63  }
0x27: {  	_ =	swait.ge @p0 [sflag:s10], $0x3C00  }
0x28: {  	[sflag:s10] =	ssyncset.done @p0 $0x0  }
0x29: {  	[sflag:s10] =	ssyncadd.s32 @p0 $0xFFFFC400  }
0x2a: {  	[spmem:s15] =	stream.linear.scatter @p0 [tilespmem:s9], [sflag:$0x3], $0x3C00, $0x38;
	[tilespmem:$0x1E080] =	vst v63  }
0x2b: {  	_ =	swait.ge @p0 [sflag:s10], $0x3C00  }
0x2c: {  	[sflag:s10] =	ssyncset.done @p0 $0x0  }
0x2d: {  	[sflag:s10] =	ssyncadd.s32 @p0 $0xFFFFC400  }
0x2e: {  	[spmem:s16] =	stream.linear.scatter @p0 [tilespmem:s9], [sflag:$0x3], $0x3C00, $0x38;
	[tilespmem:$0x1E080] =	vst v63  }
0x2f: {  	_ =	swait.ge @p0 [sflag:s10], $0x3C00  }
0x30: {  	[sflag:s10] =	ssyncset.done @p0 $0x0  }
0x31: {  	[sflag:s10] =	ssyncadd.s32 @p0 $0xFFFFC400  }
0x32: {  	[spmem:s21] =	stream.linear.scatter @p0 [tilespmem:s9], [sflag:$0x3], $0x1400, $0x38;
	[tilespmem:$0x1E080] =	vst v63  }
0x33: {  	_ =	swait.ge @p0 [sflag:s10], $0x1400  }
0x34: {  	[sflag:s10] =	ssyncset.done @p0 $0x0  }
0x35: {  	s9 =	simm.s32 @!p0 $0x2800;
	[sflag:s10] =	ssyncadd.s32 @p0 $0xFFFFEC00;
	s10 =	simm.s32 @!p0 $0x3  }
0x36: {  	[spmem:s6] =	stream.linear.scatter @!p0 [tilespmem:s9], [sflag:$0x3], $0x3C00, $0x38;
	[tilespmem:$0x1E080] =	vst v63  }
0x37: {  	_ =	swait.ge @!p0 [sflag:s10], $0x3C00  }
0x38: {  	[sflag:s10] =	ssyncset.done @!p0 $0x0  }
0x39: {  	s12 =	rddreg [dreg:$0x5];
	[sflag:s10] =	ssyncadd.s32 @!p0 $0xFFFFC400  }
0x3a: {  	[spmem:s12] =	stream.linear.scatter @!p0 [tilespmem:s9], [sflag:$0x3], $0x3C00, $0x38;
	[tilespmem:$0x1E080] =	vst v63  }
0x3b: {  	_ =	swait.ge @!p0 [sflag:s10], $0x3C00  }
0x3c: {  	[sflag:s10] =	ssyncset.done @!p0 $0x0  }
0x3d: {  	s12 =	rddreg [dreg:$0x6];
	[sflag:s10] =	ssyncadd.s32 @!p0 $0xFFFFC400  }
0x3e: {  	[spmem:s12] =	stream.linear.scatter @!p0 [tilespmem:s9], [sflag:$0x3], $0x3C00, $0x38;
	[tilespmem:$0x1E080] =	vst v63  }
0x3f: {  	_ =	swait.ge @!p0 [sflag:s10], $0x3C00  }
0x40: {  	[sflag:s10] =	ssyncset.done @!p0 $0x0  }
0x41: {  	s12 =	rddreg [dreg:$0x7];
	[sflag:s10] =	ssyncadd.s32 @!p0 $0xFFFFC400  }
0x42: {  	[spmem:s12] =	stream.linear.scatter @!p0 [tilespmem:s9], [sflag:$0x3], $0x3C00, $0x38;
	[tilespmem:$0x1E080] =	vst v63  }
0x43: {  	_ =	swait.ge @!p0 [sflag:s10], $0x3C00  }
0x44: {  	[sflag:s10] =	ssyncset.done @!p0 $0x0  }
0x45: {  	s12 =	rddreg [dreg:$0x8];
	[sflag:s10] =	ssyncadd.s32 @!p0 $0xFFFFC400  }
0x46: {  	[spmem:s12] =	stream.linear.scatter @!p0 [tilespmem:s9], [sflag:$0x3], $0x3C00, $0x38;
	[tilespmem:$0x1E080] =	vst v63  }
0x47: {  	_ =	swait.ge @!p0 [sflag:s10], $0x3C00  }
0x48: {  	[sflag:s10] =	ssyncset.done @!p0 $0x0  }
0x49: {  	s12 =	rddreg [dreg:$0x9];
	[sflag:s10] =	ssyncadd.s32 @!p0 $0xFFFFC400  }
0x4a: {  	[spmem:s12] =	stream.linear.scatter @!p0 [tilespmem:s9], [sflag:$0x3], $0xC00, $0x38;
	[tilespmem:$0x1E080] =	vst v63  }
0x4b: {  	_ =	swait.ge @!p0 [sflag:s10], $0xC00  }
0x4c: {  	[sflag:s10] =	ssyncset.done @!p0 $0x0  }
0x4d: {  	[sflag:s10] =	ssyncadd.s32 @!p0 $0xFFFFF400  }
0x4e: {  	[bflag:$0x0] =	sbarrier.arrive $0xFFFF  }
0x4f: {  	[tilespmem:s3], [sflag:$0x3] =	stream.linear.gather [hbm4b:s17+s3], $0x1400, $0x38;
	[tilespmem:$0x1E080] =	vst v63  }
0x50: {  	_ =	swait.ge [sflag:s26], $0x1400  }
0x51: {  	[sflag:s26] =	ssyncset.done $0x0  }
0x52: {  	[sflag:s26] =	ssyncadd.s32 $0xFFFFEC00  }
0x53: {  	[tilespmem:s28], [sflag:$0x3] =	stream.linear.gather [hbm4b:s18+s3], $0x1400, $0x38;
	[tilespmem:$0x1E080] =	vst v63  }
0x54: {  	_ =	swait.ge [sflag:s26], $0x1400  }
0x55: {  	[sflag:s26] =	ssyncset.done $0x0  }
0x56: {  	[sflag:s26] =	ssyncadd.s32 $0xFFFFEC00  }
0x57: {  	[tilespmem:s25], [sflag:$0x1] =	stream.indirect.gather [hbm4b:s1+s29], $0x80, s3, s29, $0xb8;
	[tilespmem:$0x1E080] =	vst v63  }
0x58: {  	_ =	swait.ge [sflag:s30], $0x3E80  }
0x59: {  	[sflag:s30] =	ssyncset.done $0x0  }
0x5a: {  	s10 =	simm.s32 $0x80;
	[sflag:s30] =	ssyncadd.s32 $0xFFFFC180  }
0x5b: {  	[tilespmem:s31], [sflag:$0x2] =	stream.indirect.gather [hbm4b:s1+s29], $0x80, s10, s29, $0xb8;
	[tilespmem:$0x1E080] =	vst v63  }
0x5c: {  	s12 =	simm.s32 $0x1400  }
0x5d: {  	[spmem:s2] =	stream.indirect.scatter.add.f32 [tilespmem:s25], [sflag:$0x3], $0x80, s12, s29, $0xb8;
	[tilespmem:$0x1E080] =	vst v63  }
0x5e: {  	_ =	swait.ge [sflag:s26], $0x3E80  }
0x5f: {  	[sflag:s26] =	ssyncset.done $0x0  }
0x60: {  	[sflag:s26] =	ssyncadd.s32 $0xFFFFC180  }
0x61: {  	_ =	swait.ge [sflag:s0], $0x3E80  }
0x62: {  	[sflag:s0] =	ssyncset.done $0x0  }
0x63: {  	s10 =	simm.s32 $0x100;
	[sflag:s0] =	ssyncadd.s32 $0xFFFFC180  }
0x64: {  	[tilespmem:s25], [sflag:$0x1] =	stream.indirect.gather [hbm4b:s1+s29], $0x80, s10, s29, $0xb8;
	[tilespmem:$0x1E080] =	vst v63  }
0x65: {  	s12 =	simm.s32 $0x1480  }
0x66: {  	[spmem:s2] =	stream.indirect.scatter.add.f32 [tilespmem:s31], [sflag:$0x3], $0x80, s12, s29, $0xb8;
	[tilespmem:$0x1E080] =	vst v63  }
0x67: {  	_ =	swait.ge [sflag:s26], $0x3E80  }
0x68: {  	s9 =	simm.s32 $0x400;
	[sflag:s26] =	ssyncset.done $0x0  }
.LBB2_2:
0x69: {  	p1 =	sne.s32 s9, $0x4800  }
0x6a: {  	[sflag:s26] =	ssyncadd.s32 $0xFFFFC180;
	s10 =	smov.u32 s9;
	s9 =	sadd.s32 $0x400, s9  }
0x6b: {  	_ = 	snop  }
0x6c: {  	_ =	swait.ge [sflag:s30], $0x3E80  }
0x6d: {  	s10 =	sshra.s32 s10, $0x2;
	[sflag:s30] =	ssyncset.done $0x0  }
0x6e: {  	s12 =	sadd.s32 $0x80, s10;
	[sflag:s30] =	ssyncadd.s32 $0xFFFFC180  }
0x6f: {  	[tilespmem:s31], [sflag:$0x2] =	stream.indirect.gather [hbm4b:s1+s29], $0x80, s12, s29, $0xb8;
	[tilespmem:$0x1E080] =	vst v63  }
0x70: {  	s12 =	sadd.s32 $0x1400, s10  }
0x71: {  	[spmem:s2] =	stream.indirect.scatter.add.f32 [tilespmem:s25], [sflag:$0x3], $0x80, s12, s29, $0xb8;
	[tilespmem:$0x1E080] =	vst v63  }
0x72: {  	_ =	swait.ge [sflag:s26], $0x3E80  }
0x73: {  	[sflag:s26] =	ssyncset.done $0x0  }
0x74: {  	[sflag:s26] =	ssyncadd.s32 $0xFFFFC180  }
0x75: {  	_ =	swait.ge [sflag:s0], $0x3E80  }
0x76: {  	[sflag:s0] =	ssyncset.done $0x0  }
0x77: {  	s12 =	sadd.s32 $0x100, s10;
	[sflag:s0] =	ssyncadd.s32 $0xFFFFC180  }
0x78: {  	[tilespmem:s25], [sflag:$0x1] =	stream.indirect.gather [hbm4b:s1+s29], $0x80, s12, s29, $0xb8;
	[tilespmem:$0x1E080] =	vst v63  }
.Ltmp0:
0x79: {  	_ = 	snop;
	(pc) =	sbr.rel @p1 .LBB2_2-.Ltmp0, $4  }
0x7a: {  	s10 =	sadd.s32 $0x1480, s10  }
0x7b: {  	[spmem:s2] =	stream.indirect.scatter.add.f32 [tilespmem:s31], [sflag:$0x3], $0x80, s10, s29, $0xb8;
	[tilespmem:$0x1E080] =	vst v63  }
0x7c: {  	_ =	swait.ge [sflag:s26], $0x3E80  }
0x7d: {  	[sflag:s26] =	ssyncset.done $0x0  }
0x7e: {  	[sflag:s26] =	ssyncadd.s32 $0xFFFFC180  }
0x7f: {  	_ =	swait.ge [sflag:s30], $0x3E80  }
0x80: {  	[sflag:s30] =	ssyncset.done $0x0  }
0x81: {  	[sflag:s30] =	ssyncadd.s32 $0xFFFFC180  }
0x82: {  	[tilespmem:s31], [sflag:$0x2] =	stream.indirect.gather [hbm4b:s1+s29], $0x80, s4, s29, $0xb8;
	[tilespmem:$0x1E080] =	vst v63  }
0x83: {  	_ = 	snop  }
0x84: {  	[spmem:s2] =	stream.indirect.scatter.add.f32 [tilespmem:s25], [sflag:$0x3], $0x80, s5, s29, $0xb8;
	[tilespmem:$0x1E080] =	vst v63  }
0x85: {  	_ =	swait.ge [sflag:s26], $0x3E80  }
0x86: {  	[sflag:s26] =	ssyncset.done $0x0  }
0x87: {  	[sflag:s26] =	ssyncadd.s32 $0xFFFFC180  }
0x88: {  	_ =	swait.ge [sflag:s0], $0x3E80  }
0x89: {  	[sflag:s0] =	ssyncset.done $0x0  }
0x8a: {  	[sflag:s0] =	ssyncadd.s32 $0xFFFFC180  }
0x8b: {  	[spmem:s2] =	stream.indirect.scatter.add.f32 [tilespmem:s31], [sflag:$0x3], $0x80, s7, s29, $0xb8;
	[tilespmem:$0x1E080] =	vst v63  }
0x8c: {  	_ =	swait.ge [sflag:s26], $0x3E80  }
0x8d: {  	[sflag:s26] =	ssyncset.done $0x0  }
0x8e: {  	s9 =	simm.s32 $0x0;
	[sflag:s26] =	ssyncadd.s32 $0xFFFFC180  }
0x8f: {  	[tilespmem:s9], [sflag:$0x3] =	stream.linear.gather [hbm4b:s19+s9], $0x1400, $0x38;
	[tilespmem:$0x1E080] =	vst v63  }
0x90: {  	_ =	swait.ge [sflag:s26], $0x1400  }
0x91: {  	[sflag:s26] =	ssyncset.done $0x0  }
0x92: {  	[sflag:s26] =	ssyncadd.s32 $0xFFFFEC00  }
0x93: {  	[tilespmem:s28], [sflag:$0x3] =	stream.linear.gather [hbm4b:s20+s9], $0x1400, $0x38;
	[tilespmem:$0x1E080] =	vst v63  }
0x94: {  	_ =	swait.ge [sflag:s26], $0x1400  }
0x95: {  	[sflag:s26] =	ssyncset.done $0x0  }
0x96: {  	[sflag:s26] =	ssyncadd.s32 $0xFFFFEC00  }
0x97: {  	[tilespmem:s25], [sflag:$0x1] =	stream.indirect.gather [hbm4b:s1+s29], $0x80, s9, s29, $0xb8;
	[tilespmem:$0x1E080] =	vst v63  }
0x98: {  	_ =	swait.ge [sflag:s30], $0x3E80  }
0x99: {  	[sflag:s30] =	ssyncset.done $0x0  }
0x9a: {  	s10 =	simm.s32 $0x80;
	[sflag:s30] =	ssyncadd.s32 $0xFFFFC180  }
0x9b: {  	[tilespmem:s31], [sflag:$0x2] =	stream.indirect.gather [hbm4b:s1+s29], $0x80, s10, s29, $0xb8;
	[tilespmem:$0x1E080] =	vst v63  }
0x9c: {  	s12 =	simm.s32 $0x1400  }
0x9d: {  	[spmem:s2] =	stream.indirect.scatter.add.f32 [tilespmem:s25], [sflag:$0x3], $0x80, s12, s29, $0xb8;
	[tilespmem:$0x1E080] =	vst v63  }
0x9e: {  	_ =	swait.ge [sflag:s26], $0x3E80  }
0x9f: {  	[sflag:s26] =	ssyncset.done $0x0  }
0xa0: {  	[sflag:s26] =	ssyncadd.s32 $0xFFFFC180  }
0xa1: {  	_ =	swait.ge [sflag:s0], $0x3E80  }
0xa2: {  	[sflag:s0] =	ssyncset.done $0x0  }
0xa3: {  	s10 =	simm.s32 $0x100;
	[sflag:s0] =	ssyncadd.s32 $0xFFFFC180  }
0xa4: {  	[tilespmem:s25], [sflag:$0x1] =	stream.indirect.gather [hbm4b:s1+s29], $0x80, s10, s29, $0xb8;
	[tilespmem:$0x1E080] =	vst v63  }
0xa5: {  	s12 =	simm.s32 $0x1480  }
0xa6: {  	[spmem:s2] =	stream.indirect.scatter.add.f32 [tilespmem:s31], [sflag:$0x3], $0x80, s12, s29, $0xb8;
	[tilespmem:$0x1E080] =	vst v63  }
0xa7: {  	_ =	swait.ge [sflag:s26], $0x3E80  }
0xa8: {  	s9 =	simm.s32 $0x400;
	[sflag:s26] =	ssyncset.done $0x0  }
.LBB2_4:
0xa9: {  	p1 =	sne.s32 s9, $0x4800  }
0xaa: {  	[sflag:s26] =	ssyncadd.s32 $0xFFFFC180;
	s10 =	smov.u32 s9;
	s9 =	sadd.s32 $0x400, s9  }
0xab: {  	_ = 	snop  }
0xac: {  	_ =	swait.ge [sflag:s30], $0x3E80  }
0xad: {  	s10 =	sshra.s32 s10, $0x2;
	[sflag:s30] =	ssyncset.done $0x0  }
0xae: {  	s12 =	sadd.s32 $0x80, s10;
	[sflag:s30] =	ssyncadd.s32 $0xFFFFC180  }
0xaf: {  	[tilespmem:s31], [sflag:$0x2] =	stream.indirect.gather [hbm4b:s1+s29], $0x80, s12, s29, $0xb8;
	[tilespmem:$0x1E080] =	vst v63  }
0xb0: {  	s12 =	sadd.s32 $0x1400, s10  }
0xb1: {  	[spmem:s2] =	stream.indirect.scatter.add.f32 [tilespmem:s25], [sflag:$0x3], $0x80, s12, s29, $0xb8;
	[tilespmem:$0x1E080] =	vst v63  }
0xb2: {  	_ =	swait.ge [sflag:s26], $0x3E80  }
0xb3: {  	[sflag:s26] =	ssyncset.done $0x0  }
0xb4: {  	[sflag:s26] =	ssyncadd.s32 $0xFFFFC180  }
0xb5: {  	_ =	swait.ge [sflag:s0], $0x3E80  }
0xb6: {  	[sflag:s0] =	ssyncset.done $0x0  }
0xb7: {  	s12 =	sadd.s32 $0x100, s10;
	[sflag:s0] =	ssyncadd.s32 $0xFFFFC180  }
0xb8: {  	[tilespmem:s25], [sflag:$0x1] =	stream.indirect.gather [hbm4b:s1+s29], $0x80, s12, s29, $0xb8;
	[tilespmem:$0x1E080] =	vst v63  }
.Ltmp1:
0xb9: {  	_ = 	snop;
	(pc) =	sbr.rel @p1 .LBB2_4-.Ltmp1, $4  }
0xba: {  	s10 =	sadd.s32 $0x1480, s10  }
0xbb: {  	[spmem:s2] =	stream.indirect.scatter.add.f32 [tilespmem:s31], [sflag:$0x3], $0x80, s10, s29, $0xb8;
	[tilespmem:$0x1E080] =	vst v63  }
0xbc: {  	_ =	swait.ge [sflag:s26], $0x3E80  }
0xbd: {  	[sflag:s26] =	ssyncset.done $0x0  }
0xbe: {  	[sflag:s26] =	ssyncadd.s32 $0xFFFFC180  }
0xbf: {  	_ =	swait.ge [sflag:s30], $0x3E80  }
0xc0: {  	[sflag:s30] =	ssyncset.done $0x0  }
0xc1: {  	[sflag:s30] =	ssyncadd.s32 $0xFFFFC180  }
0xc2: {  	[tilespmem:s31], [sflag:$0x2] =	stream.indirect.gather [hbm4b:s1+s29], $0x80, s4, s29, $0xb8;
	[tilespmem:$0x1E080] =	vst v63  }
0xc3: {  	_ = 	snop  }
0xc4: {  	[spmem:s2] =	stream.indirect.scatter.add.f32 [tilespmem:s25], [sflag:$0x3], $0x80, s5, s29, $0xb8;
	[tilespmem:$0x1E080] =	vst v63  }
0xc5: {  	_ =	swait.ge [sflag:s26], $0x3E80  }
0xc6: {  	[sflag:s26] =	ssyncset.done $0x0  }
0xc7: {  	[sflag:s26] =	ssyncadd.s32 $0xFFFFC180  }
0xc8: {  	_ =	swait.ge [sflag:s0], $0x3E80  }
0xc9: {  	[sflag:s0] =	ssyncset.done $0x0  }
0xca: {  	[sflag:s0] =	ssyncadd.s32 $0xFFFFC180  }
0xcb: {  	[spmem:s2] =	stream.indirect.scatter.add.f32 [tilespmem:s31], [sflag:$0x3], $0x80, s7, s29, $0xb8;
	[tilespmem:$0x1E080] =	vst v63  }
0xcc: {  	_ =	swait.ge [sflag:s26], $0x3E80  }
0xcd: {  	[sflag:s26] =	ssyncset.done $0x0  }
0xce: {  	[sflag:s26] =	ssyncadd.s32 $0xFFFFC180  }
0xcf: {  	s9 =	sshrl.u32 @p0 s11, $0x3;
	s10 =	simm.s32 @p0 $0x1FC3;
	[bflag:$0x0] =	sbarrier.arrive $0xFFFF  }
0xd0: {  	[hbm:s23], [sflag:s10] =	dma.local @p0 [spmem:s9], $0x2800  }
0xd1: {  	s9 =	simm.s32 @p0 $0x3  }
0xd2: {  	s8 =	sadd.s32 $0x1, s8;
	s10 =	stileid.u32;
	_ =	swait.ge @p0 [sflag:s9], $0x2800  }
0xd3: {  	p1 =	sne.s32 s8, s24;
	s10 =	sshll.u32 @!p0 s10, $0x6;
	[sflag:s9] =	ssyncset.done @p0 $0x0  }
0xd4: {  	[sflag:s9] =	ssyncadd.s32 @p0 $0xFFFFD800;
	s9 =	sor.u32 @!p0 $0x1C03, s10;
	s10 =	sshrl.u32 @!p0 s6, $0x3  }
0xd5: {  	[hbm:s22], [sflag:s9] =	dma.local @!p0 [spmem:s10], $0x2700  }
.Ltmp2:
0xd6: {  	_ = 	snop;
	(pc) =	sbr.rel @p1 .LBB2_1-.Ltmp2, $4  }
0xd7: {  	s9 =	simm.s32 @!p0 $0x3  }
0xd8: {  	_ =	swait.ge @!p0 [sflag:s9], $0x2700  }
0xd9: {  	[sflag:s9] =	ssyncset.done @!p0 $0x0  }
0xda: {  	[sflag:s9] =	ssyncadd.s32 @!p0 $0xFFFFD900  }
0xdb: {  	_ =	sfence.sel $0x180000  }
0xdc: {  	[bflag:$0x0] =	sbarrier.arrive $0xFFFF  }
0xdd: {  	_ =	strace $0x9000004A  }
0xde: {  	s0 =	stileid.u32;
	[bflag:$0x2] =	sbarrier.arrive $0xFFFF  }
0xdf: {  	p0 =	sne.s32 s0, $0x0;
	s0 =	rddreg [dreg:$0x3]  }
0xe0: {  	s0 =	sadd.s32 @!p0 $0x100000, s0  }
0xe1: {  	[sflag:s0] =	ssyncadd.tile.s32 @!p0 $0x1;
	_ =	shalt  }
.Lfunc_end2:
_tile_overlayer_lowered:
.L_overlay_start_2:
0xe2: {  	(tag) =	ssettag $0x2  }
0xe3: {  	s0 =	rddreg [dreg:$0x0];
	s2 =	stileid.u32  }
0xe4: {  	s1 =	rddreg [dreg:$0x1];
	p0 =	sne.s32 s2, $0x0  }
0xe5: {  	s3 =	rddreg [dreg:$0x2];
	[bflag:$0x3] =	sbarrier.arrive $0xFFFF;
	s2 =	simm.s32 @!p0 $0x1C03  }
0xe6: {  	[timem:s3], [sflag:s2] =	dma.local @!p0 [hbm:s0], s1  }
0xe7: {  	s0 =	simm.s32 @!p0 $0x3  }
0xe8: {  	_ =	swait.ge @!p0 [sflag:s0], s1  }
0xe9: {  	s1 =	ssub.s32 @!p0 $0x0, s1;
	[sflag:s0] =	ssyncset.done @!p0 $0x0  }
0xea: {  	[sflag:s0] =	ssyncadd.s32 @!p0 s1  }
0xeb: {  	[bflag:$0x3] =	sbarrier.arrive $0xFFFF  }
0xec: {  	_ =	shalt  }

// kernel: kernel.14.cloned.1.call-start
scs
__scs_entry_jumppad:
0x0: {  	(pc) =	sbr.rel $0x88, $3  }
0x1: {  	(tag) =	ssettag $0x0;
	lr =	simm.s32 $0x1  }
0x2: {  	[smem:$0x3F9B] =	sst lr;
	_ =	strace $0xD0000000  }
0x3: {  	_ = 	snop  }
0x4: {  	_ = 	snop  }
0x5: {  	_ = 	snop  }
0x6: {  	_ = 	snop  }
0x7: {  	_ = 	snop  }
__scs_overlays_trampoline_lowered:
0x8: {  	[smem:$0x3FAA] =	sst s0  }
0x9: {  	[smem:$0x3FAB] =	sst s1  }
0xa: {  	[smem:$0x3FAC] =	sst s2  }
0xb: {  	[smem:$0x3FAD] =	sst s3  }
0xc: {  	[smem:$0x3FAE] =	sst s4  }
0xd: {  	[smem:$0x3FAF] =	sst s5  }
0xe: {  	[smem:$0x3FB0] =	sst s6  }
0xf: {  	[smem:$0x3FB1] =	sst s7  }
0x10: {  	[smem:$0x3FB2] =	sst s8  }
0x11: {  	[smem:$0x3FB3] =	sst s9;
	s0 =	simm.s32 @!p0 $0x0  }
0x12: {  	s1 =	sld [smem:$0x3F99];
	s0 =	simm.s32 @p0 $0x1  }
0x13: {  	[smem:$0x3FB4] =	sst s0;
	s0 =	simm.s32 @!p1 $0x0  }
0x14: {  	s2 =	sld [smem:$0x3F98];
	s0 =	simm.s32 @p1 $0x1  }
0x15: {  	[smem:$0x3FB5] =	sst s0;
	s0 =	simm.s32 @!p2 $0x0  }
0x16: {  	s3 =	sld [smem:$0x3FDB];
	s0 =	simm.s32 @p2 $0x1  }
0x17: {  	s4 =	simm.s32 $0x1BF5;
	[smem:$0x3FB7] =	sst s0  }
0x18: {  	s0 =	sld [smem:$0x3F9A];
	_ =	swait.ge [sflag:s4], $0x0  }
0x19: {  	s7 =	sld [smem:$0x3F9B]  }
0x1a: {  	s8 =	sadd.s32 $0xFFFFE003, lr  }
0x1b: {  	s9 =	sadd.s32 $0xFFFFFEF7, lr;
	s5 =	simm.s32 $0xFFFFFFFF;
	p2 =	slt.u32 s8, $0xFFFFF086  }
0x1c: {  	p1 =	slt.u32 s9, $0xF7A;
	s5 =	simm.s32 @!p2 $0x0  }
0x1d: {  	s5 =	simm.s32 @p1 $0x1;
	p0 =	seq.s32 s7, s2  }
0x1e: {  	s7 =	smul.u32 @!p0 $0xF7A, s2;
	p2 =	seq.s32 @!p0 s5, $0x0  }
0x1f: {  	s9 =	smul.u32 $0xF7A, s1;
	s8 =	simm.s32 @!p0 $0x1BF5;
	p2 =	por !p2, p0  }
0x20: {  	[sflag:s8] =	ssyncset.s32 @!p0 $0xFFFFF086;
	s6 =	sadd.s32 @!p0 s3, s7;
	s7 =	simm.s32 @!p0 $0x108  }
0x21: {  	s3 =	sadd.s32 s3, s9;
	s6 =	sadd.s32 @!p0 $0x88, s6;
	s7 =	simm.s32 @p2 $0x1082  }
0x22: {  	[simem:s7], [sflag:s8] =	dma.local @!p0 [hbm:s6], $0xF7A  }
0x23: {  	s9 =	sor.u32 $0xD0000000, s2;
	s6 =	simm.s32 $0x108;
	_ =	swait.ge @!p0 [sflag:s8], $0x0  }
0x24: {  	s3 =	sadd.s32 $0x88, s3;
	s6 =	simm.s32 @!p1 $0x1082;
	[sflag:s4] =	ssyncset.s32 $0xFFFFF086  }
0x25: {  	[simem:s6], [sflag:s4] =	dma.local [hbm:s3], $0xF7A  }
0x26: {  	[smem:$0x3F9B] =	sst s1;
	(tag) =	ssettag s2;
	_ =	strace s9  }
0x27: {  	s1 =	sld [smem:$0x3FAB]  }
0x28: {  	s2 =	sld [smem:$0x3FAC]  }
0x29: {  	s4 =	sld [smem:$0x3FAE]  }
0x2a: {  	p0 =	seq.s32 s5, $0x0;
	s5 =	sld [smem:$0x3FAF]  }
0x2b: {  	s6 =	sld [smem:$0x3FB0]  }
0x2c: {  	s7 =	sld [smem:$0x3FB1]  }
0x2d: {  	s3 =	simm.s32 $0x108;
	s8 =	sld [smem:$0x3FB2]  }
0x2e: {  	s3 =	simm.s32 @!p0 $0x1082;
	s9 =	sld [smem:$0x3FB3]  }
0x2f: {  	lr =	sadd.s32 s0, s3;
	s0 =	sld [smem:$0x3FAA]  }
0x30: {  	s3 =	sld [smem:$0x3FAD]  }
0x31: {  	[smem:$0x3FB6] =	sst s10  }
0x32: {  	s10 =	sld [smem:$0x3FB4];
	_ =	sdelay $0x3  }
0x33: {  	p0 =	seq.s32 s10, $0x1;
	s10 =	sld [smem:$0x3FB6];
	_ =	sdelay $0x3  }
0x34: {  	[smem:$0x3FB6] =	sst s10  }
0x35: {  	s10 =	sld [smem:$0x3FB5];
	_ =	sdelay $0x3  }
0x36: {  	p1 =	seq.s32 s10, $0x1;
	s10 =	sld [smem:$0x3FB6];
	_ =	sdelay $0x3  }
0x37: {  	[smem:$0x3FB6] =	sst s10  }
0x38: {  	s10 =	sld [smem:$0x3FB7]  }
0x39: {  	_ = 	snop;
	(pc) =	sbr.ind lr, $3  }
0x3a: {  	_ = 	snop  }
0x3b: {  	_ = 	snop  }
0x3c: {  	p2 =	seq.s32 s10, $0x1;
	s10 =	sld [smem:$0x3FB6]  }
0x3d: {  	_ =	shalt  }
0x3e: {  	_ =	shalt  }
0x3f: {  	_ =	shalt  }
0x40: {  	_ =	shalt  }
0x41: {  	_ =	shalt  }
0x42: {  	_ =	shalt  }
0x43: {  	_ =	shalt  }
0x44: {  	_ =	shalt  }
0x45: {  	_ =	shalt  }
0x46: {  	_ =	shalt  }
0x47: {  	_ =	shalt  }
0x48: {  	_ =	shalt  }
0x49: {  	_ =	shalt  }
0x4a: {  	_ =	shalt  }
0x4b: {  	_ =	shalt  }
0x4c: {  	_ =	shalt  }
0x4d: {  	_ =	shalt  }
0x4e: {  	_ =	shalt  }
0x4f: {  	_ =	shalt  }
0x50: {  	_ =	shalt  }
0x51: {  	_ =	shalt  }
0x52: {  	_ =	shalt  }
0x53: {  	_ =	shalt  }
0x54: {  	_ =	shalt  }
0x55: {  	_ =	shalt  }
0x56: {  	_ =	shalt  }
0x57: {  	_ =	shalt  }
0x58: {  	_ =	shalt  }
0x59: {  	_ =	shalt  }
0x5a: {  	_ =	shalt  }
0x5b: {  	_ =	shalt  }
0x5c: {  	_ =	shalt  }
0x5d: {  	_ =	shalt  }
0x5e: {  	_ =	shalt  }
0x5f: {  	_ =	shalt  }
0x60: {  	_ =	shalt  }
0x61: {  	_ =	shalt  }
0x62: {  	_ =	shalt  }
0x63: {  	_ =	shalt  }
0x64: {  	_ =	shalt  }
0x65: {  	_ =	shalt  }
0x66: {  	_ =	shalt  }
0x67: {  	_ =	shalt  }
0x68: {  	_ =	shalt  }
0x69: {  	_ =	shalt  }
0x6a: {  	_ =	shalt  }
0x6b: {  	_ =	shalt  }
0x6c: {  	_ =	shalt  }
0x6d: {  	_ =	shalt  }
0x6e: {  	_ =	shalt  }
0x6f: {  	_ =	shalt  }
0x70: {  	_ =	shalt  }
0x71: {  	_ =	shalt  }
0x72: {  	_ =	shalt  }
0x73: {  	_ =	shalt  }
0x74: {  	_ =	shalt  }
0x75: {  	_ =	shalt  }
0x76: {  	_ =	shalt  }
0x77: {  	_ =	shalt  }
0x78: {  	_ =	shalt  }
0x79: {  	_ =	shalt  }
0x7a: {  	_ =	shalt  }
0x7b: {  	_ =	shalt  }
0x7c: {  	_ =	shalt  }
0x7d: {  	_ =	shalt  }
0x7e: {  	_ =	shalt  }
0x7f: {  	_ =	shalt  }
0x80: {  	_ =	shalt  }
0x81: {  	_ =	shalt  }
0x82: {  	_ =	shalt  }
0x83: {  	_ =	shalt  }
0x84: {  	_ =	shalt  }
0x85: {  	_ =	shalt  }
0x86: {  	_ =	shalt  }
0x87: {  	_ =	shalt  }
.Lfunc_end0:
.L_simem_size_0:
called_computation.2_lowered:
.L_overlay_start_0:
0x88: {  	s2 =	sld [smem:$0x3FD9]  }
0x89: {  	s3 =	sld [smem:$0x3FFE];
	_ =	sdelay $0x1  }
0x8a: {  	s1 =	srdreg.scid  }
0x8b: {  	s0 =	sand.u32 $0x1, s1  }
0x8c: {  	s17 =	sshll.u32 s0, $0xA;
	s2 =	sadd.s32 s3, s2  }
0x8d: {  	s2 =	sadd.s32 s2, s17  }
0x8e: {  	[smem:$0x3FC2] =	sst s2  }
0x8f: {  	_ = 	snop  }
0x90: {  	s2 =	sld [smem:$0x3FD0];
	(tm) =	ssettm $0x1  }
0x91: {  	s18 =	sld [smem:$0x3FFB];
	_ =	sdelay $0x3  }
0x92: {  	_ =	strace s18  }
0x93: {  	s3 =	sld [smem:$0x3FFC];
	_ =	sdelay $0x3  }
0x94: {  	_ =	strace s3  }
0x95: {  	s3 =	sld [smem:$0x3FFD];
	_ =	sdelay $0x3  }
0x96: {  	_ =	strace s3  }
0x97: {  	_ =	strace $0x8FFFFFFF  }
0x98: {  	s19 =	sld [smem:$0x3FDB];
	_ =	sdelay $0x1  }
0x99: {  	s4 =	simm.s32 $_scs_section_size  }
0x9a: {  	s5 =	simm.s32 $_size__tile_overlayer_lowered;
	s6 =	simm.s32 $_tile_overlayer_lowered  }
0x9b: {  	s22 =	simm.s32 $0x1BFF;
	s21 =	sshll.u32 s6, $0x1;
	s3 =	sadd.s32 s4, s19  }
0x9c: {  	s7 =	simm.s32 $0x0;
	s20 =	sshll.u32 s5, $0x1;
	s5 =	sadd.s32 s21, s3  }
0x9d: {  	[timem:s7], [sflag:s22] =	dma.local [hbm:s5], s20  }
0x9e: {  	_ =	swait.ge [sflag:s22], s20  }
0x9f: {  	s4 =	ssub.s32 $0x0, s20;
	[sflag:s22] =	ssyncset.done $0x0  }
0xa0: {  	[sflag:s22] =	ssyncadd.s32 s4;
	_ =	sdelay $0x1  }
0xa1: {  	s23 =	simm.s32 $0x1B8B  }
0xa2: {  	_ =	swait.ge [sflag:s23], $0x1  }
0xa3: {  	[sflag:s23] =	ssyncset.done $0x0  }
0xa4: {  	s25 =	simm.s32 $0x1B8E;
	s24 =	sld [smem:$0x3FFE];
	[sflag:s23] =	ssyncadd.s32 $0xFFFFFFFF  }
0xa5: {  	s26 =	simm.s32 $execute0_lowered;
	[smem:$0x3FD2] =	sst s25  }
0xa6: {  	s5 =	sshll.u32 s26, $0x1;
	_ =	strace $0x8000004C;
	[dreg:$0x1] =	wrdreg $0xFFFFFFFF  }
0xa7: {  	s28 =	simm.s32 $_size_execute0_lowered;
	s3 =	sadd.s32 s3, s5;
	[dreg:$0x0] =	wrdreg $0x0  }
0xa8: {  	s5 =	sshll.u32 s28, $0x1;
	[dreg:$0x2] =	wrdreg s3  }
0xa9: {  	[dreg:$0x3] =	wrdreg s5  }
0xaa: {  	[dreg:$0x4] =	wrdreg $0xC0  }
0xab: {  	_ =	task [dreg:s7], $0x5FFFF  }
0xac: {  	[dreg:$0x1] =	wrdreg $0xFFFFFFFF  }
0xad: {  	[dreg:$0x0] =	wrdreg $0x60  }
0xae: {  	[dreg:$0x2] =	wrdreg s2  }
0xaf: {  	[dreg:$0x3] =	wrdreg s24  }
0xb0: {  	[dreg:$0x4] =	wrdreg $0xA8000  }
0xb1: {  	[dreg:$0x5] =	wrdreg $0x9  }
0xb2: {  	_ =	task.clear_ibuf [dreg:s7], $0x6FFFF;
	_ =	strace $0x9000004C  }
0xb3: {  	s29 =	simm.s32 $0x9;
	_ =	strace $0x8000004E  }
0xb4: {  	_ =	swait.ge [sflag:s29], $0x1  }
0xb5: {  	[sflag:s29] =	ssyncadd.s32 $0xFFFFFFFF  }
0xb6: {  	_ =	strace $0x9000004E  }
0xb7: {  	_ =	sfence  }
0xb8: {  	s30 =	sld [smem:$0x0];
	_ =	sdelay $0x2  }
0xb9: {  	s31 =	sshll.u32 s1, $0xD;
	s1 =	sshrl.u32 s1, $0x2  }
0xba: {  	s3 =	sand.u32 $0x4000, s31;
	s1 =	sadd.s32 s1, s30  }
0xbb: {  	s0 =	sor.u32 s3, s0;
	s1 =	sshll.u32 s1, $0x11  }
0xbc: {  	s0 =	sor.u32 s1, s0  }
0xbd: {  	s0 =	sadd.s32 $0x8F2B, s0  }
0xbe: {  	[sflag:s0] =	ssyncadd.remote.s32 $0x1  }
0xbf: {  	_ =	sfence.sel $0xFFFF  }
0xc0: {  	[dreg:$0x0] =	wrdreg $0xFFFFFFFF;
	(pc) =	sbr.abs _section_cstart, $3  }
0xc1: {  	[dreg:$0x1] =	wrdreg $0xFFFFFFFF  }
0xc2: {  	_ =	task.clear_ibuf [dreg:s7], $0x2FFFF;
	_ =	strace $0x9FFFFFFF  }
0xc3: {  	(tm) =	ssettm $0x7FFFFFFF  }
tec
execute0_lowered:
.L_overlay_start_1:
0x0: {  	(tag) =	ssettag $0x1  }
0x1: {  	s1 =	rddreg [dreg:$0x0]  }
0x2: {  	s0 =	rddreg [dreg:$0x1]  }
0x3: {  	s2 =	rddreg [dreg:$0x2]  }
0x4: {  	s3 =	simm.s32 $0x0;
	s5 =	srdreg.scid;
	s12 =	stileid.u32  }
0x5: {  	s28 =	simm.s32 $0x1400;
	s29 =	simm.s32 $0x7D;
	s30 =	simm.s32 $0x1  }
0x6: {  	s31 =	simm.s32 $0x6800;
	[smem:$0x7FF] =	sst s3;
	s4 =	sadd.s32 $0xBE00, s0  }
0x7: {  	s7 =	sadd.s32 $0x1E00, s0;
	s6 =	smul.u32 $0x4E000, s12;
	s8 =	sadd.s32 $0x15E00, s0  }
0x8: {  	s5 =	sand.u32 $0x1, s5;
	s11 =	sadd.s32 $0x124800, s2;
	s13 =	sadd.s32 $0x128400, s2  }
0x9: {  	s0 =	sadd.s32 $0x16600, s0;
	s14 =	sadd.s32 $0x12C000, s2;
	s15 =	sadd.s32 $0x12FC00, s2  }
0xa: {  	s16 =	sadd.s32 $0x133800, s2;
	_ =	strace $0x8000004D;
	s6 =	sshrl.u32 s6, $0x2  }
0xb: {  	[dreg:$0x4] =	wrdreg s8;
	s19 =	ssub.s32 $0x2, s5;
	s6 =	sadd.s32 s6, s2  }
0xc: {  	s10 =	sshll.u32 s5, $0x4;
	s9 =	sshrl.u32 s19, $0x1;
	s21 =	sadd.s32 $0x3C00, s6  }
0xd: {  	s20 =	sor.u32 s12, s10;
	s22 =	sadd.s32 $0x7800, s6;
	[dreg:$0x5] =	wrdreg s21  }
0xe: {  	s8 =	ssub.s32 s19, s9;
	s23 =	sadd.s32 $0xB400, s6;
	[dreg:$0x6] =	wrdreg s22  }
0xf: {  	s9 =	smul.u32 $0x2800, s20;
	s24 =	sadd.s32 $0xF000, s6;
	[dreg:$0x7] =	wrdreg s23  }
0x10: {  	p0 =	seq.s32 s12, $0xF;
	s25 =	sadd.s32 $0x12C00, s6;
	[dreg:$0x8] =	wrdreg s24  }
0x11: {  	s5 =	smul.u32 $0x138800, s5;
	[dreg:$0x9] =	wrdreg s25;
	s9 =	sshrl.u32 s9, $0x3  }
0x12: {  	s21 =	smul.u32 $0x13800, s12;
	s24 =	smax.u32 s8, $0x1;
	s25 =	simm.s32 $0x2800  }
0x13: {  	s8 =	simm.s32 $0x0;
	s20 =	sadd.s32 $0x280, s9;
	s17 =	sadd.s32 s4, s9  }
0x14: {  	s18 =	sadd.s32 s7, s9;
	s19 =	sadd.s32 s4, s20;
	s20 =	sadd.s32 s7, s20  }
0x15: {  	s26 =	sadd.s32 s21, s5;
	s5 =	sshrl.u32 s5, $0x3;
	s21 =	sadd.s32 $0x137400, s2  }
0x16: {  	s7 =	simm.s32 $0x2780;
	s4 =	sshrl.u32 s26, $0x3;
	s5 =	sadd.s32 s0, s5  }
0x17: {  	s26 =	simm.s32 $0x3;
	s22 =	sadd.s32 s0, s4;
	s23 =	sadd.s32 $0x24900, s5  }
0x18: {  	s0 =	simm.s32 $0x2;
	s4 =	simm.s32 $0x1380;
	s5 =	simm.s32 $0x2700  }
.LBB2_1:
0x19: {  	s9 =	rddreg [dreg:$0x4]  }
0x1a: {  	[tilespmem:s25], [sflag:$0x3] =	stream.linear.gather [hbm4b:s9+s3], $0x3E80, $0x38;
	[tilespmem:$0x1E080] =	vst v63  }
0x1b: {  	_ =	swait.ge [sflag:s26], $0x3E80  }
0x1c: {  	[sflag:s26] =	ssyncset.done $0x0  }
0x1d: {  	s10 =	simm.s32 @p0 $0x3;
	s9 =	simm.s32 @p0 $0x2800;
	[sflag:s26] =	ssyncadd.s32 $0xFFFFC180  }
0x1e: {  	[spmem:s11] =	stream.linear.scatter @p0 [tilespmem:s9], [sflag:$0x3], $0x3C00, $0x38;
	[tilespmem:$0x1E080] =	vst v63  }
0x1f: {  	_ =	swait.ge @p0 [sflag:s10], $0x3C00  }
0x20: {  	[sflag:s10] =	ssyncset.done @p0 $0x0  }
0x21: {  	[sflag:s10] =	ssyncadd.s32 @p0 $0xFFFFC400  }
0x22: {  	[spmem:s13] =	stream.linear.scatter @p0 [tilespmem:s9], [sflag:$0x3], $0x3C00, $0x38;
	[tilespmem:$0x1E080] =	vst v63  }
0x23: {  	_ =	swait.ge @p0 [sflag:s10], $0x3C00  }
0x24: {  	[sflag:s10] =	ssyncset.done @p0 $0x0  }
0x25: {  	[sflag:s10] =	ssyncadd.s32 @p0 $0xFFFFC400  }
0x26: {  	[spmem:s14] =	stream.linear.scatter @p0 [tilespmem:s9], [sflag:$0x3], $0x3C00, $0x38;
	[tilespmem:$0x1E080] =	vst v63  }
0x27: {  	_ =	swait.ge @p0 [sflag:s10], $0x3C00  }
0x28: {  	[sflag:s10] =	ssyncset.done @p0 $0x0  }
0x29: {  	[sflag:s10] =	ssyncadd.s32 @p0 $0xFFFFC400  }
0x2a: {  	[spmem:s15] =	stream.linear.scatter @p0 [tilespmem:s9], [sflag:$0x3], $0x3C00, $0x38;
	[tilespmem:$0x1E080] =	vst v63  }
0x2b: {  	_ =	swait.ge @p0 [sflag:s10], $0x3C00  }
0x2c: {  	[sflag:s10] =	ssyncset.done @p0 $0x0  }
0x2d: {  	[sflag:s10] =	ssyncadd.s32 @p0 $0xFFFFC400  }
0x2e: {  	[spmem:s16] =	stream.linear.scatter @p0 [tilespmem:s9], [sflag:$0x3], $0x3C00, $0x38;
	[tilespmem:$0x1E080] =	vst v63  }
0x2f: {  	_ =	swait.ge @p0 [sflag:s10], $0x3C00  }
0x30: {  	[sflag:s10] =	ssyncset.done @p0 $0x0  }
0x31: {  	[sflag:s10] =	ssyncadd.s32 @p0 $0xFFFFC400  }
0x32: {  	[spmem:s21] =	stream.linear.scatter @p0 [tilespmem:s9], [sflag:$0x3], $0x1400, $0x38;
	[tilespmem:$0x1E080] =	vst v63  }
0x33: {  	_ =	swait.ge @p0 [sflag:s10], $0x1400  }
0x34: {  	[sflag:s10] =	ssyncset.done @p0 $0x0  }
0x35: {  	s9 =	simm.s32 @!p0 $0x2800;
	[sflag:s10] =	ssyncadd.s32 @p0 $0xFFFFEC00;
	s10 =	simm.s32 @!p0 $0x3  }
0x36: {  	[spmem:s6] =	stream.linear.scatter @!p0 [tilespmem:s9], [sflag:$0x3], $0x3C00, $0x38;
	[tilespmem:$0x1E080] =	vst v63  }
0x37: {  	_ =	swait.ge @!p0 [sflag:s10], $0x3C00  }
0x38: {  	[sflag:s10] =	ssyncset.done @!p0 $0x0  }
0x39: {  	s12 =	rddreg [dreg:$0x5];
	[sflag:s10] =	ssyncadd.s32 @!p0 $0xFFFFC400  }
0x3a: {  	[spmem:s12] =	stream.linear.scatter @!p0 [tilespmem:s9], [sflag:$0x3], $0x3C00, $0x38;
	[tilespmem:$0x1E080] =	vst v63  }
0x3b: {  	_ =	swait.ge @!p0 [sflag:s10], $0x3C00  }
0x3c: {  	[sflag:s10] =	ssyncset.done @!p0 $0x0  }
0x3d: {  	s12 =	rddreg [dreg:$0x6];
	[sflag:s10] =	ssyncadd.s32 @!p0 $0xFFFFC400  }
0x3e: {  	[spmem:s12] =	stream.linear.scatter @!p0 [tilespmem:s9], [sflag:$0x3], $0x3C00, $0x38;
	[tilespmem:$0x1E080] =	vst v63  }
0x3f: {  	_ =	swait.ge @!p0 [sflag:s10], $0x3C00  }
0x40: {  	[sflag:s10] =	ssyncset.done @!p0 $0x0  }
0x41: {  	s12 =	rddreg [dreg:$0x7];
	[sflag:s10] =	ssyncadd.s32 @!p0 $0xFFFFC400  }
0x42: {  	[spmem:s12] =	stream.linear.scatter @!p0 [tilespmem:s9], [sflag:$0x3], $0x3C00, $0x38;
	[tilespmem:$0x1E080] =	vst v63  }
0x43: {  	_ =	swait.ge @!p0 [sflag:s10], $0x3C00  }
0x44: {  	[sflag:s10] =	ssyncset.done @!p0 $0x0  }
0x45: {  	s12 =	rddreg [dreg:$0x8];
	[sflag:s10] =	ssyncadd.s32 @!p0 $0xFFFFC400  }
0x46: {  	[spmem:s12] =	stream.linear.scatter @!p0 [tilespmem:s9], [sflag:$0x3], $0x3C00, $0x38;
	[tilespmem:$0x1E080] =	vst v63  }
0x47: {  	_ =	swait.ge @!p0 [sflag:s10], $0x3C00  }
0x48: {  	[sflag:s10] =	ssyncset.done @!p0 $0x0  }
0x49: {  	s12 =	rddreg [dreg:$0x9];
	[sflag:s10] =	ssyncadd.s32 @!p0 $0xFFFFC400  }
0x4a: {  	[spmem:s12] =	stream.linear.scatter @!p0 [tilespmem:s9], [sflag:$0x3], $0xC00, $0x38;
	[tilespmem:$0x1E080] =	vst v63  }
0x4b: {  	_ =	swait.ge @!p0 [sflag:s10], $0xC00  }
0x4c: {  	[sflag:s10] =	ssyncset.done @!p0 $0x0  }
0x4d: {  	[sflag:s10] =	ssyncadd.s32 @!p0 $0xFFFFF400  }
0x4e: {  	[bflag:$0x0] =	sbarrier.arrive $0xFFFF  }
0x4f: {  	[tilespmem:s3], [sflag:$0x3] =	stream.linear.gather [hbm4b:s17+s3], $0x1400, $0x38;
	[tilespmem:$0x1E080] =	vst v63  }
0x50: {  	_ =	swait.ge [sflag:s26], $0x1400  }
0x51: {  	[sflag:s26] =	ssyncset.done $0x0  }
0x52: {  	[sflag:s26] =	ssyncadd.s32 $0xFFFFEC00  }
0x53: {  	[tilespmem:s28], [sflag:$0x3] =	stream.linear.gather [hbm4b:s18+s3], $0x1400, $0x38;
	[tilespmem:$0x1E080] =	vst v63  }
0x54: {  	_ =	swait.ge [sflag:s26], $0x1400  }
0x55: {  	[sflag:s26] =	ssyncset.done $0x0  }
0x56: {  	[sflag:s26] =	ssyncadd.s32 $0xFFFFEC00  }
0x57: {  	[tilespmem:s25], [sflag:$0x1] =	stream.indirect.gather [hbm4b:s1+s29], $0x80, s3, s29, $0xb8;
	[tilespmem:$0x1E080] =	vst v63  }
0x58: {  	_ =	swait.ge [sflag:s30], $0x3E80  }
0x59: {  	[sflag:s30] =	ssyncset.done $0x0  }
0x5a: {  	s10 =	simm.s32 $0x80;
	[sflag:s30] =	ssyncadd.s32 $0xFFFFC180  }
0x5b: {  	[tilespmem:s31], [sflag:$0x2] =	stream.indirect.gather [hbm4b:s1+s29], $0x80, s10, s29, $0xb8;
	[tilespmem:$0x1E080] =	vst v63  }
0x5c: {  	s12 =	simm.s32 $0x1400  }
0x5d: {  	[spmem:s2] =	stream.indirect.scatter.add.f32 [tilespmem:s25], [sflag:$0x3], $0x80, s12, s29, $0xb8;
	[tilespmem:$0x1E080] =	vst v63  }
0x5e: {  	_ =	swait.ge [sflag:s26], $0x3E80  }
0x5f: {  	[sflag:s26] =	ssyncset.done $0x0  }
0x60: {  	[sflag:s26] =	ssyncadd.s32 $0xFFFFC180  }
0x61: {  	_ =	swait.ge [sflag:s0], $0x3E80  }
0x62: {  	[sflag:s0] =	ssyncset.done $0x0  }
0x63: {  	s10 =	simm.s32 $0x100;
	[sflag:s0] =	ssyncadd.s32 $0xFFFFC180  }
0x64: {  	[tilespmem:s25], [sflag:$0x1] =	stream.indirect.gather [hbm4b:s1+s29], $0x80, s10, s29, $0xb8;
	[tilespmem:$0x1E080] =	vst v63  }
0x65: {  	s12 =	simm.s32 $0x1480  }
0x66: {  	[spmem:s2] =	stream.indirect.scatter.add.f32 [tilespmem:s31], [sflag:$0x3], $0x80, s12, s29, $0xb8;
	[tilespmem:$0x1E080] =	vst v63  }
0x67: {  	_ =	swait.ge [sflag:s26], $0x3E80  }
0x68: {  	s9 =	simm.s32 $0x400;
	[sflag:s26] =	ssyncset.done $0x0  }
.LBB2_2:
0x69: {  	p1 =	sne.s32 s9, $0x4800  }
0x6a: {  	[sflag:s26] =	ssyncadd.s32 $0xFFFFC180;
	s10 =	smov.u32 s9;
	s9 =	sadd.s32 $0x400, s9  }
0x6b: {  	_ = 	snop  }
0x6c: {  	_ =	swait.ge [sflag:s30], $0x3E80  }
0x6d: {  	s10 =	sshra.s32 s10, $0x2;
	[sflag:s30] =	ssyncset.done $0x0  }
0x6e: {  	s12 =	sadd.s32 $0x80, s10;
	[sflag:s30] =	ssyncadd.s32 $0xFFFFC180  }
0x6f: {  	[tilespmem:s31], [sflag:$0x2] =	stream.indirect.gather [hbm4b:s1+s29], $0x80, s12, s29, $0xb8;
	[tilespmem:$0x1E080] =	vst v63  }
0x70: {  	s12 =	sadd.s32 $0x1400, s10  }
0x71: {  	[spmem:s2] =	stream.indirect.scatter.add.f32 [tilespmem:s25], [sflag:$0x3], $0x80, s12, s29, $0xb8;
	[tilespmem:$0x1E080] =	vst v63  }
0x72: {  	_ =	swait.ge [sflag:s26], $0x3E80  }
0x73: {  	[sflag:s26] =	ssyncset.done $0x0  }
0x74: {  	[sflag:s26] =	ssyncadd.s32 $0xFFFFC180  }
0x75: {  	_ =	swait.ge [sflag:s0], $0x3E80  }
0x76: {  	[sflag:s0] =	ssyncset.done $0x0  }
0x77: {  	s12 =	sadd.s32 $0x100, s10;
	[sflag:s0] =	ssyncadd.s32 $0xFFFFC180  }
0x78: {  	[tilespmem:s25], [sflag:$0x1] =	stream.indirect.gather [hbm4b:s1+s29], $0x80, s12, s29, $0xb8;
	[tilespmem:$0x1E080] =	vst v63  }
.Ltmp0:
0x79: {  	_ = 	snop;
	(pc) =	sbr.rel @p1 .LBB2_2-.Ltmp0, $4  }
0x7a: {  	s10 =	sadd.s32 $0x1480, s10  }
0x7b: {  	[spmem:s2] =	stream.indirect.scatter.add.f32 [tilespmem:s31], [sflag:$0x3], $0x80, s10, s29, $0xb8;
	[tilespmem:$0x1E080] =	vst v63  }
0x7c: {  	_ =	swait.ge [sflag:s26], $0x3E80  }
0x7d: {  	[sflag:s26] =	ssyncset.done $0x0  }
0x7e: {  	[sflag:s26] =	ssyncadd.s32 $0xFFFFC180  }
0x7f: {  	_ =	swait.ge [sflag:s30], $0x3E80  }
0x80: {  	[sflag:s30] =	ssyncset.done $0x0  }
0x81: {  	[sflag:s30] =	ssyncadd.s32 $0xFFFFC180  }
0x82: {  	[tilespmem:s31], [sflag:$0x2] =	stream.indirect.gather [hbm4b:s1+s29], $0x80, s4, s29, $0xb8;
	[tilespmem:$0x1E080] =	vst v63  }
0x83: {  	_ = 	snop  }
0x84: {  	[spmem:s2] =	stream.indirect.scatter.add.f32 [tilespmem:s25], [sflag:$0x3], $0x80, s5, s29, $0xb8;
	[tilespmem:$0x1E080] =	vst v63  }
0x85: {  	_ =	swait.ge [sflag:s26], $0x3E80  }
0x86: {  	[sflag:s26] =	ssyncset.done $0x0  }
0x87: {  	[sflag:s26] =	ssyncadd.s32 $0xFFFFC180  }
0x88: {  	_ =	swait.ge [sflag:s0], $0x3E80  }
0x89: {  	[sflag:s0] =	ssyncset.done $0x0  }
0x8a: {  	[sflag:s0] =	ssyncadd.s32 $0xFFFFC180  }
0x8b: {  	[spmem:s2] =	stream.indirect.scatter.add.f32 [tilespmem:s31], [sflag:$0x3], $0x80, s7, s29, $0xb8;
	[tilespmem:$0x1E080] =	vst v63  }
0x8c: {  	_ =	swait.ge [sflag:s26], $0x3E80  }
0x8d: {  	[sflag:s26] =	ssyncset.done $0x0  }
0x8e: {  	s9 =	simm.s32 $0x0;
	[sflag:s26] =	ssyncadd.s32 $0xFFFFC180  }
0x8f: {  	[tilespmem:s9], [sflag:$0x3] =	stream.linear.gather [hbm4b:s19+s9], $0x1400, $0x38;
	[tilespmem:$0x1E080] =	vst v63  }
0x90: {  	_ =	swait.ge [sflag:s26], $0x1400  }
0x91: {  	[sflag:s26] =	ssyncset.done $0x0  }
0x92: {  	[sflag:s26] =	ssyncadd.s32 $0xFFFFEC00  }
0x93: {  	[tilespmem:s28], [sflag:$0x3] =	stream.linear.gather [hbm4b:s20+s9], $0x1400, $0x38;
	[tilespmem:$0x1E080] =	vst v63  }
0x94: {  	_ =	swait.ge [sflag:s26], $0x1400  }
0x95: {  	[sflag:s26] =	ssyncset.done $0x0  }
0x96: {  	[sflag:s26] =	ssyncadd.s32 $0xFFFFEC00  }
0x97: {  	[tilespmem:s25], [sflag:$0x1] =	stream.indirect.gather [hbm4b:s1+s29], $0x80, s9, s29, $0xb8;
	[tilespmem:$0x1E080] =	vst v63  }
0x98: {  	_ =	swait.ge [sflag:s30], $0x3E80  }
0x99: {  	[sflag:s30] =	ssyncset.done $0x0  }
0x9a: {  	s10 =	simm.s32 $0x80;
	[sflag:s30] =	ssyncadd.s32 $0xFFFFC180  }
0x9b: {  	[tilespmem:s31], [sflag:$0x2] =	stream.indirect.gather [hbm4b:s1+s29], $0x80, s10, s29, $0xb8;
	[tilespmem:$0x1E080] =	vst v63  }
0x9c: {  	s12 =	simm.s32 $0x1400  }
0x9d: {  	[spmem:s2] =	stream.indirect.scatter.add.f32 [tilespmem:s25], [sflag:$0x3], $0x80, s12, s29, $0xb8;
	[tilespmem:$0x1E080] =	vst v63  }
0x9e: {  	_ =	swait.ge [sflag:s26], $0x3E80  }
0x9f: {  	[sflag:s26] =	ssyncset.done $0x0  }
0xa0: {  	[sflag:s26] =	ssyncadd.s32 $0xFFFFC180  }
0xa1: {  	_ =	swait.ge [sflag:s0], $0x3E80  }
0xa2: {  	[sflag:s0] =	ssyncset.done $0x0  }
0xa3: {  	s10 =	simm.s32 $0x100;
	[sflag:s0] =	ssyncadd.s32 $0xFFFFC180  }
0xa4: {  	[tilespmem:s25], [sflag:$0x1] =	stream.indirect.gather [hbm4b:s1+s29], $0x80, s10, s29, $0xb8;
	[tilespmem:$0x1E080] =	vst v63  }
0xa5: {  	s12 =	simm.s32 $0x1480  }
0xa6: {  	[spmem:s2] =	stream.indirect.scatter.add.f32 [tilespmem:s31], [sflag:$0x3], $0x80, s12, s29, $0xb8;
	[tilespmem:$0x1E080] =	vst v63  }
0xa7: {  	_ =	swait.ge [sflag:s26], $0x3E80  }
0xa8: {  	s9 =	simm.s32 $0x400;
	[sflag:s26] =	ssyncset.done $0x0  }
.LBB2_4:
0xa9: {  	p1 =	sne.s32 s9, $0x4800  }
0xaa: {  	[sflag:s26] =	ssyncadd.s32 $0xFFFFC180;
	s10 =	smov.u32 s9;
	s9 =	sadd.s32 $0x400, s9  }
0xab: {  	_ = 	snop  }
0xac: {  	_ =	swait.ge [sflag:s30], $0x3E80  }
0xad: {  	s10 =	sshra.s32 s10, $0x2;
	[sflag:s30] =	ssyncset.done $0x0  }
0xae: {  	s12 =	sadd.s32 $0x80, s10;
	[sflag:s30] =	ssyncadd.s32 $0xFFFFC180  }
0xaf: {  	[tilespmem:s31], [sflag:$0x2] =	stream.indirect.gather [hbm4b:s1+s29], $0x80, s12, s29, $0xb8;
	[tilespmem:$0x1E080] =	vst v63  }
0xb0: {  	s12 =	sadd.s32 $0x1400, s10  }
0xb1: {  	[spmem:s2] =	stream.indirect.scatter.add.f32 [tilespmem:s25], [sflag:$0x3], $0x80, s12, s29, $0xb8;
	[tilespmem:$0x1E080] =	vst v63  }
0xb2: {  	_ =	swait.ge [sflag:s26], $0x3E80  }
0xb3: {  	[sflag:s26] =	ssyncset.done $0x0  }
0xb4: {  	[sflag:s26] =	ssyncadd.s32 $0xFFFFC180  }
0xb5: {  	_ =	swait.ge [sflag:s0], $0x3E80  }
0xb6: {  	[sflag:s0] =	ssyncset.done $0x0  }
0xb7: {  	s12 =	sadd.s32 $0x100, s10;
	[sflag:s0] =	ssyncadd.s32 $0xFFFFC180  }
0xb8: {  	[tilespmem:s25], [sflag:$0x1] =	stream.indirect.gather [hbm4b:s1+s29], $0x80, s12, s29, $0xb8;
	[tilespmem:$0x1E080] =	vst v63  }
.Ltmp1:
0xb9: {  	_ = 	snop;
	(pc) =	sbr.rel @p1 .LBB2_4-.Ltmp1, $4  }
0xba: {  	s10 =	sadd.s32 $0x1480, s10  }
0xbb: {  	[spmem:s2] =	stream.indirect.scatter.add.f32 [tilespmem:s31], [sflag:$0x3], $0x80, s10, s29, $0xb8;
	[tilespmem:$0x1E080] =	vst v63  }
0xbc: {  	_ =	swait.ge [sflag:s26], $0x3E80  }
0xbd: {  	[sflag:s26] =	ssyncset.done $0x0  }
0xbe: {  	[sflag:s26] =	ssyncadd.s32 $0xFFFFC180  }
0xbf: {  	_ =	swait.ge [sflag:s30], $0x3E80  }
0xc0: {  	[sflag:s30] =	ssyncset.done $0x0  }
0xc1: {  	[sflag:s30] =	ssyncadd.s32 $0xFFFFC180  }
0xc2: {  	[tilespmem:s31], [sflag:$0x2] =	stream.indirect.gather [hbm4b:s1+s29], $0x80, s4, s29, $0xb8;
	[tilespmem:$0x1E080] =	vst v63  }
0xc3: {  	_ = 	snop  }
0xc4: {  	[spmem:s2] =	stream.indirect.scatter.add.f32 [tilespmem:s25], [sflag:$0x3], $0x80, s5, s29, $0xb8;
	[tilespmem:$0x1E080] =	vst v63  }
0xc5: {  	_ =	swait.ge [sflag:s26], $0x3E80  }
0xc6: {  	[sflag:s26] =	ssyncset.done $0x0  }
0xc7: {  	[sflag:s26] =	ssyncadd.s32 $0xFFFFC180  }
0xc8: {  	_ =	swait.ge [sflag:s0], $0x3E80  }
0xc9: {  	[sflag:s0] =	ssyncset.done $0x0  }
0xca: {  	[sflag:s0] =	ssyncadd.s32 $0xFFFFC180  }
0xcb: {  	[spmem:s2] =	stream.indirect.scatter.add.f32 [tilespmem:s31], [sflag:$0x3], $0x80, s7, s29, $0xb8;
	[tilespmem:$0x1E080] =	vst v63  }
0xcc: {  	_ =	swait.ge [sflag:s26], $0x3E80  }
0xcd: {  	[sflag:s26] =	ssyncset.done $0x0  }
0xce: {  	[sflag:s26] =	ssyncadd.s32 $0xFFFFC180  }
0xcf: {  	s9 =	sshrl.u32 @p0 s11, $0x3;
	s10 =	simm.s32 @p0 $0x1FC3;
	[bflag:$0x0] =	sbarrier.arrive $0xFFFF  }
0xd0: {  	[hbm:s23], [sflag:s10] =	dma.local @p0 [spmem:s9], $0x2800  }
0xd1: {  	s9 =	simm.s32 @p0 $0x3  }
0xd2: {  	s8 =	sadd.s32 $0x1, s8;
	s10 =	stileid.u32;
	_ =	swait.ge @p0 [sflag:s9], $0x2800  }
0xd3: {  	p1 =	sne.s32 s8, s24;
	s10 =	sshll.u32 @!p0 s10, $0x6;
	[sflag:s9] =	ssyncset.done @p0 $0x0  }
0xd4: {  	[sflag:s9] =	ssyncadd.s32 @p0 $0xFFFFD800;
	s9 =	sor.u32 @!p0 $0x1C03, s10;
	s10 =	sshrl.u32 @!p0 s6, $0x3  }
0xd5: {  	[hbm:s22], [sflag:s9] =	dma.local @!p0 [spmem:s10], $0x2700  }
.Ltmp2:
0xd6: {  	_ = 	snop;
	(pc) =	sbr.rel @p1 .LBB2_1-.Ltmp2, $4  }
0xd7: {  	s9 =	simm.s32 @!p0 $0x3  }
0xd8: {  	_ =	swait.ge @!p0 [sflag:s9], $0x2700  }
0xd9: {  	[sflag:s9] =	ssyncset.done @!p0 $0x0  }
0xda: {  	[sflag:s9] =	ssyncadd.s32 @!p0 $0xFFFFD900  }
0xdb: {  	_ =	sfence.sel $0x180000  }
0xdc: {  	[bflag:$0x0] =	sbarrier.arrive $0xFFFF  }
0xdd: {  	_ =	strace $0x9000004D  }
0xde: {  	s0 =	stileid.u32;
	[bflag:$0x2] =	sbarrier.arrive $0xFFFF  }
0xdf: {  	p0 =	sne.s32 s0, $0x0;
	s0 =	rddreg [dreg:$0x3]  }
0xe0: {  	s0 =	sadd.s32 @!p0 $0x100000, s0  }
0xe1: {  	[sflag:s0] =	ssyncadd.tile.s32 @!p0 $0x1;
	_ =	shalt  }
.Lfunc_end2:
_tile_overlayer_lowered:
.L_overlay_start_2:
0xe2: {  	(tag) =	ssettag $0x2  }
0xe3: {  	s0 =	rddreg [dreg:$0x0];
	s2 =	stileid.u32  }
0xe4: {  	s1 =	rddreg [dreg:$0x1];
	p0 =	sne.s32 s2, $0x0  }
0xe5: {  	s3 =	rddreg [dreg:$0x2];
	[bflag:$0x3] =	sbarrier.arrive $0xFFFF;
	s2 =	simm.s32 @!p0 $0x1C03  }
0xe6: {  	[timem:s3], [sflag:s2] =	dma.local @!p0 [hbm:s0], s1  }
0xe7: {  	s0 =	simm.s32 @!p0 $0x3  }
0xe8: {  	_ =	swait.ge @!p0 [sflag:s0], s1  }
0xe9: {  	s1 =	ssub.s32 @!p0 $0x0, s1;
	[sflag:s0] =	ssyncset.done @!p0 $0x0  }
0xea: {  	[sflag:s0] =	ssyncadd.s32 @!p0 s1  }
0xeb: {  	[bflag:$0x3] =	sbarrier.arrive $0xFFFF  }
0xec: {  	_ =	shalt  }

// kernel: kernel.8.cloned.1.call-start
scs
__scs_entry_jumppad:
0x0: {  	(pc) =	sbr.rel $0x88, $3  }
0x1: {  	(tag) =	ssettag $0x0;
	lr =	simm.s32 $0x1  }
0x2: {  	[smem:$0x3F9B] =	sst lr;
	_ =	strace $0xD0000000  }
0x3: {  	_ = 	snop  }
0x4: {  	_ = 	snop  }
0x5: {  	_ = 	snop  }
0x6: {  	_ = 	snop  }
0x7: {  	_ = 	snop  }
__scs_overlays_trampoline_lowered:
0x8: {  	[smem:$0x3FAA] =	sst s0  }
0x9: {  	[smem:$0x3FAB] =	sst s1  }
0xa: {  	[smem:$0x3FAC] =	sst s2  }
0xb: {  	[smem:$0x3FAD] =	sst s3  }
0xc: {  	[smem:$0x3FAE] =	sst s4  }
0xd: {  	[smem:$0x3FAF] =	sst s5  }
0xe: {  	[smem:$0x3FB0] =	sst s6  }
0xf: {  	[smem:$0x3FB1] =	sst s7  }
0x10: {  	[smem:$0x3FB2] =	sst s8  }
0x11: {  	[smem:$0x3FB3] =	sst s9;
	s0 =	simm.s32 @!p0 $0x0  }
0x12: {  	s1 =	sld [smem:$0x3F99];
	s0 =	simm.s32 @p0 $0x1  }
0x13: {  	[smem:$0x3FB4] =	sst s0;
	s0 =	simm.s32 @!p1 $0x0  }
0x14: {  	s2 =	sld [smem:$0x3F98];
	s0 =	simm.s32 @p1 $0x1  }
0x15: {  	[smem:$0x3FB5] =	sst s0;
	s0 =	simm.s32 @!p2 $0x0  }
0x16: {  	s3 =	sld [smem:$0x3FDB];
	s0 =	simm.s32 @p2 $0x1  }
0x17: {  	s4 =	simm.s32 $0x1BF5;
	[smem:$0x3FB7] =	sst s0  }
0x18: {  	s0 =	sld [smem:$0x3F9A];
	_ =	swait.ge [sflag:s4], $0x0  }
0x19: {  	s7 =	sld [smem:$0x3F9B]  }
0x1a: {  	s8 =	sadd.s32 $0xFFFFE003, lr  }
0x1b: {  	s9 =	sadd.s32 $0xFFFFFEF7, lr;
	s5 =	simm.s32 $0xFFFFFFFF;
	p2 =	slt.u32 s8, $0xFFFFF086  }
0x1c: {  	p1 =	slt.u32 s9, $0xF7A;
	s5 =	simm.s32 @!p2 $0x0  }
0x1d: {  	s5 =	simm.s32 @p1 $0x1;
	p0 =	seq.s32 s7, s2  }
0x1e: {  	s7 =	smul.u32 @!p0 $0xF7A, s2;
	p2 =	seq.s32 @!p0 s5, $0x0  }
0x1f: {  	s9 =	smul.u32 $0xF7A, s1;
	s8 =	simm.s32 @!p0 $0x1BF5;
	p2 =	por !p2, p0  }
0x20: {  	[sflag:s8] =	ssyncset.s32 @!p0 $0xFFFFF086;
	s6 =	sadd.s32 @!p0 s3, s7;
	s7 =	simm.s32 @!p0 $0x108  }
0x21: {  	s3 =	sadd.s32 s3, s9;
	s6 =	sadd.s32 @!p0 $0x88, s6;
	s7 =	simm.s32 @p2 $0x1082  }
0x22: {  	[simem:s7], [sflag:s8] =	dma.local @!p0 [hbm:s6], $0xF7A  }
0x23: {  	s9 =	sor.u32 $0xD0000000, s2;
	s6 =	simm.s32 $0x108;
	_ =	swait.ge @!p0 [sflag:s8], $0x0  }
0x24: {  	s3 =	sadd.s32 $0x88, s3;
	s6 =	simm.s32 @!p1 $0x1082;
	[sflag:s4] =	ssyncset.s32 $0xFFFFF086  }
0x25: {  	[simem:s6], [sflag:s4] =	dma.local [hbm:s3], $0xF7A  }
0x26: {  	[smem:$0x3F9B] =	sst s1;
	(tag) =	ssettag s2;
	_ =	strace s9  }
0x27: {  	s1 =	sld [smem:$0x3FAB]  }
0x28: {  	s2 =	sld [smem:$0x3FAC]  }
0x29: {  	s4 =	sld [smem:$0x3FAE]  }
0x2a: {  	p0 =	seq.s32 s5, $0x0;
	s5 =	sld [smem:$0x3FAF]  }
0x2b: {  	s6 =	sld [smem:$0x3FB0]  }
0x2c: {  	s7 =	sld [smem:$0x3FB1]  }
0x2d: {  	s3 =	simm.s32 $0x108;
	s8 =	sld [smem:$0x3FB2]  }
0x2e: {  	s3 =	simm.s32 @!p0 $0x1082;
	s9 =	sld [smem:$0x3FB3]  }
0x2f: {  	lr =	sadd.s32 s0, s3;
	s0 =	sld [smem:$0x3FAA]  }
0x30: {  	s3 =	sld [smem:$0x3FAD]  }
0x31: {  	[smem:$0x3FB6] =	sst s10  }
0x32: {  	s10 =	sld [smem:$0x3FB4];
	_ =	sdelay $0x3  }
0x33: {  	p0 =	seq.s32 s10, $0x1;
	s10 =	sld [smem:$0x3FB6];
	_ =	sdelay $0x3  }
0x34: {  	[smem:$0x3FB6] =	sst s10  }
0x35: {  	s10 =	sld [smem:$0x3FB5];
	_ =	sdelay $0x3  }
0x36: {  	p1 =	seq.s32 s10, $0x1;
	s10 =	sld [smem:$0x3FB6];
	_ =	sdelay $0x3  }
0x37: {  	[smem:$0x3FB6] =	sst s10  }
0x38: {  	s10 =	sld [smem:$0x3FB7]  }
0x39: {  	_ = 	snop;
	(pc) =	sbr.ind lr, $3  }
0x3a: {  	_ = 	snop  }
0x3b: {  	_ = 	snop  }
0x3c: {  	p2 =	seq.s32 s10, $0x1;
	s10 =	sld [smem:$0x3FB6]  }
0x3d: {  	_ =	shalt  }
0x3e: {  	_ =	shalt  }
0x3f: {  	_ =	shalt  }
0x40: {  	_ =	shalt  }
0x41: {  	_ =	shalt  }
0x42: {  	_ =	shalt  }
0x43: {  	_ =	shalt  }
0x44: {  	_ =	shalt  }
0x45: {  	_ =	shalt  }
0x46: {  	_ =	shalt  }
0x47: {  	_ =	shalt  }
0x48: {  	_ =	shalt  }
0x49: {  	_ =	shalt  }
0x4a: {  	_ =	shalt  }
0x4b: {  	_ =	shalt  }
0x4c: {  	_ =	shalt  }
0x4d: {  	_ =	shalt  }
0x4e: {  	_ =	shalt  }
0x4f: {  	_ =	shalt  }
0x50: {  	_ =	shalt  }
0x51: {  	_ =	shalt  }
0x52: {  	_ =	shalt  }
0x53: {  	_ =	shalt  }
0x54: {  	_ =	shalt  }
0x55: {  	_ =	shalt  }
0x56: {  	_ =	shalt  }
0x57: {  	_ =	shalt  }
0x58: {  	_ =	shalt  }
0x59: {  	_ =	shalt  }
0x5a: {  	_ =	shalt  }
0x5b: {  	_ =	shalt  }
0x5c: {  	_ =	shalt  }
0x5d: {  	_ =	shalt  }
0x5e: {  	_ =	shalt  }
0x5f: {  	_ =	shalt  }
0x60: {  	_ =	shalt  }
0x61: {  	_ =	shalt  }
0x62: {  	_ =	shalt  }
0x63: {  	_ =	shalt  }
0x64: {  	_ =	shalt  }
0x65: {  	_ =	shalt  }
0x66: {  	_ =	shalt  }
0x67: {  	_ =	shalt  }
0x68: {  	_ =	shalt  }
0x69: {  	_ =	shalt  }
0x6a: {  	_ =	shalt  }
0x6b: {  	_ =	shalt  }
0x6c: {  	_ =	shalt  }
0x6d: {  	_ =	shalt  }
0x6e: {  	_ =	shalt  }
0x6f: {  	_ =	shalt  }
0x70: {  	_ =	shalt  }
0x71: {  	_ =	shalt  }
0x72: {  	_ =	shalt  }
0x73: {  	_ =	shalt  }
0x74: {  	_ =	shalt  }
0x75: {  	_ =	shalt  }
0x76: {  	_ =	shalt  }
0x77: {  	_ =	shalt  }
0x78: {  	_ =	shalt  }
0x79: {  	_ =	shalt  }
0x7a: {  	_ =	shalt  }
0x7b: {  	_ =	shalt  }
0x7c: {  	_ =	shalt  }
0x7d: {  	_ =	shalt  }
0x7e: {  	_ =	shalt  }
0x7f: {  	_ =	shalt  }
0x80: {  	_ =	shalt  }
0x81: {  	_ =	shalt  }
0x82: {  	_ =	shalt  }
0x83: {  	_ =	shalt  }
0x84: {  	_ =	shalt  }
0x85: {  	_ =	shalt  }
0x86: {  	_ =	shalt  }
0x87: {  	_ =	shalt  }
.Lfunc_end0:
.L_simem_size_0:
called_computation_lowered:
.L_overlay_start_0:
0x88: {  	s2 =	sld [smem:$0x3FD9]  }
0x89: {  	s3 =	sld [smem:$0x3FFE];
	_ =	sdelay $0x1  }
0x8a: {  	s1 =	srdreg.scid  }
0x8b: {  	s0 =	sand.u32 $0x1, s1  }
0x8c: {  	s17 =	sshll.u32 s0, $0xA;
	s2 =	sadd.s32 s3, s2  }
0x8d: {  	s2 =	sadd.s32 s2, s17  }
0x8e: {  	[smem:$0x3FC2] =	sst s2  }
0x8f: {  	_ = 	snop  }
0x90: {  	s2 =	sld [smem:$0x3FD0];
	(tm) =	ssettm $0x1  }
0x91: {  	s18 =	sld [smem:$0x3FFB];
	_ =	sdelay $0x3  }
0x92: {  	_ =	strace s18  }
0x93: {  	s3 =	sld [smem:$0x3FFC];
	_ =	sdelay $0x3  }
0x94: {  	_ =	strace s3  }
0x95: {  	s3 =	sld [smem:$0x3FFD];
	_ =	sdelay $0x3  }
0x96: {  	_ =	strace s3  }
0x97: {  	_ =	strace $0x8FFFFFFF  }
0x98: {  	s19 =	sld [smem:$0x3FDB];
	_ =	sdelay $0x1  }
0x99: {  	s4 =	simm.s32 $_scs_section_size  }
0x9a: {  	s5 =	simm.s32 $_size__tile_overlayer_lowered;
	s6 =	simm.s32 $_tile_overlayer_lowered  }
0x9b: {  	s22 =	simm.s32 $0x1BFF;
	s21 =	sshll.u32 s6, $0x1;
	s3 =	sadd.s32 s4, s19  }
0x9c: {  	s7 =	simm.s32 $0x0;
	s20 =	sshll.u32 s5, $0x1;
	s5 =	sadd.s32 s21, s3  }
0x9d: {  	[timem:s7], [sflag:s22] =	dma.local [hbm:s5], s20  }
0x9e: {  	_ =	swait.ge [sflag:s22], s20  }
0x9f: {  	s4 =	ssub.s32 $0x0, s20;
	[sflag:s22] =	ssyncset.done $0x0  }
0xa0: {  	[sflag:s22] =	ssyncadd.s32 s4;
	_ =	sdelay $0x1  }
0xa1: {  	s23 =	simm.s32 $0x1B8B  }
0xa2: {  	_ =	swait.ge [sflag:s23], $0x1  }
0xa3: {  	[sflag:s23] =	ssyncset.done $0x0  }
0xa4: {  	s25 =	simm.s32 $0x1B8E;
	s24 =	sld [smem:$0x3FFE];
	[sflag:s23] =	ssyncadd.s32 $0xFFFFFFFF  }
0xa5: {  	s26 =	simm.s32 $execute0_lowered;
	[smem:$0x3FD2] =	sst s25  }
0xa6: {  	s5 =	sshll.u32 s26, $0x1;
	_ =	strace $0x80000046;
	[dreg:$0x1] =	wrdreg $0xFFFFFFFF  }
0xa7: {  	s28 =	simm.s32 $_size_execute0_lowered;
	s3 =	sadd.s32 s3, s5;
	[dreg:$0x0] =	wrdreg $0x0  }
0xa8: {  	s5 =	sshll.u32 s28, $0x1;
	[dreg:$0x2] =	wrdreg s3  }
0xa9: {  	[dreg:$0x3] =	wrdreg s5  }
0xaa: {  	[dreg:$0x4] =	wrdreg $0xC0  }
0xab: {  	_ =	task [dreg:s7], $0x5FFFF  }
0xac: {  	[dreg:$0x1] =	wrdreg $0xFFFFFFFF  }
0xad: {  	[dreg:$0x0] =	wrdreg $0x60  }
0xae: {  	[dreg:$0x2] =	wrdreg s24  }
0xaf: {  	[dreg:$0x3] =	wrdreg s2  }
0xb0: {  	[dreg:$0x4] =	wrdreg $0xA8000  }
0xb1: {  	[dreg:$0x5] =	wrdreg $0x9  }
0xb2: {  	_ =	task.clear_ibuf [dreg:s7], $0x6FFFF;
	_ =	strace $0x90000046  }
0xb3: {  	s29 =	simm.s32 $0x9;
	_ =	strace $0x80000048  }
0xb4: {  	_ =	swait.ge [sflag:s29], $0x1  }
0xb5: {  	[sflag:s29] =	ssyncadd.s32 $0xFFFFFFFF  }
0xb6: {  	_ =	strace $0x90000048  }
0xb7: {  	_ =	sfence  }
0xb8: {  	s30 =	sld [smem:$0x0];
	_ =	sdelay $0x2  }
0xb9: {  	s31 =	sshll.u32 s1, $0xD;
	s1 =	sshrl.u32 s1, $0x2  }
0xba: {  	s3 =	sand.u32 $0x4000, s31;
	s1 =	sadd.s32 s1, s30  }
0xbb: {  	s0 =	sor.u32 s3, s0;
	s1 =	sshll.u32 s1, $0x11  }
0xbc: {  	s0 =	sor.u32 s1, s0  }
0xbd: {  	s0 =	sadd.s32 $0x8F2B, s0  }
0xbe: {  	[sflag:s0] =	ssyncadd.remote.s32 $0x1  }
0xbf: {  	_ =	sfence.sel $0xFFFF  }
0xc0: {  	[dreg:$0x0] =	wrdreg $0xFFFFFFFF;
	(pc) =	sbr.abs _section_cstart, $3  }
0xc1: {  	[dreg:$0x1] =	wrdreg $0xFFFFFFFF  }
0xc2: {  	_ =	task.clear_ibuf [dreg:s7], $0x2FFFF;
	_ =	strace $0x9FFFFFFF  }
0xc3: {  	(tm) =	ssettm $0x7FFFFFFF  }
tec
execute0_lowered:
.L_overlay_start_1:
0x0: {  	(tag) =	ssettag $0x1  }
0x1: {  	s0 =	rddreg [dreg:$0x0]  }
0x2: {  	s5 =	rddreg [dreg:$0x1]  }
0x3: {  	s2 =	rddreg [dreg:$0x2];
	s4 =	simm.s32 $0x0  }
0x4: {  	s26 =	stileid.u32;
	s6 =	srdreg.scid;
	s28 =	simm.s32 $0x1  }
0x5: {  	s29 =	simm.s32 $0x6800;
	s30 =	simm.s32 $0x1400;
	s31 =	simm.s32 $0x7D  }
0x6: {  	[smem:$0x7FF] =	sst s4;
	s1 =	sadd.s32 $0xBE00, s0;
	s3 =	sadd.s32 $0x1E00, s0  }
0x7: {  	s7 =	smul.u32 $0x4E000, s26;
	s8 =	sadd.s32 $0x15E00, s0;
	s0 =	sadd.s32 $0x16600, s0  }
0x8: {  	s16 =	sand.u32 $0x1, s6;
	s12 =	sadd.s32 $0x124800, s2;
	s13 =	sadd.s32 $0x128400, s2  }
0x9: {  	s14 =	sadd.s32 $0x12C000, s2;
	s21 =	smul.u32 $0x13800, s26;
	p0 =	seq.s32 s26, $0xF  }
0xa: {  	_ =	strace $0x80000047;
	[dreg:$0x4] =	wrdreg s8;
	s15 =	ssub.s32 $0x2, s16  }
0xb: {  	s6 =	sshll.u32 s16, $0x4;
	s22 =	smul.u32 $0x138800, s16;
	s16 =	sadd.s32 $0x133800, s2  }
0xc: {  	s7 =	sshrl.u32 s7, $0x2;
	s17 =	sshrl.u32 s15, $0x1;
	s18 =	sor.u32 s26, s6  }
0xd: {  	s26 =	simm.s32 $0x2800;
	s6 =	sadd.s32 s7, s2;
	s18 =	smul.u32 $0x2800, s18  }
0xe: {  	s25 =	ssub.s32 s15, s17;
	s15 =	sadd.s32 $0x12FC00, s2;
	s23 =	sadd.s32 s21, s22  }
0xf: {  	s21 =	sadd.s32 $0x137400, s2;
	s24 =	sshrl.u32 s22, $0x3;
	s7 =	sadd.s32 $0x3C00, s6  }
0x10: {  	s8 =	sadd.s32 $0x7800, s6;
	s9 =	sadd.s32 $0xB400, s6;
	s10 =	sadd.s32 $0xF000, s6  }
0x11: {  	s11 =	sadd.s32 $0x12C00, s6;
	s25 =	smax.u32 s25, $0x1;
	s19 =	sshrl.u32 s18, $0x3  }
0x12: {  	[dreg:$0x5] =	wrdreg s7;
	s17 =	sadd.s32 s1, s19;
	s20 =	sadd.s32 $0x280, s19  }
0x13: {  	s18 =	sadd.s32 s3, s19;
	s19 =	sadd.s32 s1, s20;
	s1 =	sshrl.u32 s23, $0x3  }
0x14: {  	s20 =	sadd.s32 s3, s20;
	s22 =	sadd.s32 s0, s1;
	s0 =	sadd.s32 s0, s24  }
0x15: {  	s23 =	sadd.s32 $0x800, s5;
	s24 =	sadd.s32 $0x24900, s0;
	s0 =	simm.s32 $0x0  }
.LBB2_1:
0x16: {  	s1 =	rddreg [dreg:$0x4]  }
0x17: {  	[tilespmem:s26], [sflag:$0x1] =	stream.linear.gather [hbm4b:s1+s4], $0x3E80, $0x38;
	[tilespmem:$0x1E080] =	vst v63  }
0x18: {  	_ =	swait.ge [sflag:s28], $0x3E80  }
0x19: {  	[sflag:s28] =	ssyncset.done $0x0  }
0x1a: {  	s3 =	simm.s32 @p0 $0x1;
	s1 =	simm.s32 @p0 $0x2800;
	[sflag:s28] =	ssyncadd.s32 $0xFFFFC180  }
0x1b: {  	[spmem:s12] =	stream.linear.scatter @p0 [tilespmem:s1], [sflag:$0x1], $0x3C00, $0x38;
	[tilespmem:$0x1E080] =	vst v63  }
0x1c: {  	_ =	swait.ge @p0 [sflag:s3], $0x3C00  }
0x1d: {  	[sflag:s3] =	ssyncset.done @p0 $0x0  }
0x1e: {  	[sflag:s3] =	ssyncadd.s32 @p0 $0xFFFFC400  }
0x1f: {  	[spmem:s13] =	stream.linear.scatter @p0 [tilespmem:s1], [sflag:$0x1], $0x3C00, $0x38;
	[tilespmem:$0x1E080] =	vst v63  }
0x20: {  	_ =	swait.ge @p0 [sflag:s3], $0x3C00  }
0x21: {  	[sflag:s3] =	ssyncset.done @p0 $0x0  }
0x22: {  	[sflag:s3] =	ssyncadd.s32 @p0 $0xFFFFC400  }
0x23: {  	[spmem:s14] =	stream.linear.scatter @p0 [tilespmem:s1], [sflag:$0x1], $0x3C00, $0x38;
	[tilespmem:$0x1E080] =	vst v63  }
0x24: {  	_ =	swait.ge @p0 [sflag:s3], $0x3C00  }
0x25: {  	[sflag:s3] =	ssyncset.done @p0 $0x0  }
0x26: {  	[sflag:s3] =	ssyncadd.s32 @p0 $0xFFFFC400  }
0x27: {  	[spmem:s15] =	stream.linear.scatter @p0 [tilespmem:s1], [sflag:$0x1], $0x3C00, $0x38;
	[tilespmem:$0x1E080] =	vst v63  }
0x28: {  	_ =	swait.ge @p0 [sflag:s3], $0x3C00  }
0x29: {  	[sflag:s3] =	ssyncset.done @p0 $0x0  }
0x2a: {  	[sflag:s3] =	ssyncadd.s32 @p0 $0xFFFFC400  }
0x2b: {  	[spmem:s16] =	stream.linear.scatter @p0 [tilespmem:s1], [sflag:$0x1], $0x3C00, $0x38;
	[tilespmem:$0x1E080] =	vst v63  }
0x2c: {  	_ =	swait.ge @p0 [sflag:s3], $0x3C00  }
0x2d: {  	[sflag:s3] =	ssyncset.done @p0 $0x0  }
0x2e: {  	[sflag:s3] =	ssyncadd.s32 @p0 $0xFFFFC400  }
0x2f: {  	[spmem:s21] =	stream.linear.scatter @p0 [tilespmem:s1], [sflag:$0x1], $0x1400, $0x38;
	[tilespmem:$0x1E080] =	vst v63  }
0x30: {  	_ =	swait.ge @p0 [sflag:s3], $0x1400  }
0x31: {  	[sflag:s3] =	ssyncset.done @p0 $0x0  }
0x32: {  	s1 =	simm.s32 @!p0 $0x2800;
	[sflag:s3] =	ssyncadd.s32 @p0 $0xFFFFEC00;
	s3 =	simm.s32 @!p0 $0x1  }
0x33: {  	[spmem:s6] =	stream.linear.scatter @!p0 [tilespmem:s1], [sflag:$0x1], $0x3C00, $0x38;
	[tilespmem:$0x1E080] =	vst v63  }
0x34: {  	_ =	swait.ge @!p0 [sflag:s3], $0x3C00  }
0x35: {  	[sflag:s3] =	ssyncset.done @!p0 $0x0  }
0x36: {  	s5 =	rddreg [dreg:$0x5];
	[sflag:s3] =	ssyncadd.s32 @!p0 $0xFFFFC400  }
0x37: {  	[spmem:s5] =	stream.linear.scatter @!p0 [tilespmem:s1], [sflag:$0x1], $0x3C00, $0x38;
	[tilespmem:$0x1E080] =	vst v63  }
0x38: {  	_ =	swait.ge @!p0 [sflag:s3], $0x3C00  }
0x39: {  	[sflag:s3] =	ssyncset.done @!p0 $0x0  }
0x3a: {  	[sflag:s3] =	ssyncadd.s32 @!p0 $0xFFFFC400  }
0x3b: {  	[spmem:s8] =	stream.linear.scatter @!p0 [tilespmem:s1], [sflag:$0x1], $0x3C00, $0x38;
	[tilespmem:$0x1E080] =	vst v63  }
0x3c: {  	_ =	swait.ge @!p0 [sflag:s3], $0x3C00  }
0x3d: {  	[sflag:s3] =	ssyncset.done @!p0 $0x0  }
0x3e: {  	[sflag:s3] =	ssyncadd.s32 @!p0 $0xFFFFC400  }
0x3f: {  	[spmem:s9] =	stream.linear.scatter @!p0 [tilespmem:s1], [sflag:$0x1], $0x3C00, $0x38;
	[tilespmem:$0x1E080] =	vst v63  }
0x40: {  	_ =	swait.ge @!p0 [sflag:s3], $0x3C00  }
0x41: {  	[sflag:s3] =	ssyncset.done @!p0 $0x0  }
0x42: {  	[sflag:s3] =	ssyncadd.s32 @!p0 $0xFFFFC400  }
0x43: {  	[spmem:s10] =	stream.linear.scatter @!p0 [tilespmem:s1], [sflag:$0x1], $0x3C00, $0x38;
	[tilespmem:$0x1E080] =	vst v63  }
0x44: {  	_ =	swait.ge @!p0 [sflag:s3], $0x3C00  }
0x45: {  	[sflag:s3] =	ssyncset.done @!p0 $0x0  }
0x46: {  	[sflag:s3] =	ssyncadd.s32 @!p0 $0xFFFFC400  }
0x47: {  	[spmem:s11] =	stream.linear.scatter @!p0 [tilespmem:s1], [sflag:$0x1], $0xC00, $0x38;
	[tilespmem:$0x1E080] =	vst v63  }
0x48: {  	_ =	swait.ge @!p0 [sflag:s3], $0xC00  }
0x49: {  	[sflag:s3] =	ssyncset.done @!p0 $0x0  }
0x4a: {  	[sflag:s3] =	ssyncadd.s32 @!p0 $0xFFFFF400  }
0x4b: {  	s3 =	rddreg [dreg:$0x1]  }
0x4c: {  	[tilespmem:s26], [sflag:$0x1] =	stream.linear.gather [hbm4b:s3+s4], $0x3E80, $0x38;
	[tilespmem:$0x1E080] =	vst v63  }
0x4d: {  	_ =	swait.ge [sflag:s28], $0x3E80  }
0x4e: {  	[sflag:s28] =	ssyncset.done $0x0  }
0x4f: {  	[sflag:s28] =	ssyncadd.s32 $0xFFFFC180  }
0x50: {  	[tilespmem:s29], [sflag:$0x1] =	stream.linear.gather [hbm4b:s23+s4], $0x3E80, $0x38;
	[tilespmem:$0x1E080] =	vst v63  }
0x51: {  	_ =	swait.ge [sflag:s28], $0x3E80  }
0x52: {  	[sflag:s28] =	ssyncset.done $0x0  }
0x53: {  	[sflag:s28] =	ssyncadd.s32 $0xFFFFC180  }
0x54: {  	[bflag:$0x0] =	sbarrier.arrive $0xFFFF  }
0x55: {  	[tilespmem:s4], [sflag:$0x1] =	stream.linear.gather [hbm4b:s17+s4], $0x1400, $0x38;
	[tilespmem:$0x1E080] =	vst v63  }
0x56: {  	_ =	swait.ge [sflag:s28], $0x1400  }
0x57: {  	[sflag:s28] =	ssyncset.done $0x0  }
0x58: {  	[sflag:s28] =	ssyncadd.s32 $0xFFFFEC00  }
0x59: {  	[tilespmem:s30], [sflag:$0x1] =	stream.linear.gather [hbm4b:s18+s4], $0x1400, $0x38;
	[tilespmem:$0x1E080] =	vst v63  }
0x5a: {  	_ =	swait.ge [sflag:s28], $0x1400  }
0x5b: {  	[sflag:s28] =	ssyncset.done $0x0  }
0x5c: {  	s5 =	simm.s32 $0x0;
	[sflag:s28] =	ssyncadd.s32 $0xFFFFEC00  }
0x5d: {  	[spmem:s2] =	stream.indirect.scatter.add.f32 [tilespmem:s26], [sflag:$0x1], $0x80, s5, s31, $0xb8;
	[tilespmem:$0x1E080] =	vst v63  }
0x5e: {  	_ =	swait.ge [sflag:s28], $0x3E80  }
0x5f: {  	[sflag:s28] =	ssyncset.done $0x0  }
0x60: {  	s7 =	simm.s32 $0x1400;
	[sflag:s28] =	ssyncadd.s32 $0xFFFFC180  }
0x61: {  	[spmem:s2] =	stream.indirect.scatter.add.f32 [tilespmem:s29], [sflag:$0x1], $0x80, s7, s31, $0xb8;
	[tilespmem:$0x1E080] =	vst v63  }
0x62: {  	_ =	swait.ge [sflag:s28], $0x3E80  }
0x63: {  	s1 =	simm.s32 $0x200;
	s3 =	simm.s32 $0x400;
	[sflag:s28] =	ssyncset.done $0x0  }
.LBB2_2:
0x64: {  	s5 =	sshra.s32 s1, $0x2  }
0x65: {  	[sflag:s28] =	ssyncadd.s32 $0xFFFFC180;
	s1 =	smov.u32 s3;
	s7 =	sadd.s32 $0x200, s3  }
0x66: {  	[spmem:s2] =	stream.indirect.scatter.add.f32 [tilespmem:s26], [sflag:$0x1], $0x80, s5, s31, $0xb8;
	[tilespmem:$0x1E080] =	vst v63  }
0x67: {  	p1 =	sne.s32 s3, $0x4E00;
	_ =	swait.ge [sflag:s28], $0x3E80  }
.Ltmp0:
0x68: {  	[sflag:s28] =	ssyncset.done $0x0;
	(pc) =	sbr.rel @p1 .LBB2_2-.Ltmp0, $4  }
0x69: {  	s3 =	sadd.s32 $0x1400, s5;
	[sflag:s28] =	ssyncadd.s32 $0xFFFFC180  }
0x6a: {  	[spmem:s2] =	stream.indirect.scatter.add.f32 [tilespmem:s29], [sflag:$0x1], $0x80, s3, s31, $0xb8;
	[tilespmem:$0x1E080] =	vst v63  }
0x6b: {  	_ =	swait.ge [sflag:s28], $0x3E80  }
0x6c: {  	s3 =	smov.u32 s7;
	[sflag:s28] =	ssyncset.done $0x0  }
0x6d: {  	s1 =	sshra.s32 s1, $0x2;
	[sflag:s28] =	ssyncadd.s32 $0xFFFFC180  }
0x6e: {  	[spmem:s2] =	stream.indirect.scatter.add.f32 [tilespmem:s26], [sflag:$0x1], $0x80, s1, s31, $0xb8;
	[tilespmem:$0x1E080] =	vst v63  }
0x6f: {  	_ =	swait.ge [sflag:s28], $0x3E80  }
0x70: {  	[sflag:s28] =	ssyncset.done $0x0  }
0x71: {  	s1 =	sadd.s32 $0x1400, s1;
	[sflag:s28] =	ssyncadd.s32 $0xFFFFC180  }
0x72: {  	[spmem:s2] =	stream.indirect.scatter.add.f32 [tilespmem:s29], [sflag:$0x1], $0x80, s1, s31, $0xb8;
	[tilespmem:$0x1E080] =	vst v63  }
0x73: {  	_ =	swait.ge [sflag:s28], $0x3E80  }
0x74: {  	[sflag:s28] =	ssyncset.done $0x0  }
0x75: {  	s3 =	simm.s32 $0x0;
	[sflag:s28] =	ssyncadd.s32 $0xFFFFC180  }
0x76: {  	[tilespmem:s3], [sflag:$0x1] =	stream.linear.gather [hbm4b:s19+s3], $0x1400, $0x38;
	[tilespmem:$0x1E080] =	vst v63  }
0x77: {  	_ =	swait.ge [sflag:s28], $0x1400  }
0x78: {  	[sflag:s28] =	ssyncset.done $0x0  }
0x79: {  	[sflag:s28] =	ssyncadd.s32 $0xFFFFEC00  }
0x7a: {  	[tilespmem:s30], [sflag:$0x1] =	stream.linear.gather [hbm4b:s20+s3], $0x1400, $0x38;
	[tilespmem:$0x1E080] =	vst v63  }
0x7b: {  	_ =	swait.ge [sflag:s28], $0x1400  }
0x7c: {  	[sflag:s28] =	ssyncset.done $0x0  }
0x7d: {  	s5 =	simm.s32 $0x0;
	[sflag:s28] =	ssyncadd.s32 $0xFFFFEC00  }
0x7e: {  	[spmem:s2] =	stream.indirect.scatter.add.f32 [tilespmem:s26], [sflag:$0x1], $0x80, s5, s31, $0xb8;
	[tilespmem:$0x1E080] =	vst v63  }
0x7f: {  	_ =	swait.ge [sflag:s28], $0x3E80  }
0x80: {  	[sflag:s28] =	ssyncset.done $0x0  }
0x81: {  	s7 =	simm.s32 $0x1400;
	[sflag:s28] =	ssyncadd.s32 $0xFFFFC180  }
0x82: {  	[spmem:s2] =	stream.indirect.scatter.add.f32 [tilespmem:s29], [sflag:$0x1], $0x80, s7, s31, $0xb8;
	[tilespmem:$0x1E080] =	vst v63  }
0x83: {  	_ =	swait.ge [sflag:s28], $0x3E80  }
0x84: {  	s1 =	simm.s32 $0x200;
	s3 =	simm.s32 $0x400;
	[sflag:s28] =	ssyncset.done $0x0  }
.LBB2_4:
0x85: {  	s5 =	sshra.s32 s1, $0x2  }
0x86: {  	[sflag:s28] =	ssyncadd.s32 $0xFFFFC180;
	s1 =	smov.u32 s3;
	s7 =	sadd.s32 $0x200, s3  }
0x87: {  	[spmem:s2] =	stream.indirect.scatter.add.f32 [tilespmem:s26], [sflag:$0x1], $0x80, s5, s31, $0xb8;
	[tilespmem:$0x1E080] =	vst v63  }
0x88: {  	p1 =	sne.s32 s3, $0x4E00;
	_ =	swait.ge [sflag:s28], $0x3E80  }
.Ltmp1:
0x89: {  	[sflag:s28] =	ssyncset.done $0x0;
	(pc) =	sbr.rel @p1 .LBB2_4-.Ltmp1, $4  }
0x8a: {  	s3 =	sadd.s32 $0x1400, s5;
	[sflag:s28] =	ssyncadd.s32 $0xFFFFC180  }
0x8b: {  	[spmem:s2] =	stream.indirect.scatter.add.f32 [tilespmem:s29], [sflag:$0x1], $0x80, s3, s31, $0xb8;
	[tilespmem:$0x1E080] =	vst v63  }
0x8c: {  	_ =	swait.ge [sflag:s28], $0x3E80  }
0x8d: {  	s3 =	smov.u32 s7;
	[sflag:s28] =	ssyncset.done $0x0  }
0x8e: {  	s1 =	sshra.s32 s1, $0x2;
	[sflag:s28] =	ssyncadd.s32 $0xFFFFC180  }
0x8f: {  	[spmem:s2] =	stream.indirect.scatter.add.f32 [tilespmem:s26], [sflag:$0x1], $0x80, s1, s31, $0xb8;
	[tilespmem:$0x1E080] =	vst v63  }
0x90: {  	_ =	swait.ge [sflag:s28], $0x3E80  }
0x91: {  	[sflag:s28] =	ssyncset.done $0x0  }
0x92: {  	s1 =	sadd.s32 $0x1400, s1;
	[sflag:s28] =	ssyncadd.s32 $0xFFFFC180  }
0x93: {  	[spmem:s2] =	stream.indirect.scatter.add.f32 [tilespmem:s29], [sflag:$0x1], $0x80, s1, s31, $0xb8;
	[tilespmem:$0x1E080] =	vst v63  }
0x94: {  	_ =	swait.ge [sflag:s28], $0x3E80  }
0x95: {  	[sflag:s28] =	ssyncset.done $0x0  }
0x96: {  	[sflag:s28] =	ssyncadd.s32 $0xFFFFC180  }
0x97: {  	s3 =	simm.s32 @p0 $0x1FC1;
	s1 =	sshrl.u32 @p0 s12, $0x3;
	[bflag:$0x0] =	sbarrier.arrive $0xFFFF  }
0x98: {  	[hbm:s24], [sflag:s3] =	dma.local @p0 [spmem:s1], $0x2800  }
0x99: {  	s1 =	simm.s32 @p0 $0x1  }
0x9a: {  	s0 =	sadd.s32 $0x1, s0;
	s3 =	stileid.u32;
	_ =	swait.ge @p0 [sflag:s1], $0x2800  }
0x9b: {  	p1 =	sne.s32 s0, s25;
	s3 =	sshll.u32 @!p0 s3, $0x6;
	[sflag:s1] =	ssyncset.done @p0 $0x0  }
0x9c: {  	[sflag:s1] =	ssyncadd.s32 @p0 $0xFFFFD800;
	s1 =	sor.u32 @!p0 $0x1C01, s3;
	s3 =	sshrl.u32 @!p0 s6, $0x3  }
0x9d: {  	[hbm:s22], [sflag:s1] =	dma.local @!p0 [spmem:s3], $0x2700  }
.Ltmp2:
0x9e: {  	_ = 	snop;
	(pc) =	sbr.rel @p1 .LBB2_1-.Ltmp2, $4  }
0x9f: {  	s1 =	simm.s32 @!p0 $0x1  }
0xa0: {  	_ =	swait.ge @!p0 [sflag:s1], $0x2700  }
0xa1: {  	[sflag:s1] =	ssyncset.done @!p0 $0x0  }
0xa2: {  	[sflag:s1] =	ssyncadd.s32 @!p0 $0xFFFFD900  }
0xa3: {  	_ =	sfence.sel $0x180000  }
0xa4: {  	[bflag:$0x0] =	sbarrier.arrive $0xFFFF  }
0xa5: {  	_ =	strace $0x90000047  }
0xa6: {  	s0 =	stileid.u32;
	[bflag:$0x2] =	sbarrier.arrive $0xFFFF  }
0xa7: {  	p0 =	sne.s32 s0, $0x0;
	s0 =	rddreg [dreg:$0x3]  }
0xa8: {  	s0 =	sadd.s32 @!p0 $0x100000, s0  }
0xa9: {  	[sflag:s0] =	ssyncadd.tile.s32 @!p0 $0x1;
	_ =	shalt  }
.Lfunc_end2:
_tile_overlayer_lowered:
.L_overlay_start_2:
0xaa: {  	(tag) =	ssettag $0x2  }
0xab: {  	s0 =	rddreg [dreg:$0x0];
	s2 =	stileid.u32  }
0xac: {  	s1 =	rddreg [dreg:$0x1];
	p0 =	sne.s32 s2, $0x0  }
0xad: {  	s3 =	rddreg [dreg:$0x2];
	[bflag:$0x3] =	sbarrier.arrive $0xFFFF;
	s2 =	simm.s32 @!p0 $0x1C01  }
0xae: {  	[timem:s3], [sflag:s2] =	dma.local @!p0 [hbm:s0], s1  }
0xaf: {  	s0 =	simm.s32 @!p0 $0x1  }
0xb0: {  	_ =	swait.ge @!p0 [sflag:s0], s1  }
0xb1: {  	s1 =	ssub.s32 @!p0 $0x0, s1;
	[sflag:s0] =	ssyncset.done @!p0 $0x0  }
0xb2: {  	[sflag:s0] =	ssyncadd.s32 @!p0 s1  }
0xb3: {  	[bflag:$0x3] =	sbarrier.arrive $0xFFFF  }
0xb4: {  	_ =	shalt  }

</sc_bundles>
